<compile_context>
chip_gen: v7x
topology: tpu7x:2x2x1
jax: 0.10.2.dev20260603
libtpu: 0.0.44.dev20260713+nightly
codegen_flags: <defaults>
</compile_context>

<pallas_src>
import functools

import jax
import jax.numpy as jnp
from jax import lax
from jax.experimental import pallas as pl
from jax.experimental.pallas import tpu as pltpu
from jax.experimental.pallas import tpu_sc as plsc

N = 10000
NPAD = 10240
E = 320000
IN_DIM = 128
HID_DIM = 256
OUT_DIM = 128

NC = 2
NS = 16
BLK = 125
EROWS = E // BLK
ABLK = 125
AROWS = E // ABLK
RPT = NPAD // NS

_mesh = plsc.VectorSubcoreMesh(core_axis_name="c", subcore_axis_name="s")
f32 = jnp.float32


def _sds(shape, dtype=f32):
    return jax.ShapeDtypeStruct(shape, dtype)


def _deg_run(dst_rows, ones_hbm, zeros_hbm, out, idx_v, ones_v, acc, sem,
             s, row0):
    nblk = EROWS // (NC * NS)
    pltpu.sync_copy(zeros_hbm, acc.at[pl.ds(s * RPT, RPT)])
    pltpu.sync_copy(ones_hbm, ones_v)
    pltpu.sync_copy(dst_rows.at[pl.ds(row0, nblk)], idx_v)
    plsc.subcore_barrier()
    DEPTH = 8
    for j in range(DEPTH):
        pltpu.async_copy(ones_v, acc.at[idx_v.at[j]], sem, add=True)

    def blk(j, carry):
        pltpu.async_copy(ones_v, acc.at[idx_v.at[j]], sem, add=True)
        pltpu.make_async_copy(ones_v, acc.at[idx_v.at[j - DEPTH]], sem).wait()
        return carry

    lax.fori_loop(DEPTH, nblk, blk, 0)

    def drain(j, carry):
        pltpu.make_async_copy(ones_v, acc.at[idx_v.at[j]], sem).wait()
        return carry

    lax.fori_loop(nblk - DEPTH, nblk, drain, 0)
    plsc.subcore_barrier()
    sl = pl.ds(s * RPT, RPT)
    pltpu.sync_copy(acc.at[sl], out.at[sl])


def _deg_body(dst_rows, ones_hbm, zeros_hbm, deg0, deg1, idx_v, ones_v, acc,
              sem):
    c = lax.axis_index("c")
    s = lax.axis_index("s")
    nblk = EROWS // (NC * NS)

    @pl.when(c == 0)
    def _():
        _deg_run(dst_rows, ones_hbm, zeros_hbm, deg0, idx_v, ones_v, acc,
                 sem, s, s * nblk)

    @pl.when(c == 1)
    def _():
        _deg_run(dst_rows, ones_hbm, zeros_hbm, deg1, idx_v, ones_v, acc,
                 sem, s, (NS + s) * nblk)


_deg_kernel = functools.partial(
    pl.kernel,
    out_type=(_sds((NPAD, 128)), _sds((NPAD, 128))),
    mesh=_mesh,
    scratch_types=[
        pltpu.VMEM((EROWS // (NC * NS), BLK), jnp.int32),
        pltpu.VMEM((BLK, 128), f32),
        pltpu.VMEM_SHARED((NPAD, 128), f32),
        pltpu.SemaphoreType.DMA,
    ],
)(_deg_body)


ACH1 = 40
ACH2 = 40


def _agg_run(table, out, src_rows, dst_rows, zeros_hbm,
             idx_s, idx_d, bufs, acc, gsem, ssem, s, row0, nblk, ach):
    pltpu.sync_copy(zeros_hbm, acc.at[pl.ds(s * RPT, RPT)])
    plsc.subcore_barrier()

    def _gat(j, buf):
        pltpu.async_copy(table.at[idx_s.at[j]], buf, gsem)

    def _gwait(j, buf):
        pltpu.make_async_copy(table.at[idx_s.at[j]], buf, gsem).wait()

    def _sca(j, buf):
        pltpu.async_copy(buf, acc.at[idx_d.at[j]], ssem, add=True)

    def _swait(j, buf):
        pltpu.make_async_copy(buf, acc.at[idx_d.at[j]], ssem).wait()

    r0b, r1b = bufs

    def chunk(ci, carry):
        r0 = pl.multiple_of(row0 + ci * ach, 8)
        pltpu.sync_copy(src_rows.at[pl.ds(r0, ach)], idx_s)
        pltpu.sync_copy(dst_rows.at[pl.ds(r0, ach)], idx_d)
        _gat(0, r0b)
        _gat(1, r1b)

        def pair(j2, carry2):
            j = j2 * 2
            _gwait(j, r0b)
            _sca(j, r0b)
            _gwait(j + 1, r1b)
            _sca(j + 1, r1b)
            _swait(j, r0b)
            _gat(j + 2, r0b)
            _swait(j + 1, r1b)
            _gat(j + 3, r1b)
            return carry2

        lax.fori_loop(0, ach // 2 - 1, pair, 0)
        je = ach - 2
        _gwait(je, r0b)
        _sca(je, r0b)
        _gwait(je + 1, r1b)
        _sca(je + 1, r1b)
        _swait(je, r0b)
        _swait(je + 1, r1b)
        return carry

    lax.fori_loop(0, nblk // ach, chunk, 0)
    plsc.subcore_barrier()
    sl = pl.ds(s * RPT, RPT)
    pltpu.sync_copy(acc.at[sl], out.at[sl])


def _agg1_body(ya, yb, src_rows, dst_rows, zeros_hbm, za, zb,
               idx_s, idx_d, r0b, r1b, acc, gsem, ssem):
    c = lax.axis_index("c")
    s = lax.axis_index("s")
    bufs = (r0b, r1b)
    nblk = AROWS // NS
    row0 = s * nblk

    @pl.when(c == 0)
    def _():
        _agg_run(ya, za, src_rows, dst_rows, zeros_hbm,
                 idx_s, idx_d, bufs, acc, gsem, ssem, s, row0, nblk, ACH1)

    @pl.when(c == 1)
    def _():
        _agg_run(yb, zb, src_rows, dst_rows, zeros_hbm,
                 idx_s, idx_d, bufs, acc, gsem, ssem, s, row0, nblk, ACH1)


_agg1_kernel = functools.partial(
    pl.kernel,
    out_type=(_sds((NPAD, 128)), _sds((NPAD, 128))),
    mesh=_mesh,
    scratch_types=[
        pltpu.VMEM((ACH1, ABLK), jnp.int32),
        pltpu.VMEM((ACH1, ABLK), jnp.int32),
        pltpu.VMEM((ABLK, 128), f32),
        pltpu.VMEM((ABLK, 128), f32),
        pltpu.VMEM_SHARED((NPAD, 128), f32),
        pltpu.SemaphoreType.DMA,
        pltpu.SemaphoreType.DMA,
    ],
)(_agg1_body)


def _agg2_body(y2, src_rows, dst_rows, zeros_hbm, z0, z1,
               idx_s, idx_d, r0b, r1b, acc, gsem, ssem):
    c = lax.axis_index("c")
    s = lax.axis_index("s")
    bufs = (r0b, r1b)
    nblk = AROWS // (NC * NS)
    row0 = (c * NS + s) * nblk

    @pl.when(c == 0)
    def _():
        _agg_run(y2, z0, src_rows, dst_rows, zeros_hbm,
                 idx_s, idx_d, bufs, acc, gsem, ssem, s, row0, nblk, ACH2)

    @pl.when(c == 1)
    def _():
        _agg_run(y2, z1, src_rows, dst_rows, zeros_hbm,
                 idx_s, idx_d, bufs, acc, gsem, ssem, s, row0, nblk, ACH2)


_agg2_kernel = functools.partial(
    pl.kernel,
    out_type=(_sds((NPAD, 128)), _sds((NPAD, 128))),
    mesh=_mesh,
    scratch_types=[
        pltpu.VMEM((ACH2, ABLK), jnp.int32),
        pltpu.VMEM((ACH2, ABLK), jnp.int32),
        pltpu.VMEM((ABLK, 128), f32),
        pltpu.VMEM((ABLK, 128), f32),
        pltpu.VMEM_SHARED((NPAD, 128), f32),
        pltpu.SemaphoreType.DMA,
        pltpu.SemaphoreType.DMA,
    ],
)(_agg2_body)


RB = 1000
GRID = N // RB


def _dinv(d0_ref, d1_ref):
    deg = d0_ref[:, :1] + d1_ref[:, :1] + 1.0
    return lax.rsqrt(deg)


def _tc1_body(x_ref, d0_ref, d1_ref, w1_ref, ya_ref, yb_ref):
    dinv = _dinv(d0_ref, d1_ref)
    h = jnp.dot(x_ref[...], w1_ref[...], preferred_element_type=f32)
    y = h * dinv
    ya_ref[...] = y[:, :128]
    yb_ref[...] = y[:, 128:]


def _tc2_body(za_ref, zb_ref, ya_ref, yb_ref, d0_ref, d1_ref, w2_ref, b1_ref,
              y2_ref):
    dinv = _dinv(d0_ref, d1_ref)
    b1 = b1_ref[...]
    ha = jnp.maximum(dinv * (za_ref[...] + ya_ref[...]) + b1[:, :128], 0.0)
    hb = jnp.maximum(dinv * (zb_ref[...] + yb_ref[...]) + b1[:, 128:], 0.0)
    h1 = jnp.concatenate([ha, hb], axis=1)
    y2_ref[...] = dinv * jnp.dot(h1, w2_ref[...], preferred_element_type=f32)


def _tc3_body(z0_ref, z1_ref, y2_ref, d0_ref, d1_ref, b2_ref, out_ref):
    dinv = _dinv(d0_ref, d1_ref)
    out_ref[...] = dinv * (z0_ref[...] + z1_ref[...] + y2_ref[...]) + b2_ref[...]


def _row_spec(cols):
    return pl.BlockSpec((RB, cols), lambda i: (i, 0))


def _full_spec(r, c):
    return pl.BlockSpec((r, c), lambda i: (0, 0))


def _tc1(x, d0, d1, W1):
    return pl.pallas_call(
        _tc1_body,
        grid=(GRID,),
        in_specs=[_row_spec(IN_DIM), _row_spec(128), _row_spec(128),
                  _full_spec(IN_DIM, HID_DIM)],
        out_specs=(_row_spec(128), _row_spec(128)),
        out_shape=(_sds((NPAD, 128)), _sds((NPAD, 128))),
    )(x, d0, d1, W1)


def _tc2(za, zb, ya, yb, d0, d1, W2, b1):
    return pl.pallas_call(
        _tc2_body,
        grid=(GRID,),
        in_specs=[_row_spec(128), _row_spec(128), _row_spec(128),
                  _row_spec(128), _row_spec(128), _row_spec(128),
                  _full_spec(HID_DIM, OUT_DIM), _full_spec(1, HID_DIM)],
        out_specs=_row_spec(OUT_DIM),
        out_shape=_sds((NPAD, OUT_DIM)),
    )(za, zb, ya, yb, d0, d1, W2, b1)


def _tc3(z0, z1, y2, d0, d1, b2):
    return pl.pallas_call(
        _tc3_body,
        grid=(GRID,),
        in_specs=[_row_spec(128), _row_spec(128), _row_spec(128),
                  _row_spec(128), _row_spec(128), _full_spec(1, OUT_DIM)],
        out_specs=_row_spec(OUT_DIM),
        out_shape=_sds((N, OUT_DIM)),
    )(z0, z1, y2, d0, d1, b2)


def kernel(x, edge_index, W1, b1, W2, b2):
    src_rows = edge_index[0].reshape(EROWS, BLK)
    dst_rows = edge_index[1].reshape(EROWS, BLK)
    src_rows_a = edge_index[0].reshape(AROWS, ABLK)
    dst_rows_a = edge_index[1].reshape(AROWS, ABLK)
    ones128 = jnp.ones((BLK, 128), f32)
    zeros128 = jnp.zeros((RPT, 128), f32)
    b1r = b1.reshape(1, HID_DIM)
    b2r = b2.reshape(1, OUT_DIM)

    d0, d1 = _deg_kernel(dst_rows, ones128, zeros128)
    ya, yb = _tc1(x, d0, d1, W1)
    za, zb = _agg1_kernel(ya, yb, src_rows_a, dst_rows_a, zeros128)
    y2 = _tc2(za, zb, ya, yb, d0, d1, W2, b1r)
    z0, z1 = _agg2_kernel(y2, src_rows_a, dst_rows_a, zeros128)
    return _tc3(z0, z1, y2, d0, d1, b2r)

# --- scband reference (transcript-rebuilt; emitter-appended) ---
"""Pipeline reference for scband-gnn-26259430047927 (READ-ONLY COPY).

The authoritative reference and input builder live on the scoring server;
editing this copy changes nothing except your own understanding.
"""

import jax, jax.numpy as jnp
import numpy as np

N = 10000
E = 320000
IN_DIM = 128
HID_DIM = 256
OUT_DIM = 128


def setup_inputs(seed: int = 0) -> dict:
    key = jax.random.key(seed)
    k1, k2, k3, k4, k5, k6 = jax.random.split(key, 6)
    x = jax.random.normal(k1, (N, IN_DIM), dtype=jnp.float32)
    edge_index = jax.random.randint(k2, (2, E), 0, N, dtype=jnp.int32)
    W1 = jax.random.normal(k3, (IN_DIM, HID_DIM), dtype=jnp.float32) * (1.0 / np.sqrt(IN_DIM))
    b1 = jnp.zeros((HID_DIM,), dtype=jnp.float32)
    W2 = jax.random.normal(k4, (HID_DIM, OUT_DIM), dtype=jnp.float32) * (1.0 / np.sqrt(HID_DIM))
    b2 = jnp.zeros((OUT_DIM,), dtype=jnp.float32)
    return {"x": x, "edge_index": edge_index, "W1": W1, "b1": b1, "W2": W2, "b2": b2}


def _gcn_conv(x, edge_index, W, b):
    # GCNConv: add self-loops, symmetric normalization D^{-1/2}(A+I)D^{-1/2}, then XW + b
    n = x.shape[0]
    loop = jnp.arange(n, dtype=edge_index.dtype)
    src = jnp.concatenate([edge_index[0], loop])
    dst = jnp.concatenate([edge_index[1], loop])
    deg = jnp.zeros((n,), dtype=x.dtype).at[dst].add(1.0)
    dinv = jnp.where(deg > 0, 1.0 / jnp.sqrt(deg), 0.0)
    norm = dinv[src] * dinv[dst]
    h = x @ W
    msg = h[src] * norm[:, None]
    out = jnp.zeros((n, W.shape[1]), dtype=x.dtype).at[dst].add(msg)
    return out + b


def reference(x, edge_index, W1, b1, W2, b2):
    h = _gcn_conv(x, edge_index, W1, b1)
    h = jax.nn.relu(h)
    # dropout is identity in eval mode
    out = _gcn_conv(h, edge_index, W2, b2)
    return out

if __name__ == "__main__":
    import jax
    _d = setup_inputs()
    print(jax.jit(kernel)(*tuple(_d.values())))

</pallas_src>

<mosaic_0001>
#map = affine_map<(d0, d1) -> (0, 0)>
module attributes {stable_mosaic.version = 14 : i64} {
  func.func @_agg1_body(%arg0: i32, %arg1: i32, %arg2: memref<10240x128xf32, #tpu.memory_space<hbm>>, %arg3: memref<10240x128xf32, #tpu.memory_space<hbm>>, %arg4: memref<2560x125xi32, #tpu.memory_space<hbm>>, %arg5: memref<2560x125xi32, #tpu.memory_space<hbm>>, %arg6: memref<640x128xf32, #tpu.memory_space<hbm>>, %arg7: memref<10240x128xf32, #tpu.memory_space<hbm>>, %arg8: memref<10240x128xf32, #tpu.memory_space<hbm>>, %arg9: memref<40x125xi32, #tpu.memory_space<vmem>>, %arg10: memref<40x125xi32, #tpu.memory_space<vmem>>, %arg11: memref<125x128xf32, #tpu.memory_space<vmem>>, %arg12: memref<125x128xf32, #tpu.memory_space<vmem>>, %arg13: memref<10240x128xf32, #tpu.memory_space<vmem_shared>>, %arg14: memref<!tpu.dma_semaphore, #tpu.memory_space<semaphore_mem>>, %arg15: memref<!tpu.dma_semaphore, #tpu.memory_space<semaphore_mem>>) attributes {dimension_semantics = [#tpu.dimension_semantics<core_parallel>, #tpu.dimension_semantics<subcore_parallel>], iteration_bounds = array<i64: 2, 16>, scalar_prefetch = 0 : i64, scratch_operands = 7 : i64, tpu.core_type = #tpu.core_type<sc_vector_subcore>, window_params = [{transform_indices = #map}, {transform_indices = #map}, {transform_indices = #map}, {transform_indices = #map}, {transform_indices = #map}, {transform_indices = #map}, {transform_indices = #map}]} {
    %mul3A = arith.constant 160 : i32
    %mul3A_0 = arith.muli %arg1, %mul3A : i32
    %eq3A = arith.constant 0 : i32
    %eq3A_1 = arith.cmpi eq, %arg0, %eq3A : i32
    %convert_element_type3A = arith.extui %eq3A_1 : i1 to i32
    %cond3A = arith.constant 0 : i32
    %cond3A_2 = arith.cmpi ne, %convert_element_type3A, %cond3A : i32
    scf.if %cond3A_2 {
      %mul3A_8 = arith.constant 640 : i32
      %mul3A_9 = arith.muli %arg1, %mul3A_8 : i32
      "tpu.region"() ({
        %run_scoped3A = tpu.sem_alloc : memref<!tpu.dma_semaphore, #tpu.memory_space<semaphore_mem>>
        %dma_start3A = arith.constant 0 : i32
        %dma_start3A_18 = tpu.memref_slice %arg13[%mul3A_9, %dma_start3A] : memref<10240x128xf32, #tpu.memory_space<vmem_shared>> -> memref<640x128xf32, #tpu.memory_space<vmem_shared>>
        tpu.enqueue_dma source(%arg6 : memref<640x128xf32, #tpu.memory_space<hbm>>) target(%dma_start3A_18 : memref<640x128xf32, #tpu.memory_space<vmem_shared>>) target_semaphore(%run_scoped3A : memref<!tpu.dma_semaphore, #tpu.memory_space<semaphore_mem>>)
        %dma_wait3A = arith.constant 0 : i32
        %dma_wait3A_19 = tpu.memref_slice %arg13[%mul3A_9, %dma_wait3A] : memref<10240x128xf32, #tpu.memory_space<vmem_shared>> -> memref<640x128xf32, #tpu.memory_space<vmem_shared>>
        tpu.wait_dma2 semaphore(%run_scoped3A : memref<!tpu.dma_semaphore, #tpu.memory_space<semaphore_mem>>) src(%arg6 : memref<640x128xf32, #tpu.memory_space<hbm>>) dst(%dma_wait3A_19 : memref<640x128xf32, #tpu.memory_space<vmem_shared>>)
        tpu.yield
      }) : () -> ()
      %barrier3A = arith.constant 0 : index
      tpu.barrier barrier_id(%barrier3A)
      %scan3A = arith.constant 0 : i32
      %scan3A_10 = arith.constant 0 : i32
      %scan3A_11 = arith.constant 4 : i32
      %scan3A_12 = arith.addi %scan3A_10, %scan3A_11 : i32
      %scan3A_13 = arith.constant 1 : i32
      scf.for %scan3A_18 = %scan3A_10 to %scan3A_12 step %scan3A_13  : i32 {
        %mul3A_19 = arith.constant 40 : i32
        %mul3A_20 = arith.muli %scan3A_18, %mul3A_19 : i32
        %add3A = arith.addi %mul3A_0, %mul3A_20 : i32
        %multiple_of3A = tpu.assume_multiple %add3A, 8 : i32
        "tpu.region"() ({
          %run_scoped3A = tpu.sem_alloc : memref<!tpu.dma_semaphore, #tpu.memory_space<semaphore_mem>>
          %dma_start3A_81 = arith.constant 0 : i32
          %dma_start3A_82 = tpu.memref_slice %arg4[%multiple_of3A, %dma_start3A_81] : memref<2560x125xi32, #tpu.memory_space<hbm>> -> memref<40x125xi32, #tpu.memory_space<hbm>>
          %dma_start3A_83 = arith.constant 0 : i32
          %dma_start3A_84 = tpu.memref_slice %arg4[%multiple_of3A, %dma_start3A_83] : memref<2560x125xi32, #tpu.memory_space<hbm>> -> memref<40x125xi32, #tpu.memory_space<hbm>>
          tpu.enqueue_dma source(%dma_start3A_84 : memref<40x125xi32, #tpu.memory_space<hbm>>) target(%arg9 : memref<40x125xi32, #tpu.memory_space<vmem>>) target_semaphore(%run_scoped3A : memref<!tpu.dma_semaphore, #tpu.memory_space<semaphore_mem>>)
          %dma_wait3A_85 = arith.constant 0 : i32
          %dma_wait3A_86 = tpu.memref_slice %arg4[%multiple_of3A, %dma_wait3A_85] : memref<2560x125xi32, #tpu.memory_space<hbm>> -> memref<40x125xi32, #tpu.memory_space<hbm>>
          %dma_wait3A_87 = arith.constant 0 : i32
          %dma_wait3A_88 = tpu.memref_slice %arg4[%multiple_of3A, %dma_wait3A_87] : memref<2560x125xi32, #tpu.memory_space<hbm>> -> memref<40x125xi32, #tpu.memory_space<hbm>>
          tpu.wait_dma2 semaphore(%run_scoped3A : memref<!tpu.dma_semaphore, #tpu.memory_space<semaphore_mem>>) src(%dma_wait3A_88 : memref<40x125xi32, #tpu.memory_space<hbm>>) dst(%arg9 : memref<40x125xi32, #tpu.memory_space<vmem>>)
          tpu.yield
        }) : () -> ()
        "tpu.region"() ({
          %run_scoped3A = tpu.sem_alloc : memref<!tpu.dma_semaphore, #tpu.memory_space<semaphore_mem>>
          %dma_start3A_81 = arith.constant 0 : i32
          %dma_start3A_82 = tpu.memref_slice %arg5[%multiple_of3A, %dma_start3A_81] : memref<2560x125xi32, #tpu.memory_space<hbm>> -> memref<40x125xi32, #tpu.memory_space<hbm>>
          %dma_start3A_83 = arith.constant 0 : i32
          %dma_start3A_84 = tpu.memref_slice %arg5[%multiple_of3A, %dma_start3A_83] : memref<2560x125xi32, #tpu.memory_space<hbm>> -> memref<40x125xi32, #tpu.memory_space<hbm>>
          tpu.enqueue_dma source(%dma_start3A_84 : memref<40x125xi32, #tpu.memory_space<hbm>>) target(%arg10 : memref<40x125xi32, #tpu.memory_space<vmem>>) target_semaphore(%run_scoped3A : memref<!tpu.dma_semaphore, #tpu.memory_space<semaphore_mem>>)
          %dma_wait3A_85 = arith.constant 0 : i32
          %dma_wait3A_86 = tpu.memref_slice %arg5[%multiple_of3A, %dma_wait3A_85] : memref<2560x125xi32, #tpu.memory_space<hbm>> -> memref<40x125xi32, #tpu.memory_space<hbm>>
          %dma_wait3A_87 = arith.constant 0 : i32
          %dma_wait3A_88 = tpu.memref_slice %arg5[%multiple_of3A, %dma_wait3A_87] : memref<2560x125xi32, #tpu.memory_space<hbm>> -> memref<40x125xi32, #tpu.memory_space<hbm>>
          tpu.wait_dma2 semaphore(%run_scoped3A : memref<!tpu.dma_semaphore, #tpu.memory_space<semaphore_mem>>) src(%dma_wait3A_88 : memref<40x125xi32, #tpu.memory_space<hbm>>) dst(%arg10 : memref<40x125xi32, #tpu.memory_space<vmem>>)
          tpu.yield
        }) : () -> ()
        %dma_start3A = arith.constant 0 : i32
        %dma_start3A_21 = arith.constant 0 : i32
        %dma_start3A_22 = tpu.memref_slice %arg9[%dma_start3A, %dma_start3A_21] : memref<40x125xi32, #tpu.memory_space<vmem>> -> memref<1x125xi32, #tpu.memory_space<vmem>>
        %dma_start3A_23 = tpu.memref_squeeze %dma_start3A_22 : memref<1x125xi32, #tpu.memory_space<vmem>> -> memref<125xi32, #tpu.memory_space<vmem>>
        %dma_start3A_24 = arith.constant 0 : i32
        %dma_start3A_25 = arith.constant 0 : i32
        %dma_start3A_26 = tpu.memref_slice %arg2[%dma_start3A_24, %dma_start3A_25] : memref<10240x128xf32, #tpu.memory_space<hbm>> -> memref<10240x128xf32, #tpu.memory_space<hbm>>
        tpu.enqueue_indirect_dma source(%dma_start3A_26 : memref<10240x128xf32, #tpu.memory_space<hbm>>) target(%arg11 : memref<125x128xf32, #tpu.memory_space<vmem>>) offsets(%dma_start3A_23 : memref<125xi32, #tpu.memory_space<vmem>>) semaphore(%arg14 : memref<!tpu.dma_semaphore, #tpu.memory_space<semaphore_mem>>)
        %dma_start3A_27 = arith.constant 1 : i32
        %dma_start3A_28 = arith.constant 0 : i32
        %dma_start3A_29 = tpu.memref_slice %arg9[%dma_start3A_27, %dma_start3A_28] : memref<40x125xi32, #tpu.memory_space<vmem>> -> memref<1x125xi32, #tpu.memory_space<vmem>>
        %dma_start3A_30 = tpu.memref_squeeze %dma_start3A_29 : memref<1x125xi32, #tpu.memory_space<vmem>> -> memref<125xi32, #tpu.memory_space<vmem>>
        %dma_start3A_31 = arith.constant 0 : i32
        %dma_start3A_32 = arith.constant 0 : i32
        %dma_start3A_33 = tpu.memref_slice %arg2[%dma_start3A_31, %dma_start3A_32] : memref<10240x128xf32, #tpu.memory_space<hbm>> -> memref<10240x128xf32, #tpu.memory_space<hbm>>
        tpu.enqueue_indirect_dma source(%dma_start3A_33 : memref<10240x128xf32, #tpu.memory_space<hbm>>) target(%arg12 : memref<125x128xf32, #tpu.memory_space<vmem>>) offsets(%dma_start3A_30 : memref<125xi32, #tpu.memory_space<vmem>>) semaphore(%arg14 : memref<!tpu.dma_semaphore, #tpu.memory_space<semaphore_mem>>)
        %scan3A_34 = arith.constant 0 : i32
        %scan3A_35 = arith.constant 0 : i32
        %scan3A_36 = arith.constant 19 : i32
        %scan3A_37 = arith.addi %scan3A_35, %scan3A_36 : i32
        %scan3A_38 = arith.constant 1 : i32
        scf.for %scan3A_81 = %scan3A_35 to %scan3A_37 step %scan3A_38  : i32 {
          %mul3A_82 = arith.constant 2 : i32
          %mul3A_83 = arith.muli %scan3A_81, %mul3A_82 : i32
          %dma_wait3A_84 = arith.constant 0 : i32
          %dma_wait3A_85 = tpu.memref_slice %arg9[%mul3A_83, %dma_wait3A_84] : memref<40x125xi32, #tpu.memory_space<vmem>> -> memref<1x125xi32, #tpu.memory_space<vmem>>
          %dma_wait3A_86 = tpu.memref_squeeze %dma_wait3A_85 : memref<1x125xi32, #tpu.memory_space<vmem>> -> memref<125xi32, #tpu.memory_space<vmem>>
          %dma_wait3A_87 = arith.constant 0 : i32
          %dma_wait3A_88 = arith.constant 0 : i32
          %dma_wait3A_89 = tpu.memref_slice %arg2[%dma_wait3A_87, %dma_wait3A_88] : memref<10240x128xf32, #tpu.memory_space<hbm>> -> memref<10240x128xf32, #tpu.memory_space<hbm>>
          tpu.wait_indirect_dma semaphore(%arg14 : memref<!tpu.dma_semaphore, #tpu.memory_space<semaphore_mem>>) src(%dma_wait3A_89 : memref<10240x128xf32, #tpu.memory_space<hbm>>) dst(%arg11 : memref<125x128xf32, #tpu.memory_space<vmem>>)
          %dma_start3A_90 = arith.constant 0 : i32
          %dma_start3A_91 = tpu.memref_slice %arg10[%mul3A_83, %dma_start3A_90] : memref<40x125xi32, #tpu.memory_space<vmem>> -> memref<1x125xi32, #tpu.memory_space<vmem>>
          %dma_start3A_92 = tpu.memref_squeeze %dma_start3A_91 : memref<1x125xi32, #tpu.memory_space<vmem>> -> memref<125xi32, #tpu.memory_space<vmem>>
          %dma_start3A_93 = arith.constant 0 : i32
          %dma_start3A_94 = arith.constant 0 : i32
          %dma_start3A_95 = tpu.memref_slice %arg13[%dma_start3A_93, %dma_start3A_94] : memref<10240x128xf32, #tpu.memory_space<vmem_shared>> -> memref<10240x128xf32, #tpu.memory_space<vmem_shared>>
          tpu.enqueue_indirect_dma source(%arg11 : memref<125x128xf32, #tpu.memory_space<vmem>>) target(%dma_start3A_95 : memref<10240x128xf32, #tpu.memory_space<vmem_shared>>) offsets(%dma_start3A_92 : memref<125xi32, #tpu.memory_space<vmem>>) semaphore(%arg15 : memref<!tpu.dma_semaphore, #tpu.memory_space<semaphore_mem>>) {add = true}
          %add3A_96 = arith.constant 1 : i32
          %add3A_97 = arith.addi %mul3A_83, %add3A_96 : i32
          %dma_wait3A_98 = arith.constant 0 : i32
          %dma_wait3A_99 = tpu.memref_slice %arg9[%add3A_97, %dma_wait3A_98] : memref<40x125xi32, #tpu.memory_space<vmem>> -> memref<1x125xi32, #tpu.memory_space<vmem>>
          %dma_wait3A_100 = tpu.memref_squeeze %dma_wait3A_99 : memref<1x125xi32, #tpu.memory_space<vmem>> -> memref<125xi32, #tpu.memory_space<vmem>>
          %dma_wait3A_101 = arith.constant 0 : i32
          %dma_wait3A_102 = arith.constant 0 : i32
          %dma_wait3A_103 = tpu.memref_slice %arg2[%dma_wait3A_101, %dma_wait3A_102] : memref<10240x128xf32, #tpu.memory_space<hbm>> -> memref<10240x128xf32, #tpu.memory_space<hbm>>
          tpu.wait_indirect_dma semaphore(%arg14 : memref<!tpu.dma_semaphore, #tpu.memory_space<semaphore_mem>>) src(%dma_wait3A_103 : memref<10240x128xf32, #tpu.memory_space<hbm>>) dst(%arg12 : memref<125x128xf32, #tpu.memory_space<vmem>>)
          %add3A_104 = arith.constant 1 : i32
          %add3A_105 = arith.addi %mul3A_83, %add3A_104 : i32
          %dma_start3A_106 = arith.constant 0 : i32
          %dma_start3A_107 = tpu.memref_slice %arg10[%add3A_105, %dma_start3A_106] : memref<40x125xi32, #tpu.memory_space<vmem>> -> memref<1x125xi32, #tpu.memory_space<vmem>>
          %dma_start3A_108 = tpu.memref_squeeze %dma_start3A_107 : memref<1x125xi32, #tpu.memory_space<vmem>> -> memref<125xi32, #tpu.memory_space<vmem>>
          %dma_start3A_109 = arith.constant 0 : i32
          %dma_start3A_110 = arith.constant 0 : i32
          %dma_start3A_111 = tpu.memref_slice %arg13[%dma_start3A_109, %dma_start3A_110] : memref<10240x128xf32, #tpu.memory_space<vmem_shared>> -> memref<10240x128xf32, #tpu.memory_space<vmem_shared>>
          tpu.enqueue_indirect_dma source(%arg12 : memref<125x128xf32, #tpu.memory_space<vmem>>) target(%dma_start3A_111 : memref<10240x128xf32, #tpu.memory_space<vmem_shared>>) offsets(%dma_start3A_108 : memref<125xi32, #tpu.memory_space<vmem>>) semaphore(%arg15 : memref<!tpu.dma_semaphore, #tpu.memory_space<semaphore_mem>>) {add = true}
          %dma_wait3A_112 = arith.constant 0 : i32
          %dma_wait3A_113 = tpu.memref_slice %arg10[%mul3A_83, %dma_wait3A_112] : memref<40x125xi32, #tpu.memory_space<vmem>> -> memref<1x125xi32, #tpu.memory_space<vmem>>
          %dma_wait3A_114 = tpu.memref_squeeze %dma_wait3A_113 : memref<1x125xi32, #tpu.memory_space<vmem>> -> memref<125xi32, #tpu.memory_space<vmem>>
          %dma_wait3A_115 = arith.constant 0 : i32
          %dma_wait3A_116 = arith.constant 0 : i32
          %dma_wait3A_117 = tpu.memref_slice %arg13[%dma_wait3A_115, %dma_wait3A_116] : memref<10240x128xf32, #tpu.memory_space<vmem_shared>> -> memref<10240x128xf32, #tpu.memory_space<vmem_shared>>
          tpu.wait_indirect_dma semaphore(%arg15 : memref<!tpu.dma_semaphore, #tpu.memory_space<semaphore_mem>>) src(%arg11 : memref<125x128xf32, #tpu.memory_space<vmem>>) dst(%dma_wait3A_117 : memref<10240x128xf32, #tpu.memory_space<vmem_shared>>)
          %add3A_118 = arith.constant 2 : i32
          %add3A_119 = arith.addi %mul3A_83, %add3A_118 : i32
          %dma_start3A_120 = arith.constant 0 : i32
          %dma_start3A_121 = tpu.memref_slice %arg9[%add3A_119, %dma_start3A_120] : memref<40x125xi32, #tpu.memory_space<vmem>> -> memref<1x125xi32, #tpu.memory_space<vmem>>
          %dma_start3A_122 = tpu.memref_squeeze %dma_start3A_121 : memref<1x125xi32, #tpu.memory_space<vmem>> -> memref<125xi32, #tpu.memory_space<vmem>>
          %dma_start3A_123 = arith.constant 0 : i32
          %dma_start3A_124 = arith.constant 0 : i32
          %dma_start3A_125 = tpu.memref_slice %arg2[%dma_start3A_123, %dma_start3A_124] : memref<10240x128xf32, #tpu.memory_space<hbm>> -> memref<10240x128xf32, #tpu.memory_space<hbm>>
          tpu.enqueue_indirect_dma source(%dma_start3A_125 : memref<10240x128xf32, #tpu.memory_space<hbm>>) target(%arg11 : memref<125x128xf32, #tpu.memory_space<vmem>>) offsets(%dma_start3A_122 : memref<125xi32, #tpu.memory_space<vmem>>) semaphore(%arg14 : memref<!tpu.dma_semaphore, #tpu.memory_space<semaphore_mem>>)
          %add3A_126 = arith.constant 1 : i32
          %add3A_127 = arith.addi %mul3A_83, %add3A_126 : i32
          %dma_wait3A_128 = arith.constant 0 : i32
          %dma_wait3A_129 = tpu.memref_slice %arg10[%add3A_127, %dma_wait3A_128] : memref<40x125xi32, #tpu.memory_space<vmem>> -> memref<1x125xi32, #tpu.memory_space<vmem>>
          %dma_wait3A_130 = tpu.memref_squeeze %dma_wait3A_129 : memref<1x125xi32, #tpu.memory_space<vmem>> -> memref<125xi32, #tpu.memory_space<vmem>>
          %dma_wait3A_131 = arith.constant 0 : i32
          %dma_wait3A_132 = arith.constant 0 : i32
          %dma_wait3A_133 = tpu.memref_slice %arg13[%dma_wait3A_131, %dma_wait3A_132] : memref<10240x128xf32, #tpu.memory_space<vmem_shared>> -> memref<10240x128xf32, #tpu.memory_space<vmem_shared>>
          tpu.wait_indirect_dma semaphore(%arg15 : memref<!tpu.dma_semaphore, #tpu.memory_space<semaphore_mem>>) src(%arg12 : memref<125x128xf32, #tpu.memory_space<vmem>>) dst(%dma_wait3A_133 : memref<10240x128xf32, #tpu.memory_space<vmem_shared>>)
          %add3A_134 = arith.constant 3 : i32
          %add3A_135 = arith.addi %mul3A_83, %add3A_134 : i32
          %dma_start3A_136 = arith.constant 0 : i32
          %dma_start3A_137 = tpu.memref_slice %arg9[%add3A_135, %dma_start3A_136] : memref<40x125xi32, #tpu.memory_space<vmem>> -> memref<1x125xi32, #tpu.memory_space<vmem>>
          %dma_start3A_138 = tpu.memref_squeeze %dma_start3A_137 : memref<1x125xi32, #tpu.memory_space<vmem>> -> memref<125xi32, #tpu.memory_space<vmem>>
          %dma_start3A_139 = arith.constant 0 : i32
          %dma_start3A_140 = arith.constant 0 : i32
          %dma_start3A_141 = tpu.memref_slice %arg2[%dma_start3A_139, %dma_start3A_140] : memref<10240x128xf32, #tpu.memory_space<hbm>> -> memref<10240x128xf32, #tpu.memory_space<hbm>>
          tpu.enqueue_indirect_dma source(%dma_start3A_141 : memref<10240x128xf32, #tpu.memory_space<hbm>>) target(%arg12 : memref<125x128xf32, #tpu.memory_space<vmem>>) offsets(%dma_start3A_138 : memref<125xi32, #tpu.memory_space<vmem>>) semaphore(%arg14 : memref<!tpu.dma_semaphore, #tpu.memory_space<semaphore_mem>>)
        }
        %scan3A_39 = arith.constant 19 : i32
        %dma_wait3A = arith.constant 38 : i32
        %dma_wait3A_40 = arith.constant 0 : i32
        %dma_wait3A_41 = tpu.memref_slice %arg9[%dma_wait3A, %dma_wait3A_40] : memref<40x125xi32, #tpu.memory_space<vmem>> -> memref<1x125xi32, #tpu.memory_space<vmem>>
        %dma_wait3A_42 = tpu.memref_squeeze %dma_wait3A_41 : memref<1x125xi32, #tpu.memory_space<vmem>> -> memref<125xi32, #tpu.memory_space<vmem>>
        %dma_wait3A_43 = arith.constant 0 : i32
        %dma_wait3A_44 = arith.constant 0 : i32
        %dma_wait3A_45 = tpu.memref_slice %arg2[%dma_wait3A_43, %dma_wait3A_44] : memref<10240x128xf32, #tpu.memory_space<hbm>> -> memref<10240x128xf32, #tpu.memory_space<hbm>>
        tpu.wait_indirect_dma semaphore(%arg14 : memref<!tpu.dma_semaphore, #tpu.memory_space<semaphore_mem>>) src(%dma_wait3A_45 : memref<10240x128xf32, #tpu.memory_space<hbm>>) dst(%arg11 : memref<125x128xf32, #tpu.memory_space<vmem>>)
        %dma_start3A_46 = arith.constant 38 : i32
        %dma_start3A_47 = arith.constant 0 : i32
        %dma_start3A_48 = tpu.memref_slice %arg10[%dma_start3A_46, %dma_start3A_47] : memref<40x125xi32, #tpu.memory_space<vmem>> -> memref<1x125xi32, #tpu.memory_space<vmem>>
        %dma_start3A_49 = tpu.memref_squeeze %dma_start3A_48 : memref<1x125xi32, #tpu.memory_space<vmem>> -> memref<125xi32, #tpu.memory_space<vmem>>
        %dma_start3A_50 = arith.constant 0 : i32
        %dma_start3A_51 = arith.constant 0 : i32
        %dma_start3A_52 = tpu.memref_slice %arg13[%dma_start3A_50, %dma_start3A_51] : memref<10240x128xf32, #tpu.memory_space<vmem_shared>> -> memref<10240x128xf32, #tpu.memory_space<vmem_shared>>
        tpu.enqueue_indirect_dma source(%arg11 : memref<125x128xf32, #tpu.memory_space<vmem>>) target(%dma_start3A_52 : memref<10240x128xf32, #tpu.memory_space<vmem_shared>>) offsets(%dma_start3A_49 : memref<125xi32, #tpu.memory_space<vmem>>) semaphore(%arg15 : memref<!tpu.dma_semaphore, #tpu.memory_space<semaphore_mem>>) {add = true}
        %dma_wait3A_53 = arith.constant 39 : i32
        %dma_wait3A_54 = arith.constant 0 : i32
        %dma_wait3A_55 = tpu.memref_slice %arg9[%dma_wait3A_53, %dma_wait3A_54] : memref<40x125xi32, #tpu.memory_space<vmem>> -> memref<1x125xi32, #tpu.memory_space<vmem>>
        %dma_wait3A_56 = tpu.memref_squeeze %dma_wait3A_55 : memref<1x125xi32, #tpu.memory_space<vmem>> -> memref<125xi32, #tpu.memory_space<vmem>>
        %dma_wait3A_57 = arith.constant 0 : i32
        %dma_wait3A_58 = arith.constant 0 : i32
        %dma_wait3A_59 = tpu.memref_slice %arg2[%dma_wait3A_57, %dma_wait3A_58] : memref<10240x128xf32, #tpu.memory_space<hbm>> -> memref<10240x128xf32, #tpu.memory_space<hbm>>
        tpu.wait_indirect_dma semaphore(%arg14 : memref<!tpu.dma_semaphore, #tpu.memory_space<semaphore_mem>>) src(%dma_wait3A_59 : memref<10240x128xf32, #tpu.memory_space<hbm>>) dst(%arg12 : memref<125x128xf32, #tpu.memory_space<vmem>>)
        %dma_start3A_60 = arith.constant 39 : i32
        %dma_start3A_61 = arith.constant 0 : i32
        %dma_start3A_62 = tpu.memref_slice %arg10[%dma_start3A_60, %dma_start3A_61] : memref<40x125xi32, #tpu.memory_space<vmem>> -> memref<1x125xi32, #tpu.memory_space<vmem>>
        %dma_start3A_63 = tpu.memref_squeeze %dma_start3A_62 : memref<1x125xi32, #tpu.memory_space<vmem>> -> memref<125xi32, #tpu.memory_space<vmem>>
        %dma_start3A_64 = arith.constant 0 : i32
        %dma_start3A_65 = arith.constant 0 : i32
        %dma_start3A_66 = tpu.memref_slice %arg13[%dma_start3A_64, %dma_start3A_65] : memref<10240x128xf32, #tpu.memory_space<vmem_shared>> -> memref<10240x128xf32, #tpu.memory_space<vmem_shared>>
        tpu.enqueue_indirect_dma source(%arg12 : memref<125x128xf32, #tpu.memory_space<vmem>>) target(%dma_start3A_66 : memref<10240x128xf32, #tpu.memory_space<vmem_shared>>) offsets(%dma_start3A_63 : memref<125xi32, #tpu.memory_space<vmem>>) semaphore(%arg15 : memref<!tpu.dma_semaphore, #tpu.memory_space<semaphore_mem>>) {add = true}
        %dma_wait3A_67 = arith.constant 38 : i32
        %dma_wait3A_68 = arith.constant 0 : i32
        %dma_wait3A_69 = tpu.memref_slice %arg10[%dma_wait3A_67, %dma_wait3A_68] : memref<40x125xi32, #tpu.memory_space<vmem>> -> memref<1x125xi32, #tpu.memory_space<vmem>>
        %dma_wait3A_70 = tpu.memref_squeeze %dma_wait3A_69 : memref<1x125xi32, #tpu.memory_space<vmem>> -> memref<125xi32, #tpu.memory_space<vmem>>
        %dma_wait3A_71 = arith.constant 0 : i32
        %dma_wait3A_72 = arith.constant 0 : i32
        %dma_wait3A_73 = tpu.memref_slice %arg13[%dma_wait3A_71, %dma_wait3A_72] : memref<10240x128xf32, #tpu.memory_space<vmem_shared>> -> memref<10240x128xf32, #tpu.memory_space<vmem_shared>>
        tpu.wait_indirect_dma semaphore(%arg15 : memref<!tpu.dma_semaphore, #tpu.memory_space<semaphore_mem>>) src(%arg11 : memref<125x128xf32, #tpu.memory_space<vmem>>) dst(%dma_wait3A_73 : memref<10240x128xf32, #tpu.memory_space<vmem_shared>>)
        %dma_wait3A_74 = arith.constant 39 : i32
        %dma_wait3A_75 = arith.constant 0 : i32
        %dma_wait3A_76 = tpu.memref_slice %arg10[%dma_wait3A_74, %dma_wait3A_75] : memref<40x125xi32, #tpu.memory_space<vmem>> -> memref<1x125xi32, #tpu.memory_space<vmem>>
        %dma_wait3A_77 = tpu.memref_squeeze %dma_wait3A_76 : memref<1x125xi32, #tpu.memory_space<vmem>> -> memref<125xi32, #tpu.memory_space<vmem>>
        %dma_wait3A_78 = arith.constant 0 : i32
        %dma_wait3A_79 = arith.constant 0 : i32
        %dma_wait3A_80 = tpu.memref_slice %arg13[%dma_wait3A_78, %dma_wait3A_79] : memref<10240x128xf32, #tpu.memory_space<vmem_shared>> -> memref<10240x128xf32, #tpu.memory_space<vmem_shared>>
        tpu.wait_indirect_dma semaphore(%arg15 : memref<!tpu.dma_semaphore, #tpu.memory_space<semaphore_mem>>) src(%arg12 : memref<125x128xf32, #tpu.memory_space<vmem>>) dst(%dma_wait3A_80 : memref<10240x128xf32, #tpu.memory_space<vmem_shared>>)
      }
      %scan3A_14 = arith.constant 4 : i32
      %barrier3A_15 = arith.constant 0 : index
      tpu.barrier barrier_id(%barrier3A_15)
      %mul3A_16 = arith.constant 640 : i32
      %mul3A_17 = arith.muli %arg1, %mul3A_16 : i32
      "tpu.region"() ({
        %run_scoped3A = tpu.sem_alloc : memref<!tpu.dma_semaphore, #tpu.memory_space<semaphore_mem>>
        %dma_start3A = arith.constant 0 : i32
        %dma_start3A_18 = tpu.memref_slice %arg7[%mul3A_17, %dma_start3A] : memref<10240x128xf32, #tpu.memory_space<hbm>> -> memref<640x128xf32, #tpu.memory_space<hbm>>
        %dma_start3A_19 = arith.constant 0 : i32
        %dma_start3A_20 = tpu.memref_slice %arg13[%mul3A_17, %dma_start3A_19] : memref<10240x128xf32, #tpu.memory_space<vmem_shared>> -> memref<640x128xf32, #tpu.memory_space<vmem_shared>>
        tpu.enqueue_dma source(%dma_start3A_20 : memref<640x128xf32, #tpu.memory_space<vmem_shared>>) target(%dma_start3A_18 : memref<640x128xf32, #tpu.memory_space<hbm>>) target_semaphore(%run_scoped3A : memref<!tpu.dma_semaphore, #tpu.memory_space<semaphore_mem>>)
        %dma_wait3A = arith.constant 0 : i32
        %dma_wait3A_21 = tpu.memref_slice %arg7[%mul3A_17, %dma_wait3A] : memref<10240x128xf32, #tpu.memory_space<hbm>> -> memref<640x128xf32, #tpu.memory_space<hbm>>
        %dma_wait3A_22 = arith.constant 0 : i32
        %dma_wait3A_23 = tpu.memref_slice %arg13[%mul3A_17, %dma_wait3A_22] : memref<10240x128xf32, #tpu.memory_space<vmem_shared>> -> memref<640x128xf32, #tpu.memory_space<vmem_shared>>
        tpu.wait_dma2 semaphore(%run_scoped3A : memref<!tpu.dma_semaphore, #tpu.memory_space<semaphore_mem>>) src(%dma_wait3A_23 : memref<640x128xf32, #tpu.memory_space<vmem_shared>>) dst(%dma_wait3A_21 : memref<640x128xf32, #tpu.memory_space<hbm>>)
        tpu.yield
      }) : () -> ()
    } else {
    }
    %eq3A_3 = arith.constant 1 : i32
    %eq3A_4 = arith.cmpi eq, %arg0, %eq3A_3 : i32
    %convert_element_type3A_5 = arith.extui %eq3A_4 : i1 to i32
    %cond3A_6 = arith.constant 0 : i32
    %cond3A_7 = arith.cmpi ne, %convert_element_type3A_5, %cond3A_6 : i32
    scf.if %cond3A_7 {
      %mul3A_8 = arith.constant 640 : i32
      %mul3A_9 = arith.muli %arg1, %mul3A_8 : i32
      "tpu.region"() ({
        %run_scoped3A = tpu.sem_alloc : memref<!tpu.dma_semaphore, #tpu.memory_space<semaphore_mem>>
        %dma_start3A = arith.constant 0 : i32
        %dma_start3A_18 = tpu.memref_slice %arg13[%mul3A_9, %dma_start3A] : memref<10240x128xf32, #tpu.memory_space<vmem_shared>> -> memref<640x128xf32, #tpu.memory_space<vmem_shared>>
        tpu.enqueue_dma source(%arg6 : memref<640x128xf32, #tpu.memory_space<hbm>>) target(%dma_start3A_18 : memref<640x128xf32, #tpu.memory_space<vmem_shared>>) target_semaphore(%run_scoped3A : memref<!tpu.dma_semaphore, #tpu.memory_space<semaphore_mem>>)
        %dma_wait3A = arith.constant 0 : i32
        %dma_wait3A_19 = tpu.memref_slice %arg13[%mul3A_9, %dma_wait3A] : memref<10240x128xf32, #tpu.memory_space<vmem_shared>> -> memref<640x128xf32, #tpu.memory_space<vmem_shared>>
        tpu.wait_dma2 semaphore(%run_scoped3A : memref<!tpu.dma_semaphore, #tpu.memory_space<semaphore_mem>>) src(%arg6 : memref<640x128xf32, #tpu.memory_space<hbm>>) dst(%dma_wait3A_19 : memref<640x128xf32, #tpu.memory_space<vmem_shared>>)
        tpu.yield
      }) : () -> ()
      %barrier3A = arith.constant 0 : index
      tpu.barrier barrier_id(%barrier3A)
      %scan3A = arith.constant 0 : i32
      %scan3A_10 = arith.constant 0 : i32
      %scan3A_11 = arith.constant 4 : i32
      %scan3A_12 = arith.addi %scan3A_10, %scan3A_11 : i32
      %scan3A_13 = arith.constant 1 : i32
      scf.for %scan3A_18 = %scan3A_10 to %scan3A_12 step %scan3A_13  : i32 {
        %mul3A_19 = arith.constant 40 : i32
        %mul3A_20 = arith.muli %scan3A_18, %mul3A_19 : i32
        %add3A = arith.addi %mul3A_0, %mul3A_20 : i32
        %multiple_of3A = tpu.assume_multiple %add3A, 8 : i32
        "tpu.region"() ({
          %run_scoped3A = tpu.sem_alloc : memref<!tpu.dma_semaphore, #tpu.memory_space<semaphore_mem>>
          %dma_start3A_81 = arith.constant 0 : i32
          %dma_start3A_82 = tpu.memref_slice %arg4[%multiple_of3A, %dma_start3A_81] : memref<2560x125xi32, #tpu.memory_space<hbm>> -> memref<40x125xi32, #tpu.memory_space<hbm>>
          %dma_start3A_83 = arith.constant 0 : i32
          %dma_start3A_84 = tpu.memref_slice %arg4[%multiple_of3A, %dma_start3A_83] : memref<2560x125xi32, #tpu.memory_space<hbm>> -> memref<40x125xi32, #tpu.memory_space<hbm>>
          tpu.enqueue_dma source(%dma_start3A_84 : memref<40x125xi32, #tpu.memory_space<hbm>>) target(%arg9 : memref<40x125xi32, #tpu.memory_space<vmem>>) target_semaphore(%run_scoped3A : memref<!tpu.dma_semaphore, #tpu.memory_space<semaphore_mem>>)
          %dma_wait3A_85 = arith.constant 0 : i32
          %dma_wait3A_86 = tpu.memref_slice %arg4[%multiple_of3A, %dma_wait3A_85] : memref<2560x125xi32, #tpu.memory_space<hbm>> -> memref<40x125xi32, #tpu.memory_space<hbm>>
          %dma_wait3A_87 = arith.constant 0 : i32
          %dma_wait3A_88 = tpu.memref_slice %arg4[%multiple_of3A, %dma_wait3A_87] : memref<2560x125xi32, #tpu.memory_space<hbm>> -> memref<40x125xi32, #tpu.memory_space<hbm>>
          tpu.wait_dma2 semaphore(%run_scoped3A : memref<!tpu.dma_semaphore, #tpu.memory_space<semaphore_mem>>) src(%dma_wait3A_88 : memref<40x125xi32, #tpu.memory_space<hbm>>) dst(%arg9 : memref<40x125xi32, #tpu.memory_space<vmem>>)
          tpu.yield
        }) : () -> ()
        "tpu.region"() ({
          %run_scoped3A = tpu.sem_alloc : memref<!tpu.dma_semaphore, #tpu.memory_space<semaphore_mem>>
          %dma_start3A_81 = arith.constant 0 : i32
          %dma_start3A_82 = tpu.memref_slice %arg5[%multiple_of3A, %dma_start3A_81] : memref<2560x125xi32, #tpu.memory_space<hbm>> -> memref<40x125xi32, #tpu.memory_space<hbm>>
          %dma_start3A_83 = arith.constant 0 : i32
          %dma_start3A_84 = tpu.memref_slice %arg5[%multiple_of3A, %dma_start3A_83] : memref<2560x125xi32, #tpu.memory_space<hbm>> -> memref<40x125xi32, #tpu.memory_space<hbm>>
          tpu.enqueue_dma source(%dma_start3A_84 : memref<40x125xi32, #tpu.memory_space<hbm>>) target(%arg10 : memref<40x125xi32, #tpu.memory_space<vmem>>) target_semaphore(%run_scoped3A : memref<!tpu.dma_semaphore, #tpu.memory_space<semaphore_mem>>)
          %dma_wait3A_85 = arith.constant 0 : i32
          %dma_wait3A_86 = tpu.memref_slice %arg5[%multiple_of3A, %dma_wait3A_85] : memref<2560x125xi32, #tpu.memory_space<hbm>> -> memref<40x125xi32, #tpu.memory_space<hbm>>
          %dma_wait3A_87 = arith.constant 0 : i32
          %dma_wait3A_88 = tpu.memref_slice %arg5[%multiple_of3A, %dma_wait3A_87] : memref<2560x125xi32, #tpu.memory_space<hbm>> -> memref<40x125xi32, #tpu.memory_space<hbm>>
          tpu.wait_dma2 semaphore(%run_scoped3A : memref<!tpu.dma_semaphore, #tpu.memory_space<semaphore_mem>>) src(%dma_wait3A_88 : memref<40x125xi32, #tpu.memory_space<hbm>>) dst(%arg10 : memref<40x125xi32, #tpu.memory_space<vmem>>)
          tpu.yield
        }) : () -> ()
        %dma_start3A = arith.constant 0 : i32
        %dma_start3A_21 = arith.constant 0 : i32
        %dma_start3A_22 = tpu.memref_slice %arg9[%dma_start3A, %dma_start3A_21] : memref<40x125xi32, #tpu.memory_space<vmem>> -> memref<1x125xi32, #tpu.memory_space<vmem>>
        %dma_start3A_23 = tpu.memref_squeeze %dma_start3A_22 : memref<1x125xi32, #tpu.memory_space<vmem>> -> memref<125xi32, #tpu.memory_space<vmem>>
        %dma_start3A_24 = arith.constant 0 : i32
        %dma_start3A_25 = arith.constant 0 : i32
        %dma_start3A_26 = tpu.memref_slice %arg3[%dma_start3A_24, %dma_start3A_25] : memref<10240x128xf32, #tpu.memory_space<hbm>> -> memref<10240x128xf32, #tpu.memory_space<hbm>>
        tpu.enqueue_indirect_dma source(%dma_start3A_26 : memref<10240x128xf32, #tpu.memory_space<hbm>>) target(%arg11 : memref<125x128xf32, #tpu.memory_space<vmem>>) offsets(%dma_start3A_23 : memref<125xi32, #tpu.memory_space<vmem>>) semaphore(%arg14 : memref<!tpu.dma_semaphore, #tpu.memory_space<semaphore_mem>>)
        %dma_start3A_27 = arith.constant 1 : i32
        %dma_start3A_28 = arith.constant 0 : i32
        %dma_start3A_29 = tpu.memref_slice %arg9[%dma_start3A_27, %dma_start3A_28] : memref<40x125xi32, #tpu.memory_space<vmem>> -> memref<1x125xi32, #tpu.memory_space<vmem>>
        %dma_start3A_30 = tpu.memref_squeeze %dma_start3A_29 : memref<1x125xi32, #tpu.memory_space<vmem>> -> memref<125xi32, #tpu.memory_space<vmem>>
        %dma_start3A_31 = arith.constant 0 : i32
        %dma_start3A_32 = arith.constant 0 : i32
        %dma_start3A_33 = tpu.memref_slice %arg3[%dma_start3A_31, %dma_start3A_32] : memref<10240x128xf32, #tpu.memory_space<hbm>> -> memref<10240x128xf32, #tpu.memory_space<hbm>>
        tpu.enqueue_indirect_dma source(%dma_start3A_33 : memref<10240x128xf32, #tpu.memory_space<hbm>>) target(%arg12 : memref<125x128xf32, #tpu.memory_space<vmem>>) offsets(%dma_start3A_30 : memref<125xi32, #tpu.memory_space<vmem>>) semaphore(%arg14 : memref<!tpu.dma_semaphore, #tpu.memory_space<semaphore_mem>>)
        %scan3A_34 = arith.constant 0 : i32
        %scan3A_35 = arith.constant 0 : i32
        %scan3A_36 = arith.constant 19 : i32
        %scan3A_37 = arith.addi %scan3A_35, %scan3A_36 : i32
        %scan3A_38 = arith.constant 1 : i32
        scf.for %scan3A_81 = %scan3A_35 to %scan3A_37 step %scan3A_38  : i32 {
          %mul3A_82 = arith.constant 2 : i32
          %mul3A_83 = arith.muli %scan3A_81, %mul3A_82 : i32
          %dma_wait3A_84 = arith.constant 0 : i32
          %dma_wait3A_85 = tpu.memref_slice %arg9[%mul3A_83, %dma_wait3A_84] : memref<40x125xi32, #tpu.memory_space<vmem>> -> memref<1x125xi32, #tpu.memory_space<vmem>>
          %dma_wait3A_86 = tpu.memref_squeeze %dma_wait3A_85 : memref<1x125xi32, #tpu.memory_space<vmem>> -> memref<125xi32, #tpu.memory_space<vmem>>
          %dma_wait3A_87 = arith.constant 0 : i32
          %dma_wait3A_88 = arith.constant 0 : i32
          %dma_wait3A_89 = tpu.memref_slice %arg3[%dma_wait3A_87, %dma_wait3A_88] : memref<10240x128xf32, #tpu.memory_space<hbm>> -> memref<10240x128xf32, #tpu.memory_space<hbm>>
          tpu.wait_indirect_dma semaphore(%arg14 : memref<!tpu.dma_semaphore, #tpu.memory_space<semaphore_mem>>) src(%dma_wait3A_89 : memref<10240x128xf32, #tpu.memory_space<hbm>>) dst(%arg11 : memref<125x128xf32, #tpu.memory_space<vmem>>)
          %dma_start3A_90 = arith.constant 0 : i32
          %dma_start3A_91 = tpu.memref_slice %arg10[%mul3A_83, %dma_start3A_90] : memref<40x125xi32, #tpu.memory_space<vmem>> -> memref<1x125xi32, #tpu.memory_space<vmem>>
          %dma_start3A_92 = tpu.memref_squeeze %dma_start3A_91 : memref<1x125xi32, #tpu.memory_space<vmem>> -> memref<125xi32, #tpu.memory_space<vmem>>
          %dma_start3A_93 = arith.constant 0 : i32
          %dma_start3A_94 = arith.constant 0 : i32
          %dma_start3A_95 = tpu.memref_slice %arg13[%dma_start3A_93, %dma_start3A_94] : memref<10240x128xf32, #tpu.memory_space<vmem_shared>> -> memref<10240x128xf32, #tpu.memory_space<vmem_shared>>
          tpu.enqueue_indirect_dma source(%arg11 : memref<125x128xf32, #tpu.memory_space<vmem>>) target(%dma_start3A_95 : memref<10240x128xf32, #tpu.memory_space<vmem_shared>>) offsets(%dma_start3A_92 : memref<125xi32, #tpu.memory_space<vmem>>) semaphore(%arg15 : memref<!tpu.dma_semaphore, #tpu.memory_space<semaphore_mem>>) {add = true}
          %add3A_96 = arith.constant 1 : i32
          %add3A_97 = arith.addi %mul3A_83, %add3A_96 : i32
          %dma_wait3A_98 = arith.constant 0 : i32
          %dma_wait3A_99 = tpu.memref_slice %arg9[%add3A_97, %dma_wait3A_98] : memref<40x125xi32, #tpu.memory_space<vmem>> -> memref<1x125xi32, #tpu.memory_space<vmem>>
          %dma_wait3A_100 = tpu.memref_squeeze %dma_wait3A_99 : memref<1x125xi32, #tpu.memory_space<vmem>> -> memref<125xi32, #tpu.memory_space<vmem>>
          %dma_wait3A_101 = arith.constant 0 : i32
          %dma_wait3A_102 = arith.constant 0 : i32
          %dma_wait3A_103 = tpu.memref_slice %arg3[%dma_wait3A_101, %dma_wait3A_102] : memref<10240x128xf32, #tpu.memory_space<hbm>> -> memref<10240x128xf32, #tpu.memory_space<hbm>>
          tpu.wait_indirect_dma semaphore(%arg14 : memref<!tpu.dma_semaphore, #tpu.memory_space<semaphore_mem>>) src(%dma_wait3A_103 : memref<10240x128xf32, #tpu.memory_space<hbm>>) dst(%arg12 : memref<125x128xf32, #tpu.memory_space<vmem>>)
          %add3A_104 = arith.constant 1 : i32
          %add3A_105 = arith.addi %mul3A_83, %add3A_104 : i32
          %dma_start3A_106 = arith.constant 0 : i32
          %dma_start3A_107 = tpu.memref_slice %arg10[%add3A_105, %dma_start3A_106] : memref<40x125xi32, #tpu.memory_space<vmem>> -> memref<1x125xi32, #tpu.memory_space<vmem>>
          %dma_start3A_108 = tpu.memref_squeeze %dma_start3A_107 : memref<1x125xi32, #tpu.memory_space<vmem>> -> memref<125xi32, #tpu.memory_space<vmem>>
          %dma_start3A_109 = arith.constant 0 : i32
          %dma_start3A_110 = arith.constant 0 : i32
          %dma_start3A_111 = tpu.memref_slice %arg13[%dma_start3A_109, %dma_start3A_110] : memref<10240x128xf32, #tpu.memory_space<vmem_shared>> -> memref<10240x128xf32, #tpu.memory_space<vmem_shared>>
          tpu.enqueue_indirect_dma source(%arg12 : memref<125x128xf32, #tpu.memory_space<vmem>>) target(%dma_start3A_111 : memref<10240x128xf32, #tpu.memory_space<vmem_shared>>) offsets(%dma_start3A_108 : memref<125xi32, #tpu.memory_space<vmem>>) semaphore(%arg15 : memref<!tpu.dma_semaphore, #tpu.memory_space<semaphore_mem>>) {add = true}
          %dma_wait3A_112 = arith.constant 0 : i32
          %dma_wait3A_113 = tpu.memref_slice %arg10[%mul3A_83, %dma_wait3A_112] : memref<40x125xi32, #tpu.memory_space<vmem>> -> memref<1x125xi32, #tpu.memory_space<vmem>>
          %dma_wait3A_114 = tpu.memref_squeeze %dma_wait3A_113 : memref<1x125xi32, #tpu.memory_space<vmem>> -> memref<125xi32, #tpu.memory_space<vmem>>
          %dma_wait3A_115 = arith.constant 0 : i32
          %dma_wait3A_116 = arith.constant 0 : i32
          %dma_wait3A_117 = tpu.memref_slice %arg13[%dma_wait3A_115, %dma_wait3A_116] : memref<10240x128xf32, #tpu.memory_space<vmem_shared>> -> memref<10240x128xf32, #tpu.memory_space<vmem_shared>>
          tpu.wait_indirect_dma semaphore(%arg15 : memref<!tpu.dma_semaphore, #tpu.memory_space<semaphore_mem>>) src(%arg11 : memref<125x128xf32, #tpu.memory_space<vmem>>) dst(%dma_wait3A_117 : memref<10240x128xf32, #tpu.memory_space<vmem_shared>>)
          %add3A_118 = arith.constant 2 : i32
          %add3A_119 = arith.addi %mul3A_83, %add3A_118 : i32
          %dma_start3A_120 = arith.constant 0 : i32
          %dma_start3A_121 = tpu.memref_slice %arg9[%add3A_119, %dma_start3A_120] : memref<40x125xi32, #tpu.memory_space<vmem>> -> memref<1x125xi32, #tpu.memory_space<vmem>>
          %dma_start3A_122 = tpu.memref_squeeze %dma_start3A_121 : memref<1x125xi32, #tpu.memory_space<vmem>> -> memref<125xi32, #tpu.memory_space<vmem>>
          %dma_start3A_123 = arith.constant 0 : i32
          %dma_start3A_124 = arith.constant 0 : i32
          %dma_start3A_125 = tpu.memref_slice %arg3[%dma_start3A_123, %dma_start3A_124] : memref<10240x128xf32, #tpu.memory_space<hbm>> -> memref<10240x128xf32, #tpu.memory_space<hbm>>
          tpu.enqueue_indirect_dma source(%dma_start3A_125 : memref<10240x128xf32, #tpu.memory_space<hbm>>) target(%arg11 : memref<125x128xf32, #tpu.memory_space<vmem>>) offsets(%dma_start3A_122 : memref<125xi32, #tpu.memory_space<vmem>>) semaphore(%arg14 : memref<!tpu.dma_semaphore, #tpu.memory_space<semaphore_mem>>)
          %add3A_126 = arith.constant 1 : i32
          %add3A_127 = arith.addi %mul3A_83, %add3A_126 : i32
          %dma_wait3A_128 = arith.constant 0 : i32
          %dma_wait3A_129 = tpu.memref_slice %arg10[%add3A_127, %dma_wait3A_128] : memref<40x125xi32, #tpu.memory_space<vmem>> -> memref<1x125xi32, #tpu.memory_space<vmem>>
          %dma_wait3A_130 = tpu.memref_squeeze %dma_wait3A_129 : memref<1x125xi32, #tpu.memory_space<vmem>> -> memref<125xi32, #tpu.memory_space<vmem>>
          %dma_wait3A_131 = arith.constant 0 : i32
          %dma_wait3A_132 = arith.constant 0 : i32
          %dma_wait3A_133 = tpu.memref_slice %arg13[%dma_wait3A_131, %dma_wait3A_132] : memref<10240x128xf32, #tpu.memory_space<vmem_shared>> -> memref<10240x128xf32, #tpu.memory_space<vmem_shared>>
          tpu.wait_indirect_dma semaphore(%arg15 : memref<!tpu.dma_semaphore, #tpu.memory_space<semaphore_mem>>) src(%arg12 : memref<125x128xf32, #tpu.memory_space<vmem>>) dst(%dma_wait3A_133 : memref<10240x128xf32, #tpu.memory_space<vmem_shared>>)
          %add3A_134 = arith.constant 3 : i32
          %add3A_135 = arith.addi %mul3A_83, %add3A_134 : i32
          %dma_start3A_136 = arith.constant 0 : i32
          %dma_start3A_137 = tpu.memref_slice %arg9[%add3A_135, %dma_start3A_136] : memref<40x125xi32, #tpu.memory_space<vmem>> -> memref<1x125xi32, #tpu.memory_space<vmem>>
          %dma_start3A_138 = tpu.memref_squeeze %dma_start3A_137 : memref<1x125xi32, #tpu.memory_space<vmem>> -> memref<125xi32, #tpu.memory_space<vmem>>
          %dma_start3A_139 = arith.constant 0 : i32
          %dma_start3A_140 = arith.constant 0 : i32
          %dma_start3A_141 = tpu.memref_slice %arg3[%dma_start3A_139, %dma_start3A_140] : memref<10240x128xf32, #tpu.memory_space<hbm>> -> memref<10240x128xf32, #tpu.memory_space<hbm>>
          tpu.enqueue_indirect_dma source(%dma_start3A_141 : memref<10240x128xf32, #tpu.memory_space<hbm>>) target(%arg12 : memref<125x128xf32, #tpu.memory_space<vmem>>) offsets(%dma_start3A_138 : memref<125xi32, #tpu.memory_space<vmem>>) semaphore(%arg14 : memref<!tpu.dma_semaphore, #tpu.memory_space<semaphore_mem>>)
        }
        %scan3A_39 = arith.constant 19 : i32
        %dma_wait3A = arith.constant 38 : i32
        %dma_wait3A_40 = arith.constant 0 : i32
        %dma_wait3A_41 = tpu.memref_slice %arg9[%dma_wait3A, %dma_wait3A_40] : memref<40x125xi32, #tpu.memory_space<vmem>> -> memref<1x125xi32, #tpu.memory_space<vmem>>
        %dma_wait3A_42 = tpu.memref_squeeze %dma_wait3A_41 : memref<1x125xi32, #tpu.memory_space<vmem>> -> memref<125xi32, #tpu.memory_space<vmem>>
        %dma_wait3A_43 = arith.constant 0 : i32
        %dma_wait3A_44 = arith.constant 0 : i32
        %dma_wait3A_45 = tpu.memref_slice %arg3[%dma_wait3A_43, %dma_wait3A_44] : memref<10240x128xf32, #tpu.memory_space<hbm>> -> memref<10240x128xf32, #tpu.memory_space<hbm>>
        tpu.wait_indirect_dma semaphore(%arg14 : memref<!tpu.dma_semaphore, #tpu.memory_space<semaphore_mem>>) src(%dma_wait3A_45 : memref<10240x128xf32, #tpu.memory_space<hbm>>) dst(%arg11 : memref<125x128xf32, #tpu.memory_space<vmem>>)
        %dma_start3A_46 = arith.constant 38 : i32
        %dma_start3A_47 = arith.constant 0 : i32
        %dma_start3A_48 = tpu.memref_slice %arg10[%dma_start3A_46, %dma_start3A_47] : memref<40x125xi32, #tpu.memory_space<vmem>> -> memref<1x125xi32, #tpu.memory_space<vmem>>
        %dma_start3A_49 = tpu.memref_squeeze %dma_start3A_48 : memref<1x125xi32, #tpu.memory_space<vmem>> -> memref<125xi32, #tpu.memory_space<vmem>>
        %dma_start3A_50 = arith.constant 0 : i32
        %dma_start3A_51 = arith.constant 0 : i32
        %dma_start3A_52 = tpu.memref_slice %arg13[%dma_start3A_50, %dma_start3A_51] : memref<10240x128xf32, #tpu.memory_space<vmem_shared>> -> memref<10240x128xf32, #tpu.memory_space<vmem_shared>>
        tpu.enqueue_indirect_dma source(%arg11 : memref<125x128xf32, #tpu.memory_space<vmem>>) target(%dma_start3A_52 : memref<10240x128xf32, #tpu.memory_space<vmem_shared>>) offsets(%dma_start3A_49 : memref<125xi32, #tpu.memory_space<vmem>>) semaphore(%arg15 : memref<!tpu.dma_semaphore, #tpu.memory_space<semaphore_mem>>) {add = true}
        %dma_wait3A_53 = arith.constant 39 : i32
        %dma_wait3A_54 = arith.constant 0 : i32
        %dma_wait3A_55 = tpu.memref_slice %arg9[%dma_wait3A_53, %dma_wait3A_54] : memref<40x125xi32, #tpu.memory_space<vmem>> -> memref<1x125xi32, #tpu.memory_space<vmem>>
        %dma_wait3A_56 = tpu.memref_squeeze %dma_wait3A_55 : memref<1x125xi32, #tpu.memory_space<vmem>> -> memref<125xi32, #tpu.memory_space<vmem>>
        %dma_wait3A_57 = arith.constant 0 : i32
        %dma_wait3A_58 = arith.constant 0 : i32
        %dma_wait3A_59 = tpu.memref_slice %arg3[%dma_wait3A_57, %dma_wait3A_58] : memref<10240x128xf32, #tpu.memory_space<hbm>> -> memref<10240x128xf32, #tpu.memory_space<hbm>>
        tpu.wait_indirect_dma semaphore(%arg14 : memref<!tpu.dma_semaphore, #tpu.memory_space<semaphore_mem>>) src(%dma_wait3A_59 : memref<10240x128xf32, #tpu.memory_space<hbm>>) dst(%arg12 : memref<125x128xf32, #tpu.memory_space<vmem>>)
        %dma_start3A_60 = arith.constant 39 : i32
        %dma_start3A_61 = arith.constant 0 : i32
        %dma_start3A_62 = tpu.memref_slice %arg10[%dma_start3A_60, %dma_start3A_61] : memref<40x125xi32, #tpu.memory_space<vmem>> -> memref<1x125xi32, #tpu.memory_space<vmem>>
        %dma_start3A_63 = tpu.memref_squeeze %dma_start3A_62 : memref<1x125xi32, #tpu.memory_space<vmem>> -> memref<125xi32, #tpu.memory_space<vmem>>
        %dma_start3A_64 = arith.constant 0 : i32
        %dma_start3A_65 = arith.constant 0 : i32
        %dma_start3A_66 = tpu.memref_slice %arg13[%dma_start3A_64, %dma_start3A_65] : memref<10240x128xf32, #tpu.memory_space<vmem_shared>> -> memref<10240x128xf32, #tpu.memory_space<vmem_shared>>
        tpu.enqueue_indirect_dma source(%arg12 : memref<125x128xf32, #tpu.memory_space<vmem>>) target(%dma_start3A_66 : memref<10240x128xf32, #tpu.memory_space<vmem_shared>>) offsets(%dma_start3A_63 : memref<125xi32, #tpu.memory_space<vmem>>) semaphore(%arg15 : memref<!tpu.dma_semaphore, #tpu.memory_space<semaphore_mem>>) {add = true}
        %dma_wait3A_67 = arith.constant 38 : i32
        %dma_wait3A_68 = arith.constant 0 : i32
        %dma_wait3A_69 = tpu.memref_slice %arg10[%dma_wait3A_67, %dma_wait3A_68] : memref<40x125xi32, #tpu.memory_space<vmem>> -> memref<1x125xi32, #tpu.memory_space<vmem>>
        %dma_wait3A_70 = tpu.memref_squeeze %dma_wait3A_69 : memref<1x125xi32, #tpu.memory_space<vmem>> -> memref<125xi32, #tpu.memory_space<vmem>>
        %dma_wait3A_71 = arith.constant 0 : i32
        %dma_wait3A_72 = arith.constant 0 : i32
        %dma_wait3A_73 = tpu.memref_slice %arg13[%dma_wait3A_71, %dma_wait3A_72] : memref<10240x128xf32, #tpu.memory_space<vmem_shared>> -> memref<10240x128xf32, #tpu.memory_space<vmem_shared>>
        tpu.wait_indirect_dma semaphore(%arg15 : memref<!tpu.dma_semaphore, #tpu.memory_space<semaphore_mem>>) src(%arg11 : memref<125x128xf32, #tpu.memory_space<vmem>>) dst(%dma_wait3A_73 : memref<10240x128xf32, #tpu.memory_space<vmem_shared>>)
        %dma_wait3A_74 = arith.constant 39 : i32
        %dma_wait3A_75 = arith.constant 0 : i32
        %dma_wait3A_76 = tpu.memref_slice %arg10[%dma_wait3A_74, %dma_wait3A_75] : memref<40x125xi32, #tpu.memory_space<vmem>> -> memref<1x125xi32, #tpu.memory_space<vmem>>
        %dma_wait3A_77 = tpu.memref_squeeze %dma_wait3A_76 : memref<1x125xi32, #tpu.memory_space<vmem>> -> memref<125xi32, #tpu.memory_space<vmem>>
        %dma_wait3A_78 = arith.constant 0 : i32
        %dma_wait3A_79 = arith.constant 0 : i32
        %dma_wait3A_80 = tpu.memref_slice %arg13[%dma_wait3A_78, %dma_wait3A_79] : memref<10240x128xf32, #tpu.memory_space<vmem_shared>> -> memref<10240x128xf32, #tpu.memory_space<vmem_shared>>
        tpu.wait_indirect_dma semaphore(%arg15 : memref<!tpu.dma_semaphore, #tpu.memory_space<semaphore_mem>>) src(%arg12 : memref<125x128xf32, #tpu.memory_space<vmem>>) dst(%dma_wait3A_80 : memref<10240x128xf32, #tpu.memory_space<vmem_shared>>)
      }
      %scan3A_14 = arith.constant 4 : i32
      %barrier3A_15 = arith.constant 0 : index
      tpu.barrier barrier_id(%barrier3A_15)
      %mul3A_16 = arith.constant 640 : i32
      %mul3A_17 = arith.muli %arg1, %mul3A_16 : i32
      "tpu.region"() ({
        %run_scoped3A = tpu.sem_alloc : memref<!tpu.dma_semaphore, #tpu.memory_space<semaphore_mem>>
        %dma_start3A = arith.constant 0 : i32
        %dma_start3A_18 = tpu.memref_slice %arg8[%mul3A_17, %dma_start3A] : memref<10240x128xf32, #tpu.memory_space<hbm>> -> memref<640x128xf32, #tpu.memory_space<hbm>>
        %dma_start3A_19 = arith.constant 0 : i32
        %dma_start3A_20 = tpu.memref_slice %arg13[%mul3A_17, %dma_start3A_19] : memref<10240x128xf32, #tpu.memory_space<vmem_shared>> -> memref<640x128xf32, #tpu.memory_space<vmem_shared>>
        tpu.enqueue_dma source(%dma_start3A_20 : memref<640x128xf32, #tpu.memory_space<vmem_shared>>) target(%dma_start3A_18 : memref<640x128xf32, #tpu.memory_space<hbm>>) target_semaphore(%run_scoped3A : memref<!tpu.dma_semaphore, #tpu.memory_space<semaphore_mem>>)
        %dma_wait3A = arith.constant 0 : i32
        %dma_wait3A_21 = tpu.memref_slice %arg8[%mul3A_17, %dma_wait3A] : memref<10240x128xf32, #tpu.memory_space<hbm>> -> memref<640x128xf32, #tpu.memory_space<hbm>>
        %dma_wait3A_22 = arith.constant 0 : i32
        %dma_wait3A_23 = tpu.memref_slice %arg13[%mul3A_17, %dma_wait3A_22] : memref<10240x128xf32, #tpu.memory_space<vmem_shared>> -> memref<640x128xf32, #tpu.memory_space<vmem_shared>>
        tpu.wait_dma2 semaphore(%run_scoped3A : memref<!tpu.dma_semaphore, #tpu.memory_space<semaphore_mem>>) src(%dma_wait3A_23 : memref<640x128xf32, #tpu.memory_space<vmem_shared>>) dst(%dma_wait3A_21 : memref<640x128xf32, #tpu.memory_space<hbm>>)
        tpu.yield
      }) : () -> ()
    } else {
    }
    return
  }
}

#map = affine_map<(d0, d1) -> (0, 0)>
module attributes {stable_mosaic.version = 14 : i64} {
  func.func @_deg_body(%arg0: i32, %arg1: i32, %arg2: memref<2560x125xi32, #tpu.memory_space<hbm>>, %arg3: memref<125x128xf32, #tpu.memory_space<hbm>>, %arg4: memref<640x128xf32, #tpu.memory_space<hbm>>, %arg5: memref<10240x128xf32, #tpu.memory_space<hbm>>, %arg6: memref<10240x128xf32, #tpu.memory_space<hbm>>, %arg7: memref<80x125xi32, #tpu.memory_space<vmem>>, %arg8: memref<125x128xf32, #tpu.memory_space<vmem>>, %arg9: memref<10240x128xf32, #tpu.memory_space<vmem_shared>>, %arg10: memref<!tpu.dma_semaphore, #tpu.memory_space<semaphore_mem>>) attributes {dimension_semantics = [#tpu.dimension_semantics<core_parallel>, #tpu.dimension_semantics<subcore_parallel>], iteration_bounds = array<i64: 2, 16>, scalar_prefetch = 0 : i64, scratch_operands = 4 : i64, tpu.core_type = #tpu.core_type<sc_vector_subcore>, window_params = [{transform_indices = #map}, {transform_indices = #map}, {transform_indices = #map}, {transform_indices = #map}, {transform_indices = #map}]} {
    %eq3A = arith.constant 0 : i32
    %eq3A_0 = arith.cmpi eq, %arg0, %eq3A : i32
    %convert_element_type3A = arith.extui %eq3A_0 : i1 to i32
    %cond3A = arith.constant 0 : i32
    %cond3A_1 = arith.cmpi ne, %convert_element_type3A, %cond3A : i32
    scf.if %cond3A_1 {
      %mul3A = arith.constant 80 : i32
      %mul3A_7 = arith.muli %arg1, %mul3A : i32
      %mul3A_8 = arith.constant 640 : i32
      %mul3A_9 = arith.muli %arg1, %mul3A_8 : i32
      "tpu.region"() ({
        %run_scoped3A = tpu.sem_alloc : memref<!tpu.dma_semaphore, #tpu.memory_space<semaphore_mem>>
        %dma_start3A_79 = arith.constant 0 : i32
        %dma_start3A_80 = tpu.memref_slice %arg9[%mul3A_9, %dma_start3A_79] : memref<10240x128xf32, #tpu.memory_space<vmem_shared>> -> memref<640x128xf32, #tpu.memory_space<vmem_shared>>
        tpu.enqueue_dma source(%arg4 : memref<640x128xf32, #tpu.memory_space<hbm>>) target(%dma_start3A_80 : memref<640x128xf32, #tpu.memory_space<vmem_shared>>) target_semaphore(%run_scoped3A : memref<!tpu.dma_semaphore, #tpu.memory_space<semaphore_mem>>)
        %dma_wait3A = arith.constant 0 : i32
        %dma_wait3A_81 = tpu.memref_slice %arg9[%mul3A_9, %dma_wait3A] : memref<10240x128xf32, #tpu.memory_space<vmem_shared>> -> memref<640x128xf32, #tpu.memory_space<vmem_shared>>
        tpu.wait_dma2 semaphore(%run_scoped3A : memref<!tpu.dma_semaphore, #tpu.memory_space<semaphore_mem>>) src(%arg4 : memref<640x128xf32, #tpu.memory_space<hbm>>) dst(%dma_wait3A_81 : memref<640x128xf32, #tpu.memory_space<vmem_shared>>)
        tpu.yield
      }) : () -> ()
      "tpu.region"() ({
        %run_scoped3A = tpu.sem_alloc : memref<!tpu.dma_semaphore, #tpu.memory_space<semaphore_mem>>
        tpu.enqueue_dma source(%arg3 : memref<125x128xf32, #tpu.memory_space<hbm>>) target(%arg8 : memref<125x128xf32, #tpu.memory_space<vmem>>) target_semaphore(%run_scoped3A : memref<!tpu.dma_semaphore, #tpu.memory_space<semaphore_mem>>)
        tpu.wait_dma2 semaphore(%run_scoped3A : memref<!tpu.dma_semaphore, #tpu.memory_space<semaphore_mem>>) src(%arg3 : memref<125x128xf32, #tpu.memory_space<hbm>>) dst(%arg8 : memref<125x128xf32, #tpu.memory_space<vmem>>)
        tpu.yield
      }) : () -> ()
      "tpu.region"() ({
        %run_scoped3A = tpu.sem_alloc : memref<!tpu.dma_semaphore, #tpu.memory_space<semaphore_mem>>
        %dma_start3A_79 = arith.constant 0 : i32
        %dma_start3A_80 = tpu.memref_slice %arg2[%mul3A_7, %dma_start3A_79] : memref<2560x125xi32, #tpu.memory_space<hbm>> -> memref<80x125xi32, #tpu.memory_space<hbm>>
        %dma_start3A_81 = arith.constant 0 : i32
        %dma_start3A_82 = tpu.memref_slice %arg2[%mul3A_7, %dma_start3A_81] : memref<2560x125xi32, #tpu.memory_space<hbm>> -> memref<80x125xi32, #tpu.memory_space<hbm>>
        tpu.enqueue_dma source(%dma_start3A_82 : memref<80x125xi32, #tpu.memory_space<hbm>>) target(%arg7 : memref<80x125xi32, #tpu.memory_space<vmem>>) target_semaphore(%run_scoped3A : memref<!tpu.dma_semaphore, #tpu.memory_space<semaphore_mem>>)
        %dma_wait3A = arith.constant 0 : i32
        %dma_wait3A_83 = tpu.memref_slice %arg2[%mul3A_7, %dma_wait3A] : memref<2560x125xi32, #tpu.memory_space<hbm>> -> memref<80x125xi32, #tpu.memory_space<hbm>>
        %dma_wait3A_84 = arith.constant 0 : i32
        %dma_wait3A_85 = tpu.memref_slice %arg2[%mul3A_7, %dma_wait3A_84] : memref<2560x125xi32, #tpu.memory_space<hbm>> -> memref<80x125xi32, #tpu.memory_space<hbm>>
        tpu.wait_dma2 semaphore(%run_scoped3A : memref<!tpu.dma_semaphore, #tpu.memory_space<semaphore_mem>>) src(%dma_wait3A_85 : memref<80x125xi32, #tpu.memory_space<hbm>>) dst(%arg7 : memref<80x125xi32, #tpu.memory_space<vmem>>)
        tpu.yield
      }) : () -> ()
      %barrier3A = arith.constant 0 : index
      tpu.barrier barrier_id(%barrier3A)
      %dma_start3A = arith.constant 0 : i32
      %dma_start3A_10 = arith.constant 0 : i32
      %dma_start3A_11 = tpu.memref_slice %arg7[%dma_start3A, %dma_start3A_10] : memref<80x125xi32, #tpu.memory_space<vmem>> -> memref<1x125xi32, #tpu.memory_space<vmem>>
      %dma_start3A_12 = tpu.memref_squeeze %dma_start3A_11 : memref<1x125xi32, #tpu.memory_space<vmem>> -> memref<125xi32, #tpu.memory_space<vmem>>
      %dma_start3A_13 = arith.constant 0 : i32
      %dma_start3A_14 = arith.constant 0 : i32
      %dma_start3A_15 = tpu.memref_slice %arg9[%dma_start3A_13, %dma_start3A_14] : memref<10240x128xf32, #tpu.memory_space<vmem_shared>> -> memref<10240x128xf32, #tpu.memory_space<vmem_shared>>
      tpu.enqueue_indirect_dma source(%arg8 : memref<125x128xf32, #tpu.memory_space<vmem>>) target(%dma_start3A_15 : memref<10240x128xf32, #tpu.memory_space<vmem_shared>>) offsets(%dma_start3A_12 : memref<125xi32, #tpu.memory_space<vmem>>) semaphore(%arg10 : memref<!tpu.dma_semaphore, #tpu.memory_space<semaphore_mem>>) {add = true}
      %dma_start3A_16 = arith.constant 1 : i32
      %dma_start3A_17 = arith.constant 0 : i32
      %dma_start3A_18 = tpu.memref_slice %arg7[%dma_start3A_16, %dma_start3A_17] : memref<80x125xi32, #tpu.memory_space<vmem>> -> memref<1x125xi32, #tpu.memory_space<vmem>>
      %dma_start3A_19 = tpu.memref_squeeze %dma_start3A_18 : memref<1x125xi32, #tpu.memory_space<vmem>> -> memref<125xi32, #tpu.memory_space<vmem>>
      %dma_start3A_20 = arith.constant 0 : i32
      %dma_start3A_21 = arith.constant 0 : i32
      %dma_start3A_22 = tpu.memref_slice %arg9[%dma_start3A_20, %dma_start3A_21] : memref<10240x128xf32, #tpu.memory_space<vmem_shared>> -> memref<10240x128xf32, #tpu.memory_space<vmem_shared>>
      tpu.enqueue_indirect_dma source(%arg8 : memref<125x128xf32, #tpu.memory_space<vmem>>) target(%dma_start3A_22 : memref<10240x128xf32, #tpu.memory_space<vmem_shared>>) offsets(%dma_start3A_19 : memref<125xi32, #tpu.memory_space<vmem>>) semaphore(%arg10 : memref<!tpu.dma_semaphore, #tpu.memory_space<semaphore_mem>>) {add = true}
      %dma_start3A_23 = arith.constant 2 : i32
      %dma_start3A_24 = arith.constant 0 : i32
      %dma_start3A_25 = tpu.memref_slice %arg7[%dma_start3A_23, %dma_start3A_24] : memref<80x125xi32, #tpu.memory_space<vmem>> -> memref<1x125xi32, #tpu.memory_space<vmem>>
      %dma_start3A_26 = tpu.memref_squeeze %dma_start3A_25 : memref<1x125xi32, #tpu.memory_space<vmem>> -> memref<125xi32, #tpu.memory_space<vmem>>
      %dma_start3A_27 = arith.constant 0 : i32
      %dma_start3A_28 = arith.constant 0 : i32
      %dma_start3A_29 = tpu.memref_slice %arg9[%dma_start3A_27, %dma_start3A_28] : memref<10240x128xf32, #tpu.memory_space<vmem_shared>> -> memref<10240x128xf32, #tpu.memory_space<vmem_shared>>
      tpu.enqueue_indirect_dma source(%arg8 : memref<125x128xf32, #tpu.memory_space<vmem>>) target(%dma_start3A_29 : memref<10240x128xf32, #tpu.memory_space<vmem_shared>>) offsets(%dma_start3A_26 : memref<125xi32, #tpu.memory_space<vmem>>) semaphore(%arg10 : memref<!tpu.dma_semaphore, #tpu.memory_space<semaphore_mem>>) {add = true}
      %dma_start3A_30 = arith.constant 3 : i32
      %dma_start3A_31 = arith.constant 0 : i32
      %dma_start3A_32 = tpu.memref_slice %arg7[%dma_start3A_30, %dma_start3A_31] : memref<80x125xi32, #tpu.memory_space<vmem>> -> memref<1x125xi32, #tpu.memory_space<vmem>>
      %dma_start3A_33 = tpu.memref_squeeze %dma_start3A_32 : memref<1x125xi32, #tpu.memory_space<vmem>> -> memref<125xi32, #tpu.memory_space<vmem>>
      %dma_start3A_34 = arith.constant 0 : i32
      %dma_start3A_35 = arith.constant 0 : i32
      %dma_start3A_36 = tpu.memref_slice %arg9[%dma_start3A_34, %dma_start3A_35] : memref<10240x128xf32, #tpu.memory_space<vmem_shared>> -> memref<10240x128xf32, #tpu.memory_space<vmem_shared>>
      tpu.enqueue_indirect_dma source(%arg8 : memref<125x128xf32, #tpu.memory_space<vmem>>) target(%dma_start3A_36 : memref<10240x128xf32, #tpu.memory_space<vmem_shared>>) offsets(%dma_start3A_33 : memref<125xi32, #tpu.memory_space<vmem>>) semaphore(%arg10 : memref<!tpu.dma_semaphore, #tpu.memory_space<semaphore_mem>>) {add = true}
      %dma_start3A_37 = arith.constant 4 : i32
      %dma_start3A_38 = arith.constant 0 : i32
      %dma_start3A_39 = tpu.memref_slice %arg7[%dma_start3A_37, %dma_start3A_38] : memref<80x125xi32, #tpu.memory_space<vmem>> -> memref<1x125xi32, #tpu.memory_space<vmem>>
      %dma_start3A_40 = tpu.memref_squeeze %dma_start3A_39 : memref<1x125xi32, #tpu.memory_space<vmem>> -> memref<125xi32, #tpu.memory_space<vmem>>
      %dma_start3A_41 = arith.constant 0 : i32
      %dma_start3A_42 = arith.constant 0 : i32
      %dma_start3A_43 = tpu.memref_slice %arg9[%dma_start3A_41, %dma_start3A_42] : memref<10240x128xf32, #tpu.memory_space<vmem_shared>> -> memref<10240x128xf32, #tpu.memory_space<vmem_shared>>
      tpu.enqueue_indirect_dma source(%arg8 : memref<125x128xf32, #tpu.memory_space<vmem>>) target(%dma_start3A_43 : memref<10240x128xf32, #tpu.memory_space<vmem_shared>>) offsets(%dma_start3A_40 : memref<125xi32, #tpu.memory_space<vmem>>) semaphore(%arg10 : memref<!tpu.dma_semaphore, #tpu.memory_space<semaphore_mem>>) {add = true}
      %dma_start3A_44 = arith.constant 5 : i32
      %dma_start3A_45 = arith.constant 0 : i32
      %dma_start3A_46 = tpu.memref_slice %arg7[%dma_start3A_44, %dma_start3A_45] : memref<80x125xi32, #tpu.memory_space<vmem>> -> memref<1x125xi32, #tpu.memory_space<vmem>>
      %dma_start3A_47 = tpu.memref_squeeze %dma_start3A_46 : memref<1x125xi32, #tpu.memory_space<vmem>> -> memref<125xi32, #tpu.memory_space<vmem>>
      %dma_start3A_48 = arith.constant 0 : i32
      %dma_start3A_49 = arith.constant 0 : i32
      %dma_start3A_50 = tpu.memref_slice %arg9[%dma_start3A_48, %dma_start3A_49] : memref<10240x128xf32, #tpu.memory_space<vmem_shared>> -> memref<10240x128xf32, #tpu.memory_space<vmem_shared>>
      tpu.enqueue_indirect_dma source(%arg8 : memref<125x128xf32, #tpu.memory_space<vmem>>) target(%dma_start3A_50 : memref<10240x128xf32, #tpu.memory_space<vmem_shared>>) offsets(%dma_start3A_47 : memref<125xi32, #tpu.memory_space<vmem>>) semaphore(%arg10 : memref<!tpu.dma_semaphore, #tpu.memory_space<semaphore_mem>>) {add = true}
      %dma_start3A_51 = arith.constant 6 : i32
      %dma_start3A_52 = arith.constant 0 : i32
      %dma_start3A_53 = tpu.memref_slice %arg7[%dma_start3A_51, %dma_start3A_52] : memref<80x125xi32, #tpu.memory_space<vmem>> -> memref<1x125xi32, #tpu.memory_space<vmem>>
      %dma_start3A_54 = tpu.memref_squeeze %dma_start3A_53 : memref<1x125xi32, #tpu.memory_space<vmem>> -> memref<125xi32, #tpu.memory_space<vmem>>
      %dma_start3A_55 = arith.constant 0 : i32
      %dma_start3A_56 = arith.constant 0 : i32
      %dma_start3A_57 = tpu.memref_slice %arg9[%dma_start3A_55, %dma_start3A_56] : memref<10240x128xf32, #tpu.memory_space<vmem_shared>> -> memref<10240x128xf32, #tpu.memory_space<vmem_shared>>
      tpu.enqueue_indirect_dma source(%arg8 : memref<125x128xf32, #tpu.memory_space<vmem>>) target(%dma_start3A_57 : memref<10240x128xf32, #tpu.memory_space<vmem_shared>>) offsets(%dma_start3A_54 : memref<125xi32, #tpu.memory_space<vmem>>) semaphore(%arg10 : memref<!tpu.dma_semaphore, #tpu.memory_space<semaphore_mem>>) {add = true}
      %dma_start3A_58 = arith.constant 7 : i32
      %dma_start3A_59 = arith.constant 0 : i32
      %dma_start3A_60 = tpu.memref_slice %arg7[%dma_start3A_58, %dma_start3A_59] : memref<80x125xi32, #tpu.memory_space<vmem>> -> memref<1x125xi32, #tpu.memory_space<vmem>>
      %dma_start3A_61 = tpu.memref_squeeze %dma_start3A_60 : memref<1x125xi32, #tpu.memory_space<vmem>> -> memref<125xi32, #tpu.memory_space<vmem>>
      %dma_start3A_62 = arith.constant 0 : i32
      %dma_start3A_63 = arith.constant 0 : i32
      %dma_start3A_64 = tpu.memref_slice %arg9[%dma_start3A_62, %dma_start3A_63] : memref<10240x128xf32, #tpu.memory_space<vmem_shared>> -> memref<10240x128xf32, #tpu.memory_space<vmem_shared>>
      tpu.enqueue_indirect_dma source(%arg8 : memref<125x128xf32, #tpu.memory_space<vmem>>) target(%dma_start3A_64 : memref<10240x128xf32, #tpu.memory_space<vmem_shared>>) offsets(%dma_start3A_61 : memref<125xi32, #tpu.memory_space<vmem>>) semaphore(%arg10 : memref<!tpu.dma_semaphore, #tpu.memory_space<semaphore_mem>>) {add = true}
      %scan3A = arith.constant 0 : i32
      %scan3A_65 = arith.constant 8 : i32
      %scan3A_66 = arith.constant 72 : i32
      %scan3A_67 = arith.addi %scan3A_65, %scan3A_66 : i32
      %scan3A_68 = arith.constant 1 : i32
      scf.for %scan3A_79 = %scan3A_65 to %scan3A_67 step %scan3A_68  : i32 {
        %dma_start3A_80 = arith.constant 0 : i32
        %dma_start3A_81 = tpu.memref_slice %arg7[%scan3A_79, %dma_start3A_80] : memref<80x125xi32, #tpu.memory_space<vmem>> -> memref<1x125xi32, #tpu.memory_space<vmem>>
        %dma_start3A_82 = tpu.memref_squeeze %dma_start3A_81 : memref<1x125xi32, #tpu.memory_space<vmem>> -> memref<125xi32, #tpu.memory_space<vmem>>
        %dma_start3A_83 = arith.constant 0 : i32
        %dma_start3A_84 = arith.constant 0 : i32
        %dma_start3A_85 = tpu.memref_slice %arg9[%dma_start3A_83, %dma_start3A_84] : memref<10240x128xf32, #tpu.memory_space<vmem_shared>> -> memref<10240x128xf32, #tpu.memory_space<vmem_shared>>
        tpu.enqueue_indirect_dma source(%arg8 : memref<125x128xf32, #tpu.memory_space<vmem>>) target(%dma_start3A_85 : memref<10240x128xf32, #tpu.memory_space<vmem_shared>>) offsets(%dma_start3A_82 : memref<125xi32, #tpu.memory_space<vmem>>) semaphore(%arg10 : memref<!tpu.dma_semaphore, #tpu.memory_space<semaphore_mem>>) {add = true}
        %sub3A = arith.constant 8 : i32
        %sub3A_86 = arith.subi %scan3A_79, %sub3A : i32
        %dma_wait3A = arith.constant 0 : i32
        %dma_wait3A_87 = tpu.memref_slice %arg7[%sub3A_86, %dma_wait3A] : memref<80x125xi32, #tpu.memory_space<vmem>> -> memref<1x125xi32, #tpu.memory_space<vmem>>
        %dma_wait3A_88 = tpu.memref_squeeze %dma_wait3A_87 : memref<1x125xi32, #tpu.memory_space<vmem>> -> memref<125xi32, #tpu.memory_space<vmem>>
        %dma_wait3A_89 = arith.constant 0 : i32
        %dma_wait3A_90 = arith.constant 0 : i32
        %dma_wait3A_91 = tpu.memref_slice %arg9[%dma_wait3A_89, %dma_wait3A_90] : memref<10240x128xf32, #tpu.memory_space<vmem_shared>> -> memref<10240x128xf32, #tpu.memory_space<vmem_shared>>
        tpu.wait_indirect_dma semaphore(%arg10 : memref<!tpu.dma_semaphore, #tpu.memory_space<semaphore_mem>>) src(%arg8 : memref<125x128xf32, #tpu.memory_space<vmem>>) dst(%dma_wait3A_91 : memref<10240x128xf32, #tpu.memory_space<vmem_shared>>)
      }
      %scan3A_69 = arith.constant 72 : i32
      %scan3A_70 = arith.constant 0 : i32
      %scan3A_71 = arith.constant 72 : i32
      %scan3A_72 = arith.constant 8 : i32
      %scan3A_73 = arith.addi %scan3A_71, %scan3A_72 : i32
      %scan3A_74 = arith.constant 1 : i32
      scf.for %scan3A_79 = %scan3A_71 to %scan3A_73 step %scan3A_74  : i32 {
        %dma_wait3A = arith.constant 0 : i32
        %dma_wait3A_80 = tpu.memref_slice %arg7[%scan3A_79, %dma_wait3A] : memref<80x125xi32, #tpu.memory_space<vmem>> -> memref<1x125xi32, #tpu.memory_space<vmem>>
        %dma_wait3A_81 = tpu.memref_squeeze %dma_wait3A_80 : memref<1x125xi32, #tpu.memory_space<vmem>> -> memref<125xi32, #tpu.memory_space<vmem>>
        %dma_wait3A_82 = arith.constant 0 : i32
        %dma_wait3A_83 = arith.constant 0 : i32
        %dma_wait3A_84 = tpu.memref_slice %arg9[%dma_wait3A_82, %dma_wait3A_83] : memref<10240x128xf32, #tpu.memory_space<vmem_shared>> -> memref<10240x128xf32, #tpu.memory_space<vmem_shared>>
        tpu.wait_indirect_dma semaphore(%arg10 : memref<!tpu.dma_semaphore, #tpu.memory_space<semaphore_mem>>) src(%arg8 : memref<125x128xf32, #tpu.memory_space<vmem>>) dst(%dma_wait3A_84 : memref<10240x128xf32, #tpu.memory_space<vmem_shared>>)
      }
      %scan3A_75 = arith.constant 8 : i32
      %barrier3A_76 = arith.constant 0 : index
      tpu.barrier barrier_id(%barrier3A_76)
      %mul3A_77 = arith.constant 640 : i32
      %mul3A_78 = arith.muli %arg1, %mul3A_77 : i32
      "tpu.region"() ({
        %run_scoped3A = tpu.sem_alloc : memref<!tpu.dma_semaphore, #tpu.memory_space<semaphore_mem>>
        %dma_start3A_79 = arith.constant 0 : i32
        %dma_start3A_80 = tpu.memref_slice %arg5[%mul3A_78, %dma_start3A_79] : memref<10240x128xf32, #tpu.memory_space<hbm>> -> memref<640x128xf32, #tpu.memory_space<hbm>>
        %dma_start3A_81 = arith.constant 0 : i32
        %dma_start3A_82 = tpu.memref_slice %arg9[%mul3A_78, %dma_start3A_81] : memref<10240x128xf32, #tpu.memory_space<vmem_shared>> -> memref<640x128xf32, #tpu.memory_space<vmem_shared>>
        tpu.enqueue_dma source(%dma_start3A_82 : memref<640x128xf32, #tpu.memory_space<vmem_shared>>) target(%dma_start3A_80 : memref<640x128xf32, #tpu.memory_space<hbm>>) target_semaphore(%run_scoped3A : memref<!tpu.dma_semaphore, #tpu.memory_space<semaphore_mem>>)
        %dma_wait3A = arith.constant 0 : i32
        %dma_wait3A_83 = tpu.memref_slice %arg5[%mul3A_78, %dma_wait3A] : memref<10240x128xf32, #tpu.memory_space<hbm>> -> memref<640x128xf32, #tpu.memory_space<hbm>>
        %dma_wait3A_84 = arith.constant 0 : i32
        %dma_wait3A_85 = tpu.memref_slice %arg9[%mul3A_78, %dma_wait3A_84] : memref<10240x128xf32, #tpu.memory_space<vmem_shared>> -> memref<640x128xf32, #tpu.memory_space<vmem_shared>>
        tpu.wait_dma2 semaphore(%run_scoped3A : memref<!tpu.dma_semaphore, #tpu.memory_space<semaphore_mem>>) src(%dma_wait3A_85 : memref<640x128xf32, #tpu.memory_space<vmem_shared>>) dst(%dma_wait3A_83 : memref<640x128xf32, #tpu.memory_space<hbm>>)
        tpu.yield
      }) : () -> ()
    } else {
    }
    %eq3A_2 = arith.constant 1 : i32
    %eq3A_3 = arith.cmpi eq, %arg0, %eq3A_2 : i32
    %convert_element_type3A_4 = arith.extui %eq3A_3 : i1 to i32
    %cond3A_5 = arith.constant 0 : i32
    %cond3A_6 = arith.cmpi ne, %convert_element_type3A_4, %cond3A_5 : i32
    scf.if %cond3A_6 {
      %add3A = arith.constant 16 : i32
      %add3A_7 = arith.addi %add3A, %arg1 : i32
      %mul3A = arith.constant 80 : i32
      %mul3A_8 = arith.muli %add3A_7, %mul3A : i32
      %mul3A_9 = arith.constant 640 : i32
      %mul3A_10 = arith.muli %arg1, %mul3A_9 : i32
      "tpu.region"() ({
        %run_scoped3A = tpu.sem_alloc : memref<!tpu.dma_semaphore, #tpu.memory_space<semaphore_mem>>
        %dma_start3A_80 = arith.constant 0 : i32
        %dma_start3A_81 = tpu.memref_slice %arg9[%mul3A_10, %dma_start3A_80] : memref<10240x128xf32, #tpu.memory_space<vmem_shared>> -> memref<640x128xf32, #tpu.memory_space<vmem_shared>>
        tpu.enqueue_dma source(%arg4 : memref<640x128xf32, #tpu.memory_space<hbm>>) target(%dma_start3A_81 : memref<640x128xf32, #tpu.memory_space<vmem_shared>>) target_semaphore(%run_scoped3A : memref<!tpu.dma_semaphore, #tpu.memory_space<semaphore_mem>>)
        %dma_wait3A = arith.constant 0 : i32
        %dma_wait3A_82 = tpu.memref_slice %arg9[%mul3A_10, %dma_wait3A] : memref<10240x128xf32, #tpu.memory_space<vmem_shared>> -> memref<640x128xf32, #tpu.memory_space<vmem_shared>>
        tpu.wait_dma2 semaphore(%run_scoped3A : memref<!tpu.dma_semaphore, #tpu.memory_space<semaphore_mem>>) src(%arg4 : memref<640x128xf32, #tpu.memory_space<hbm>>) dst(%dma_wait3A_82 : memref<640x128xf32, #tpu.memory_space<vmem_shared>>)
        tpu.yield
      }) : () -> ()
      "tpu.region"() ({
        %run_scoped3A = tpu.sem_alloc : memref<!tpu.dma_semaphore, #tpu.memory_space<semaphore_mem>>
        tpu.enqueue_dma source(%arg3 : memref<125x128xf32, #tpu.memory_space<hbm>>) target(%arg8 : memref<125x128xf32, #tpu.memory_space<vmem>>) target_semaphore(%run_scoped3A : memref<!tpu.dma_semaphore, #tpu.memory_space<semaphore_mem>>)
        tpu.wait_dma2 semaphore(%run_scoped3A : memref<!tpu.dma_semaphore, #tpu.memory_space<semaphore_mem>>) src(%arg3 : memref<125x128xf32, #tpu.memory_space<hbm>>) dst(%arg8 : memref<125x128xf32, #tpu.memory_space<vmem>>)
        tpu.yield
      }) : () -> ()
      "tpu.region"() ({
        %run_scoped3A = tpu.sem_alloc : memref<!tpu.dma_semaphore, #tpu.memory_space<semaphore_mem>>
        %dma_start3A_80 = arith.constant 0 : i32
        %dma_start3A_81 = tpu.memref_slice %arg2[%mul3A_8, %dma_start3A_80] : memref<2560x125xi32, #tpu.memory_space<hbm>> -> memref<80x125xi32, #tpu.memory_space<hbm>>
        %dma_start3A_82 = arith.constant 0 : i32
        %dma_start3A_83 = tpu.memref_slice %arg2[%mul3A_8, %dma_start3A_82] : memref<2560x125xi32, #tpu.memory_space<hbm>> -> memref<80x125xi32, #tpu.memory_space<hbm>>
        tpu.enqueue_dma source(%dma_start3A_83 : memref<80x125xi32, #tpu.memory_space<hbm>>) target(%arg7 : memref<80x125xi32, #tpu.memory_space<vmem>>) target_semaphore(%run_scoped3A : memref<!tpu.dma_semaphore, #tpu.memory_space<semaphore_mem>>)
        %dma_wait3A = arith.constant 0 : i32
        %dma_wait3A_84 = tpu.memref_slice %arg2[%mul3A_8, %dma_wait3A] : memref<2560x125xi32, #tpu.memory_space<hbm>> -> memref<80x125xi32, #tpu.memory_space<hbm>>
        %dma_wait3A_85 = arith.constant 0 : i32
        %dma_wait3A_86 = tpu.memref_slice %arg2[%mul3A_8, %dma_wait3A_85] : memref<2560x125xi32, #tpu.memory_space<hbm>> -> memref<80x125xi32, #tpu.memory_space<hbm>>
        tpu.wait_dma2 semaphore(%run_scoped3A : memref<!tpu.dma_semaphore, #tpu.memory_space<semaphore_mem>>) src(%dma_wait3A_86 : memref<80x125xi32, #tpu.memory_space<hbm>>) dst(%arg7 : memref<80x125xi32, #tpu.memory_space<vmem>>)
        tpu.yield
      }) : () -> ()
      %barrier3A = arith.constant 0 : index
      tpu.barrier barrier_id(%barrier3A)
      %dma_start3A = arith.constant 0 : i32
      %dma_start3A_11 = arith.constant 0 : i32
      %dma_start3A_12 = tpu.memref_slice %arg7[%dma_start3A, %dma_start3A_11] : memref<80x125xi32, #tpu.memory_space<vmem>> -> memref<1x125xi32, #tpu.memory_space<vmem>>
      %dma_start3A_13 = tpu.memref_squeeze %dma_start3A_12 : memref<1x125xi32, #tpu.memory_space<vmem>> -> memref<125xi32, #tpu.memory_space<vmem>>
      %dma_start3A_14 = arith.constant 0 : i32
      %dma_start3A_15 = arith.constant 0 : i32
      %dma_start3A_16 = tpu.memref_slice %arg9[%dma_start3A_14, %dma_start3A_15] : memref<10240x128xf32, #tpu.memory_space<vmem_shared>> -> memref<10240x128xf32, #tpu.memory_space<vmem_shared>>
      tpu.enqueue_indirect_dma source(%arg8 : memref<125x128xf32, #tpu.memory_space<vmem>>) target(%dma_start3A_16 : memref<10240x128xf32, #tpu.memory_space<vmem_shared>>) offsets(%dma_start3A_13 : memref<125xi32, #tpu.memory_space<vmem>>) semaphore(%arg10 : memref<!tpu.dma_semaphore, #tpu.memory_space<semaphore_mem>>) {add = true}
      %dma_start3A_17 = arith.constant 1 : i32
      %dma_start3A_18 = arith.constant 0 : i32
      %dma_start3A_19 = tpu.memref_slice %arg7[%dma_start3A_17, %dma_start3A_18] : memref<80x125xi32, #tpu.memory_space<vmem>> -> memref<1x125xi32, #tpu.memory_space<vmem>>
      %dma_start3A_20 = tpu.memref_squeeze %dma_start3A_19 : memref<1x125xi32, #tpu.memory_space<vmem>> -> memref<125xi32, #tpu.memory_space<vmem>>
      %dma_start3A_21 = arith.constant 0 : i32
      %dma_start3A_22 = arith.constant 0 : i32
      %dma_start3A_23 = tpu.memref_slice %arg9[%dma_start3A_21, %dma_start3A_22] : memref<10240x128xf32, #tpu.memory_space<vmem_shared>> -> memref<10240x128xf32, #tpu.memory_space<vmem_shared>>
      tpu.enqueue_indirect_dma source(%arg8 : memref<125x128xf32, #tpu.memory_space<vmem>>) target(%dma_start3A_23 : memref<10240x128xf32, #tpu.memory_space<vmem_shared>>) offsets(%dma_start3A_20 : memref<125xi32, #tpu.memory_space<vmem>>) semaphore(%arg10 : memref<!tpu.dma_semaphore, #tpu.memory_space<semaphore_mem>>) {add = true}
      %dma_start3A_24 = arith.constant 2 : i32
      %dma_start3A_25 = arith.constant 0 : i32
      %dma_start3A_26 = tpu.memref_slice %arg7[%dma_start3A_24, %dma_start3A_25] : memref<80x125xi32, #tpu.memory_space<vmem>> -> memref<1x125xi32, #tpu.memory_space<vmem>>
      %dma_start3A_27 = tpu.memref_squeeze %dma_start3A_26 : memref<1x125xi32, #tpu.memory_space<vmem>> -> memref<125xi32, #tpu.memory_space<vmem>>
      %dma_start3A_28 = arith.constant 0 : i32
      %dma_start3A_29 = arith.constant 0 : i32
      %dma_start3A_30 = tpu.memref_slice %arg9[%dma_start3A_28, %dma_start3A_29] : memref<10240x128xf32, #tpu.memory_space<vmem_shared>> -> memref<10240x128xf32, #tpu.memory_space<vmem_shared>>
      tpu.enqueue_indirect_dma source(%arg8 : memref<125x128xf32, #tpu.memory_space<vmem>>) target(%dma_start3A_30 : memref<10240x128xf32, #tpu.memory_space<vmem_shared>>) offsets(%dma_start3A_27 : memref<125xi32, #tpu.memory_space<vmem>>) semaphore(%arg10 : memref<!tpu.dma_semaphore, #tpu.memory_space<semaphore_mem>>) {add = true}
      %dma_start3A_31 = arith.constant 3 : i32
      %dma_start3A_32 = arith.constant 0 : i32
      %dma_start3A_33 = tpu.memref_slice %arg7[%dma_start3A_31, %dma_start3A_32] : memref<80x125xi32, #tpu.memory_space<vmem>> -> memref<1x125xi32, #tpu.memory_space<vmem>>
      %dma_start3A_34 = tpu.memref_squeeze %dma_start3A_33 : memref<1x125xi32, #tpu.memory_space<vmem>> -> memref<125xi32, #tpu.memory_space<vmem>>
      %dma_start3A_35 = arith.constant 0 : i32
      %dma_start3A_36 = arith.constant 0 : i32
      %dma_start3A_37 = tpu.memref_slice %arg9[%dma_start3A_35, %dma_start3A_36] : memref<10240x128xf32, #tpu.memory_space<vmem_shared>> -> memref<10240x128xf32, #tpu.memory_space<vmem_shared>>
      tpu.enqueue_indirect_dma source(%arg8 : memref<125x128xf32, #tpu.memory_space<vmem>>) target(%dma_start3A_37 : memref<10240x128xf32, #tpu.memory_space<vmem_shared>>) offsets(%dma_start3A_34 : memref<125xi32, #tpu.memory_space<vmem>>) semaphore(%arg10 : memref<!tpu.dma_semaphore, #tpu.memory_space<semaphore_mem>>) {add = true}
      %dma_start3A_38 = arith.constant 4 : i32
      %dma_start3A_39 = arith.constant 0 : i32
      %dma_start3A_40 = tpu.memref_slice %arg7[%dma_start3A_38, %dma_start3A_39] : memref<80x125xi32, #tpu.memory_space<vmem>> -> memref<1x125xi32, #tpu.memory_space<vmem>>
      %dma_start3A_41 = tpu.memref_squeeze %dma_start3A_40 : memref<1x125xi32, #tpu.memory_space<vmem>> -> memref<125xi32, #tpu.memory_space<vmem>>
      %dma_start3A_42 = arith.constant 0 : i32
      %dma_start3A_43 = arith.constant 0 : i32
      %dma_start3A_44 = tpu.memref_slice %arg9[%dma_start3A_42, %dma_start3A_43] : memref<10240x128xf32, #tpu.memory_space<vmem_shared>> -> memref<10240x128xf32, #tpu.memory_space<vmem_shared>>
      tpu.enqueue_indirect_dma source(%arg8 : memref<125x128xf32, #tpu.memory_space<vmem>>) target(%dma_start3A_44 : memref<10240x128xf32, #tpu.memory_space<vmem_shared>>) offsets(%dma_start3A_41 : memref<125xi32, #tpu.memory_space<vmem>>) semaphore(%arg10 : memref<!tpu.dma_semaphore, #tpu.memory_space<semaphore_mem>>) {add = true}
      %dma_start3A_45 = arith.constant 5 : i32
      %dma_start3A_46 = arith.constant 0 : i32
      %dma_start3A_47 = tpu.memref_slice %arg7[%dma_start3A_45, %dma_start3A_46] : memref<80x125xi32, #tpu.memory_space<vmem>> -> memref<1x125xi32, #tpu.memory_space<vmem>>
      %dma_start3A_48 = tpu.memref_squeeze %dma_start3A_47 : memref<1x125xi32, #tpu.memory_space<vmem>> -> memref<125xi32, #tpu.memory_space<vmem>>
      %dma_start3A_49 = arith.constant 0 : i32
      %dma_start3A_50 = arith.constant 0 : i32
      %dma_start3A_51 = tpu.memref_slice %arg9[%dma_start3A_49, %dma_start3A_50] : memref<10240x128xf32, #tpu.memory_space<vmem_shared>> -> memref<10240x128xf32, #tpu.memory_space<vmem_shared>>
      tpu.enqueue_indirect_dma source(%arg8 : memref<125x128xf32, #tpu.memory_space<vmem>>) target(%dma_start3A_51 : memref<10240x128xf32, #tpu.memory_space<vmem_shared>>) offsets(%dma_start3A_48 : memref<125xi32, #tpu.memory_space<vmem>>) semaphore(%arg10 : memref<!tpu.dma_semaphore, #tpu.memory_space<semaphore_mem>>) {add = true}
      %dma_start3A_52 = arith.constant 6 : i32
      %dma_start3A_53 = arith.constant 0 : i32
      %dma_start3A_54 = tpu.memref_slice %arg7[%dma_start3A_52, %dma_start3A_53] : memref<80x125xi32, #tpu.memory_space<vmem>> -> memref<1x125xi32, #tpu.memory_space<vmem>>
      %dma_start3A_55 = tpu.memref_squeeze %dma_start3A_54 : memref<1x125xi32, #tpu.memory_space<vmem>> -> memref<125xi32, #tpu.memory_space<vmem>>
      %dma_start3A_56 = arith.constant 0 : i32
      %dma_start3A_57 = arith.constant 0 : i32
      %dma_start3A_58 = tpu.memref_slice %arg9[%dma_start3A_56, %dma_start3A_57] : memref<10240x128xf32, #tpu.memory_space<vmem_shared>> -> memref<10240x128xf32, #tpu.memory_space<vmem_shared>>
      tpu.enqueue_indirect_dma source(%arg8 : memref<125x128xf32, #tpu.memory_space<vmem>>) target(%dma_start3A_58 : memref<10240x128xf32, #tpu.memory_space<vmem_shared>>) offsets(%dma_start3A_55 : memref<125xi32, #tpu.memory_space<vmem>>) semaphore(%arg10 : memref<!tpu.dma_semaphore, #tpu.memory_space<semaphore_mem>>) {add = true}
      %dma_start3A_59 = arith.constant 7 : i32
      %dma_start3A_60 = arith.constant 0 : i32
      %dma_start3A_61 = tpu.memref_slice %arg7[%dma_start3A_59, %dma_start3A_60] : memref<80x125xi32, #tpu.memory_space<vmem>> -> memref<1x125xi32, #tpu.memory_space<vmem>>
      %dma_start3A_62 = tpu.memref_squeeze %dma_start3A_61 : memref<1x125xi32, #tpu.memory_space<vmem>> -> memref<125xi32, #tpu.memory_space<vmem>>
      %dma_start3A_63 = arith.constant 0 : i32
      %dma_start3A_64 = arith.constant 0 : i32
      %dma_start3A_65 = tpu.memref_slice %arg9[%dma_start3A_63, %dma_start3A_64] : memref<10240x128xf32, #tpu.memory_space<vmem_shared>> -> memref<10240x128xf32, #tpu.memory_space<vmem_shared>>
      tpu.enqueue_indirect_dma source(%arg8 : memref<125x128xf32, #tpu.memory_space<vmem>>) target(%dma_start3A_65 : memref<10240x128xf32, #tpu.memory_space<vmem_shared>>) offsets(%dma_start3A_62 : memref<125xi32, #tpu.memory_space<vmem>>) semaphore(%arg10 : memref<!tpu.dma_semaphore, #tpu.memory_space<semaphore_mem>>) {add = true}
      %scan3A = arith.constant 0 : i32
      %scan3A_66 = arith.constant 8 : i32
      %scan3A_67 = arith.constant 72 : i32
      %scan3A_68 = arith.addi %scan3A_66, %scan3A_67 : i32
      %scan3A_69 = arith.constant 1 : i32
      scf.for %scan3A_80 = %scan3A_66 to %scan3A_68 step %scan3A_69  : i32 {
        %dma_start3A_81 = arith.constant 0 : i32
        %dma_start3A_82 = tpu.memref_slice %arg7[%scan3A_80, %dma_start3A_81] : memref<80x125xi32, #tpu.memory_space<vmem>> -> memref<1x125xi32, #tpu.memory_space<vmem>>
        %dma_start3A_83 = tpu.memref_squeeze %dma_start3A_82 : memref<1x125xi32, #tpu.memory_space<vmem>> -> memref<125xi32, #tpu.memory_space<vmem>>
        %dma_start3A_84 = arith.constant 0 : i32
        %dma_start3A_85 = arith.constant 0 : i32
        %dma_start3A_86 = tpu.memref_slice %arg9[%dma_start3A_84, %dma_start3A_85] : memref<10240x128xf32, #tpu.memory_space<vmem_shared>> -> memref<10240x128xf32, #tpu.memory_space<vmem_shared>>
        tpu.enqueue_indirect_dma source(%arg8 : memref<125x128xf32, #tpu.memory_space<vmem>>) target(%dma_start3A_86 : memref<10240x128xf32, #tpu.memory_space<vmem_shared>>) offsets(%dma_start3A_83 : memref<125xi32, #tpu.memory_space<vmem>>) semaphore(%arg10 : memref<!tpu.dma_semaphore, #tpu.memory_space<semaphore_mem>>) {add = true}
        %sub3A = arith.constant 8 : i32
        %sub3A_87 = arith.subi %scan3A_80, %sub3A : i32
        %dma_wait3A = arith.constant 0 : i32
        %dma_wait3A_88 = tpu.memref_slice %arg7[%sub3A_87, %dma_wait3A] : memref<80x125xi32, #tpu.memory_space<vmem>> -> memref<1x125xi32, #tpu.memory_space<vmem>>
        %dma_wait3A_89 = tpu.memref_squeeze %dma_wait3A_88 : memref<1x125xi32, #tpu.memory_space<vmem>> -> memref<125xi32, #tpu.memory_space<vmem>>
        %dma_wait3A_90 = arith.constant 0 : i32
        %dma_wait3A_91 = arith.constant 0 : i32
        %dma_wait3A_92 = tpu.memref_slice %arg9[%dma_wait3A_90, %dma_wait3A_91] : memref<10240x128xf32, #tpu.memory_space<vmem_shared>> -> memref<10240x128xf32, #tpu.memory_space<vmem_shared>>
        tpu.wait_indirect_dma semaphore(%arg10 : memref<!tpu.dma_semaphore, #tpu.memory_space<semaphore_mem>>) src(%arg8 : memref<125x128xf32, #tpu.memory_space<vmem>>) dst(%dma_wait3A_92 : memref<10240x128xf32, #tpu.memory_space<vmem_shared>>)
      }
      %scan3A_70 = arith.constant 72 : i32
      %scan3A_71 = arith.constant 0 : i32
      %scan3A_72 = arith.constant 72 : i32
      %scan3A_73 = arith.constant 8 : i32
      %scan3A_74 = arith.addi %scan3A_72, %scan3A_73 : i32
      %scan3A_75 = arith.constant 1 : i32
      scf.for %scan3A_80 = %scan3A_72 to %scan3A_74 step %scan3A_75  : i32 {
        %dma_wait3A = arith.constant 0 : i32
        %dma_wait3A_81 = tpu.memref_slice %arg7[%scan3A_80, %dma_wait3A] : memref<80x125xi32, #tpu.memory_space<vmem>> -> memref<1x125xi32, #tpu.memory_space<vmem>>
        %dma_wait3A_82 = tpu.memref_squeeze %dma_wait3A_81 : memref<1x125xi32, #tpu.memory_space<vmem>> -> memref<125xi32, #tpu.memory_space<vmem>>
        %dma_wait3A_83 = arith.constant 0 : i32
        %dma_wait3A_84 = arith.constant 0 : i32
        %dma_wait3A_85 = tpu.memref_slice %arg9[%dma_wait3A_83, %dma_wait3A_84] : memref<10240x128xf32, #tpu.memory_space<vmem_shared>> -> memref<10240x128xf32, #tpu.memory_space<vmem_shared>>
        tpu.wait_indirect_dma semaphore(%arg10 : memref<!tpu.dma_semaphore, #tpu.memory_space<semaphore_mem>>) src(%arg8 : memref<125x128xf32, #tpu.memory_space<vmem>>) dst(%dma_wait3A_85 : memref<10240x128xf32, #tpu.memory_space<vmem_shared>>)
      }
      %scan3A_76 = arith.constant 8 : i32
      %barrier3A_77 = arith.constant 0 : index
      tpu.barrier barrier_id(%barrier3A_77)
      %mul3A_78 = arith.constant 640 : i32
      %mul3A_79 = arith.muli %arg1, %mul3A_78 : i32
      "tpu.region"() ({
        %run_scoped3A = tpu.sem_alloc : memref<!tpu.dma_semaphore, #tpu.memory_space<semaphore_mem>>
        %dma_start3A_80 = arith.constant 0 : i32
        %dma_start3A_81 = tpu.memref_slice %arg6[%mul3A_79, %dma_start3A_80] : memref<10240x128xf32, #tpu.memory_space<hbm>> -> memref<640x128xf32, #tpu.memory_space<hbm>>
        %dma_start3A_82 = arith.constant 0 : i32
        %dma_start3A_83 = tpu.memref_slice %arg9[%mul3A_79, %dma_start3A_82] : memref<10240x128xf32, #tpu.memory_space<vmem_shared>> -> memref<640x128xf32, #tpu.memory_space<vmem_shared>>
        tpu.enqueue_dma source(%dma_start3A_83 : memref<640x128xf32, #tpu.memory_space<vmem_shared>>) target(%dma_start3A_81 : memref<640x128xf32, #tpu.memory_space<hbm>>) target_semaphore(%run_scoped3A : memref<!tpu.dma_semaphore, #tpu.memory_space<semaphore_mem>>)
        %dma_wait3A = arith.constant 0 : i32
        %dma_wait3A_84 = tpu.memref_slice %arg6[%mul3A_79, %dma_wait3A] : memref<10240x128xf32, #tpu.memory_space<hbm>> -> memref<640x128xf32, #tpu.memory_space<hbm>>
        %dma_wait3A_85 = arith.constant 0 : i32
        %dma_wait3A_86 = tpu.memref_slice %arg9[%mul3A_79, %dma_wait3A_85] : memref<10240x128xf32, #tpu.memory_space<vmem_shared>> -> memref<640x128xf32, #tpu.memory_space<vmem_shared>>
        tpu.wait_dma2 semaphore(%run_scoped3A : memref<!tpu.dma_semaphore, #tpu.memory_space<semaphore_mem>>) src(%dma_wait3A_86 : memref<640x128xf32, #tpu.memory_space<vmem_shared>>) dst(%dma_wait3A_84 : memref<640x128xf32, #tpu.memory_space<hbm>>)
        tpu.yield
      }) : () -> ()
    } else {
    }
    return
  }
}

#map = affine_map<(d0, d1) -> (0, 0)>
module attributes {stable_mosaic.version = 14 : i64} {
  func.func @_agg2_body(%arg0: i32, %arg1: i32, %arg2: memref<10240x128xf32, #tpu.memory_space<hbm>>, %arg3: memref<2560x125xi32, #tpu.memory_space<hbm>>, %arg4: memref<2560x125xi32, #tpu.memory_space<hbm>>, %arg5: memref<640x128xf32, #tpu.memory_space<hbm>>, %arg6: memref<10240x128xf32, #tpu.memory_space<hbm>>, %arg7: memref<10240x128xf32, #tpu.memory_space<hbm>>, %arg8: memref<40x125xi32, #tpu.memory_space<vmem>>, %arg9: memref<40x125xi32, #tpu.memory_space<vmem>>, %arg10: memref<125x128xf32, #tpu.memory_space<vmem>>, %arg11: memref<125x128xf32, #tpu.memory_space<vmem>>, %arg12: memref<10240x128xf32, #tpu.memory_space<vmem_shared>>, %arg13: memref<!tpu.dma_semaphore, #tpu.memory_space<semaphore_mem>>, %arg14: memref<!tpu.dma_semaphore, #tpu.memory_space<semaphore_mem>>) attributes {dimension_semantics = [#tpu.dimension_semantics<core_parallel>, #tpu.dimension_semantics<subcore_parallel>], iteration_bounds = array<i64: 2, 16>, scalar_prefetch = 0 : i64, scratch_operands = 7 : i64, tpu.core_type = #tpu.core_type<sc_vector_subcore>, window_params = [{transform_indices = #map}, {transform_indices = #map}, {transform_indices = #map}, {transform_indices = #map}, {transform_indices = #map}, {transform_indices = #map}]} {
    %mul3A = arith.constant 16 : i32
    %mul3A_0 = arith.muli %arg0, %mul3A : i32
    %add3A = arith.addi %mul3A_0, %arg1 : i32
    %mul3A_1 = arith.constant 80 : i32
    %mul3A_2 = arith.muli %add3A, %mul3A_1 : i32
    %eq3A = arith.constant 0 : i32
    %eq3A_3 = arith.cmpi eq, %arg0, %eq3A : i32
    %convert_element_type3A = arith.extui %eq3A_3 : i1 to i32
    %cond3A = arith.constant 0 : i32
    %cond3A_4 = arith.cmpi ne, %convert_element_type3A, %cond3A : i32
    scf.if %cond3A_4 {
      %mul3A_10 = arith.constant 640 : i32
      %mul3A_11 = arith.muli %arg1, %mul3A_10 : i32
      "tpu.region"() ({
        %run_scoped3A = tpu.sem_alloc : memref<!tpu.dma_semaphore, #tpu.memory_space<semaphore_mem>>
        %dma_start3A = arith.constant 0 : i32
        %dma_start3A_20 = tpu.memref_slice %arg12[%mul3A_11, %dma_start3A] : memref<10240x128xf32, #tpu.memory_space<vmem_shared>> -> memref<640x128xf32, #tpu.memory_space<vmem_shared>>
        tpu.enqueue_dma source(%arg5 : memref<640x128xf32, #tpu.memory_space<hbm>>) target(%dma_start3A_20 : memref<640x128xf32, #tpu.memory_space<vmem_shared>>) target_semaphore(%run_scoped3A : memref<!tpu.dma_semaphore, #tpu.memory_space<semaphore_mem>>)
        %dma_wait3A = arith.constant 0 : i32
        %dma_wait3A_21 = tpu.memref_slice %arg12[%mul3A_11, %dma_wait3A] : memref<10240x128xf32, #tpu.memory_space<vmem_shared>> -> memref<640x128xf32, #tpu.memory_space<vmem_shared>>
        tpu.wait_dma2 semaphore(%run_scoped3A : memref<!tpu.dma_semaphore, #tpu.memory_space<semaphore_mem>>) src(%arg5 : memref<640x128xf32, #tpu.memory_space<hbm>>) dst(%dma_wait3A_21 : memref<640x128xf32, #tpu.memory_space<vmem_shared>>)
        tpu.yield
      }) : () -> ()
      %barrier3A = arith.constant 0 : index
      tpu.barrier barrier_id(%barrier3A)
      %scan3A = arith.constant 0 : i32
      %scan3A_12 = arith.constant 0 : i32
      %scan3A_13 = arith.constant 2 : i32
      %scan3A_14 = arith.addi %scan3A_12, %scan3A_13 : i32
      %scan3A_15 = arith.constant 1 : i32
      scf.for %scan3A_20 = %scan3A_12 to %scan3A_14 step %scan3A_15  : i32 {
        %mul3A_21 = arith.constant 40 : i32
        %mul3A_22 = arith.muli %scan3A_20, %mul3A_21 : i32
        %add3A_23 = arith.addi %mul3A_2, %mul3A_22 : i32
        %multiple_of3A = tpu.assume_multiple %add3A_23, 8 : i32
        "tpu.region"() ({
          %run_scoped3A = tpu.sem_alloc : memref<!tpu.dma_semaphore, #tpu.memory_space<semaphore_mem>>
          %dma_start3A_84 = arith.constant 0 : i32
          %dma_start3A_85 = tpu.memref_slice %arg3[%multiple_of3A, %dma_start3A_84] : memref<2560x125xi32, #tpu.memory_space<hbm>> -> memref<40x125xi32, #tpu.memory_space<hbm>>
          %dma_start3A_86 = arith.constant 0 : i32
          %dma_start3A_87 = tpu.memref_slice %arg3[%multiple_of3A, %dma_start3A_86] : memref<2560x125xi32, #tpu.memory_space<hbm>> -> memref<40x125xi32, #tpu.memory_space<hbm>>
          tpu.enqueue_dma source(%dma_start3A_87 : memref<40x125xi32, #tpu.memory_space<hbm>>) target(%arg8 : memref<40x125xi32, #tpu.memory_space<vmem>>) target_semaphore(%run_scoped3A : memref<!tpu.dma_semaphore, #tpu.memory_space<semaphore_mem>>)
          %dma_wait3A_88 = arith.constant 0 : i32
          %dma_wait3A_89 = tpu.memref_slice %arg3[%multiple_of3A, %dma_wait3A_88] : memref<2560x125xi32, #tpu.memory_space<hbm>> -> memref<40x125xi32, #tpu.memory_space<hbm>>
          %dma_wait3A_90 = arith.constant 0 : i32
          %dma_wait3A_91 = tpu.memref_slice %arg3[%multiple_of3A, %dma_wait3A_90] : memref<2560x125xi32, #tpu.memory_space<hbm>> -> memref<40x125xi32, #tpu.memory_space<hbm>>
          tpu.wait_dma2 semaphore(%run_scoped3A : memref<!tpu.dma_semaphore, #tpu.memory_space<semaphore_mem>>) src(%dma_wait3A_91 : memref<40x125xi32, #tpu.memory_space<hbm>>) dst(%arg8 : memref<40x125xi32, #tpu.memory_space<vmem>>)
          tpu.yield
        }) : () -> ()
        "tpu.region"() ({
          %run_scoped3A = tpu.sem_alloc : memref<!tpu.dma_semaphore, #tpu.memory_space<semaphore_mem>>
          %dma_start3A_84 = arith.constant 0 : i32
          %dma_start3A_85 = tpu.memref_slice %arg4[%multiple_of3A, %dma_start3A_84] : memref<2560x125xi32, #tpu.memory_space<hbm>> -> memref<40x125xi32, #tpu.memory_space<hbm>>
          %dma_start3A_86 = arith.constant 0 : i32
          %dma_start3A_87 = tpu.memref_slice %arg4[%multiple_of3A, %dma_start3A_86] : memref<2560x125xi32, #tpu.memory_space<hbm>> -> memref<40x125xi32, #tpu.memory_space<hbm>>
          tpu.enqueue_dma source(%dma_start3A_87 : memref<40x125xi32, #tpu.memory_space<hbm>>) target(%arg9 : memref<40x125xi32, #tpu.memory_space<vmem>>) target_semaphore(%run_scoped3A : memref<!tpu.dma_semaphore, #tpu.memory_space<semaphore_mem>>)
          %dma_wait3A_88 = arith.constant 0 : i32
          %dma_wait3A_89 = tpu.memref_slice %arg4[%multiple_of3A, %dma_wait3A_88] : memref<2560x125xi32, #tpu.memory_space<hbm>> -> memref<40x125xi32, #tpu.memory_space<hbm>>
          %dma_wait3A_90 = arith.constant 0 : i32
          %dma_wait3A_91 = tpu.memref_slice %arg4[%multiple_of3A, %dma_wait3A_90] : memref<2560x125xi32, #tpu.memory_space<hbm>> -> memref<40x125xi32, #tpu.memory_space<hbm>>
          tpu.wait_dma2 semaphore(%run_scoped3A : memref<!tpu.dma_semaphore, #tpu.memory_space<semaphore_mem>>) src(%dma_wait3A_91 : memref<40x125xi32, #tpu.memory_space<hbm>>) dst(%arg9 : memref<40x125xi32, #tpu.memory_space<vmem>>)
          tpu.yield
        }) : () -> ()
        %dma_start3A = arith.constant 0 : i32
        %dma_start3A_24 = arith.constant 0 : i32
        %dma_start3A_25 = tpu.memref_slice %arg8[%dma_start3A, %dma_start3A_24] : memref<40x125xi32, #tpu.memory_space<vmem>> -> memref<1x125xi32, #tpu.memory_space<vmem>>
        %dma_start3A_26 = tpu.memref_squeeze %dma_start3A_25 : memref<1x125xi32, #tpu.memory_space<vmem>> -> memref<125xi32, #tpu.memory_space<vmem>>
        %dma_start3A_27 = arith.constant 0 : i32
        %dma_start3A_28 = arith.constant 0 : i32
        %dma_start3A_29 = tpu.memref_slice %arg2[%dma_start3A_27, %dma_start3A_28] : memref<10240x128xf32, #tpu.memory_space<hbm>> -> memref<10240x128xf32, #tpu.memory_space<hbm>>
        tpu.enqueue_indirect_dma source(%dma_start3A_29 : memref<10240x128xf32, #tpu.memory_space<hbm>>) target(%arg10 : memref<125x128xf32, #tpu.memory_space<vmem>>) offsets(%dma_start3A_26 : memref<125xi32, #tpu.memory_space<vmem>>) semaphore(%arg13 : memref<!tpu.dma_semaphore, #tpu.memory_space<semaphore_mem>>)
        %dma_start3A_30 = arith.constant 1 : i32
        %dma_start3A_31 = arith.constant 0 : i32
        %dma_start3A_32 = tpu.memref_slice %arg8[%dma_start3A_30, %dma_start3A_31] : memref<40x125xi32, #tpu.memory_space<vmem>> -> memref<1x125xi32, #tpu.memory_space<vmem>>
        %dma_start3A_33 = tpu.memref_squeeze %dma_start3A_32 : memref<1x125xi32, #tpu.memory_space<vmem>> -> memref<125xi32, #tpu.memory_space<vmem>>
        %dma_start3A_34 = arith.constant 0 : i32
        %dma_start3A_35 = arith.constant 0 : i32
        %dma_start3A_36 = tpu.memref_slice %arg2[%dma_start3A_34, %dma_start3A_35] : memref<10240x128xf32, #tpu.memory_space<hbm>> -> memref<10240x128xf32, #tpu.memory_space<hbm>>
        tpu.enqueue_indirect_dma source(%dma_start3A_36 : memref<10240x128xf32, #tpu.memory_space<hbm>>) target(%arg11 : memref<125x128xf32, #tpu.memory_space<vmem>>) offsets(%dma_start3A_33 : memref<125xi32, #tpu.memory_space<vmem>>) semaphore(%arg13 : memref<!tpu.dma_semaphore, #tpu.memory_space<semaphore_mem>>)
        %scan3A_37 = arith.constant 0 : i32
        %scan3A_38 = arith.constant 0 : i32
        %scan3A_39 = arith.constant 19 : i32
        %scan3A_40 = arith.addi %scan3A_38, %scan3A_39 : i32
        %scan3A_41 = arith.constant 1 : i32
        scf.for %scan3A_84 = %scan3A_38 to %scan3A_40 step %scan3A_41  : i32 {
          %mul3A_85 = arith.constant 2 : i32
          %mul3A_86 = arith.muli %scan3A_84, %mul3A_85 : i32
          %dma_wait3A_87 = arith.constant 0 : i32
          %dma_wait3A_88 = tpu.memref_slice %arg8[%mul3A_86, %dma_wait3A_87] : memref<40x125xi32, #tpu.memory_space<vmem>> -> memref<1x125xi32, #tpu.memory_space<vmem>>
          %dma_wait3A_89 = tpu.memref_squeeze %dma_wait3A_88 : memref<1x125xi32, #tpu.memory_space<vmem>> -> memref<125xi32, #tpu.memory_space<vmem>>
          %dma_wait3A_90 = arith.constant 0 : i32
          %dma_wait3A_91 = arith.constant 0 : i32
          %dma_wait3A_92 = tpu.memref_slice %arg2[%dma_wait3A_90, %dma_wait3A_91] : memref<10240x128xf32, #tpu.memory_space<hbm>> -> memref<10240x128xf32, #tpu.memory_space<hbm>>
          tpu.wait_indirect_dma semaphore(%arg13 : memref<!tpu.dma_semaphore, #tpu.memory_space<semaphore_mem>>) src(%dma_wait3A_92 : memref<10240x128xf32, #tpu.memory_space<hbm>>) dst(%arg10 : memref<125x128xf32, #tpu.memory_space<vmem>>)
          %dma_start3A_93 = arith.constant 0 : i32
          %dma_start3A_94 = tpu.memref_slice %arg9[%mul3A_86, %dma_start3A_93] : memref<40x125xi32, #tpu.memory_space<vmem>> -> memref<1x125xi32, #tpu.memory_space<vmem>>
          %dma_start3A_95 = tpu.memref_squeeze %dma_start3A_94 : memref<1x125xi32, #tpu.memory_space<vmem>> -> memref<125xi32, #tpu.memory_space<vmem>>
          %dma_start3A_96 = arith.constant 0 : i32
          %dma_start3A_97 = arith.constant 0 : i32
          %dma_start3A_98 = tpu.memref_slice %arg12[%dma_start3A_96, %dma_start3A_97] : memref<10240x128xf32, #tpu.memory_space<vmem_shared>> -> memref<10240x128xf32, #tpu.memory_space<vmem_shared>>
          tpu.enqueue_indirect_dma source(%arg10 : memref<125x128xf32, #tpu.memory_space<vmem>>) target(%dma_start3A_98 : memref<10240x128xf32, #tpu.memory_space<vmem_shared>>) offsets(%dma_start3A_95 : memref<125xi32, #tpu.memory_space<vmem>>) semaphore(%arg14 : memref<!tpu.dma_semaphore, #tpu.memory_space<semaphore_mem>>) {add = true}
          %add3A_99 = arith.constant 1 : i32
          %add3A_100 = arith.addi %mul3A_86, %add3A_99 : i32
          %dma_wait3A_101 = arith.constant 0 : i32
          %dma_wait3A_102 = tpu.memref_slice %arg8[%add3A_100, %dma_wait3A_101] : memref<40x125xi32, #tpu.memory_space<vmem>> -> memref<1x125xi32, #tpu.memory_space<vmem>>
          %dma_wait3A_103 = tpu.memref_squeeze %dma_wait3A_102 : memref<1x125xi32, #tpu.memory_space<vmem>> -> memref<125xi32, #tpu.memory_space<vmem>>
          %dma_wait3A_104 = arith.constant 0 : i32
          %dma_wait3A_105 = arith.constant 0 : i32
          %dma_wait3A_106 = tpu.memref_slice %arg2[%dma_wait3A_104, %dma_wait3A_105] : memref<10240x128xf32, #tpu.memory_space<hbm>> -> memref<10240x128xf32, #tpu.memory_space<hbm>>
          tpu.wait_indirect_dma semaphore(%arg13 : memref<!tpu.dma_semaphore, #tpu.memory_space<semaphore_mem>>) src(%dma_wait3A_106 : memref<10240x128xf32, #tpu.memory_space<hbm>>) dst(%arg11 : memref<125x128xf32, #tpu.memory_space<vmem>>)
          %add3A_107 = arith.constant 1 : i32
          %add3A_108 = arith.addi %mul3A_86, %add3A_107 : i32
          %dma_start3A_109 = arith.constant 0 : i32
          %dma_start3A_110 = tpu.memref_slice %arg9[%add3A_108, %dma_start3A_109] : memref<40x125xi32, #tpu.memory_space<vmem>> -> memref<1x125xi32, #tpu.memory_space<vmem>>
          %dma_start3A_111 = tpu.memref_squeeze %dma_start3A_110 : memref<1x125xi32, #tpu.memory_space<vmem>> -> memref<125xi32, #tpu.memory_space<vmem>>
          %dma_start3A_112 = arith.constant 0 : i32
          %dma_start3A_113 = arith.constant 0 : i32
          %dma_start3A_114 = tpu.memref_slice %arg12[%dma_start3A_112, %dma_start3A_113] : memref<10240x128xf32, #tpu.memory_space<vmem_shared>> -> memref<10240x128xf32, #tpu.memory_space<vmem_shared>>
          tpu.enqueue_indirect_dma source(%arg11 : memref<125x128xf32, #tpu.memory_space<vmem>>) target(%dma_start3A_114 : memref<10240x128xf32, #tpu.memory_space<vmem_shared>>) offsets(%dma_start3A_111 : memref<125xi32, #tpu.memory_space<vmem>>) semaphore(%arg14 : memref<!tpu.dma_semaphore, #tpu.memory_space<semaphore_mem>>) {add = true}
          %dma_wait3A_115 = arith.constant 0 : i32
          %dma_wait3A_116 = tpu.memref_slice %arg9[%mul3A_86, %dma_wait3A_115] : memref<40x125xi32, #tpu.memory_space<vmem>> -> memref<1x125xi32, #tpu.memory_space<vmem>>
          %dma_wait3A_117 = tpu.memref_squeeze %dma_wait3A_116 : memref<1x125xi32, #tpu.memory_space<vmem>> -> memref<125xi32, #tpu.memory_space<vmem>>
          %dma_wait3A_118 = arith.constant 0 : i32
          %dma_wait3A_119 = arith.constant 0 : i32
          %dma_wait3A_120 = tpu.memref_slice %arg12[%dma_wait3A_118, %dma_wait3A_119] : memref<10240x128xf32, #tpu.memory_space<vmem_shared>> -> memref<10240x128xf32, #tpu.memory_space<vmem_shared>>
          tpu.wait_indirect_dma semaphore(%arg14 : memref<!tpu.dma_semaphore, #tpu.memory_space<semaphore_mem>>) src(%arg10 : memref<125x128xf32, #tpu.memory_space<vmem>>) dst(%dma_wait3A_120 : memref<10240x128xf32, #tpu.memory_space<vmem_shared>>)
          %add3A_121 = arith.constant 2 : i32
          %add3A_122 = arith.addi %mul3A_86, %add3A_121 : i32
          %dma_start3A_123 = arith.constant 0 : i32
          %dma_start3A_124 = tpu.memref_slice %arg8[%add3A_122, %dma_start3A_123] : memref<40x125xi32, #tpu.memory_space<vmem>> -> memref<1x125xi32, #tpu.memory_space<vmem>>
          %dma_start3A_125 = tpu.memref_squeeze %dma_start3A_124 : memref<1x125xi32, #tpu.memory_space<vmem>> -> memref<125xi32, #tpu.memory_space<vmem>>
          %dma_start3A_126 = arith.constant 0 : i32
          %dma_start3A_127 = arith.constant 0 : i32
          %dma_start3A_128 = tpu.memref_slice %arg2[%dma_start3A_126, %dma_start3A_127] : memref<10240x128xf32, #tpu.memory_space<hbm>> -> memref<10240x128xf32, #tpu.memory_space<hbm>>
          tpu.enqueue_indirect_dma source(%dma_start3A_128 : memref<10240x128xf32, #tpu.memory_space<hbm>>) target(%arg10 : memref<125x128xf32, #tpu.memory_space<vmem>>) offsets(%dma_start3A_125 : memref<125xi32, #tpu.memory_space<vmem>>) semaphore(%arg13 : memref<!tpu.dma_semaphore, #tpu.memory_space<semaphore_mem>>)
          %add3A_129 = arith.constant 1 : i32
          %add3A_130 = arith.addi %mul3A_86, %add3A_129 : i32
          %dma_wait3A_131 = arith.constant 0 : i32
          %dma_wait3A_132 = tpu.memref_slice %arg9[%add3A_130, %dma_wait3A_131] : memref<40x125xi32, #tpu.memory_space<vmem>> -> memref<1x125xi32, #tpu.memory_space<vmem>>
          %dma_wait3A_133 = tpu.memref_squeeze %dma_wait3A_132 : memref<1x125xi32, #tpu.memory_space<vmem>> -> memref<125xi32, #tpu.memory_space<vmem>>
          %dma_wait3A_134 = arith.constant 0 : i32
          %dma_wait3A_135 = arith.constant 0 : i32
          %dma_wait3A_136 = tpu.memref_slice %arg12[%dma_wait3A_134, %dma_wait3A_135] : memref<10240x128xf32, #tpu.memory_space<vmem_shared>> -> memref<10240x128xf32, #tpu.memory_space<vmem_shared>>
          tpu.wait_indirect_dma semaphore(%arg14 : memref<!tpu.dma_semaphore, #tpu.memory_space<semaphore_mem>>) src(%arg11 : memref<125x128xf32, #tpu.memory_space<vmem>>) dst(%dma_wait3A_136 : memref<10240x128xf32, #tpu.memory_space<vmem_shared>>)
          %add3A_137 = arith.constant 3 : i32
          %add3A_138 = arith.addi %mul3A_86, %add3A_137 : i32
          %dma_start3A_139 = arith.constant 0 : i32
          %dma_start3A_140 = tpu.memref_slice %arg8[%add3A_138, %dma_start3A_139] : memref<40x125xi32, #tpu.memory_space<vmem>> -> memref<1x125xi32, #tpu.memory_space<vmem>>
          %dma_start3A_141 = tpu.memref_squeeze %dma_start3A_140 : memref<1x125xi32, #tpu.memory_space<vmem>> -> memref<125xi32, #tpu.memory_space<vmem>>
          %dma_start3A_142 = arith.constant 0 : i32
          %dma_start3A_143 = arith.constant 0 : i32
          %dma_start3A_144 = tpu.memref_slice %arg2[%dma_start3A_142, %dma_start3A_143] : memref<10240x128xf32, #tpu.memory_space<hbm>> -> memref<10240x128xf32, #tpu.memory_space<hbm>>
          tpu.enqueue_indirect_dma source(%dma_start3A_144 : memref<10240x128xf32, #tpu.memory_space<hbm>>) target(%arg11 : memref<125x128xf32, #tpu.memory_space<vmem>>) offsets(%dma_start3A_141 : memref<125xi32, #tpu.memory_space<vmem>>) semaphore(%arg13 : memref<!tpu.dma_semaphore, #tpu.memory_space<semaphore_mem>>)
        }
        %scan3A_42 = arith.constant 19 : i32
        %dma_wait3A = arith.constant 38 : i32
        %dma_wait3A_43 = arith.constant 0 : i32
        %dma_wait3A_44 = tpu.memref_slice %arg8[%dma_wait3A, %dma_wait3A_43] : memref<40x125xi32, #tpu.memory_space<vmem>> -> memref<1x125xi32, #tpu.memory_space<vmem>>
        %dma_wait3A_45 = tpu.memref_squeeze %dma_wait3A_44 : memref<1x125xi32, #tpu.memory_space<vmem>> -> memref<125xi32, #tpu.memory_space<vmem>>
        %dma_wait3A_46 = arith.constant 0 : i32
        %dma_wait3A_47 = arith.constant 0 : i32
        %dma_wait3A_48 = tpu.memref_slice %arg2[%dma_wait3A_46, %dma_wait3A_47] : memref<10240x128xf32, #tpu.memory_space<hbm>> -> memref<10240x128xf32, #tpu.memory_space<hbm>>
        tpu.wait_indirect_dma semaphore(%arg13 : memref<!tpu.dma_semaphore, #tpu.memory_space<semaphore_mem>>) src(%dma_wait3A_48 : memref<10240x128xf32, #tpu.memory_space<hbm>>) dst(%arg10 : memref<125x128xf32, #tpu.memory_space<vmem>>)
        %dma_start3A_49 = arith.constant 38 : i32
        %dma_start3A_50 = arith.constant 0 : i32
        %dma_start3A_51 = tpu.memref_slice %arg9[%dma_start3A_49, %dma_start3A_50] : memref<40x125xi32, #tpu.memory_space<vmem>> -> memref<1x125xi32, #tpu.memory_space<vmem>>
        %dma_start3A_52 = tpu.memref_squeeze %dma_start3A_51 : memref<1x125xi32, #tpu.memory_space<vmem>> -> memref<125xi32, #tpu.memory_space<vmem>>
        %dma_start3A_53 = arith.constant 0 : i32
        %dma_start3A_54 = arith.constant 0 : i32
        %dma_start3A_55 = tpu.memref_slice %arg12[%dma_start3A_53, %dma_start3A_54] : memref<10240x128xf32, #tpu.memory_space<vmem_shared>> -> memref<10240x128xf32, #tpu.memory_space<vmem_shared>>
        tpu.enqueue_indirect_dma source(%arg10 : memref<125x128xf32, #tpu.memory_space<vmem>>) target(%dma_start3A_55 : memref<10240x128xf32, #tpu.memory_space<vmem_shared>>) offsets(%dma_start3A_52 : memref<125xi32, #tpu.memory_space<vmem>>) semaphore(%arg14 : memref<!tpu.dma_semaphore, #tpu.memory_space<semaphore_mem>>) {add = true}
        %dma_wait3A_56 = arith.constant 39 : i32
        %dma_wait3A_57 = arith.constant 0 : i32
        %dma_wait3A_58 = tpu.memref_slice %arg8[%dma_wait3A_56, %dma_wait3A_57] : memref<40x125xi32, #tpu.memory_space<vmem>> -> memref<1x125xi32, #tpu.memory_space<vmem>>
        %dma_wait3A_59 = tpu.memref_squeeze %dma_wait3A_58 : memref<1x125xi32, #tpu.memory_space<vmem>> -> memref<125xi32, #tpu.memory_space<vmem>>
        %dma_wait3A_60 = arith.constant 0 : i32
        %dma_wait3A_61 = arith.constant 0 : i32
        %dma_wait3A_62 = tpu.memref_slice %arg2[%dma_wait3A_60, %dma_wait3A_61] : memref<10240x128xf32, #tpu.memory_space<hbm>> -> memref<10240x128xf32, #tpu.memory_space<hbm>>
        tpu.wait_indirect_dma semaphore(%arg13 : memref<!tpu.dma_semaphore, #tpu.memory_space<semaphore_mem>>) src(%dma_wait3A_62 : memref<10240x128xf32, #tpu.memory_space<hbm>>) dst(%arg11 : memref<125x128xf32, #tpu.memory_space<vmem>>)
        %dma_start3A_63 = arith.constant 39 : i32
        %dma_start3A_64 = arith.constant 0 : i32
        %dma_start3A_65 = tpu.memref_slice %arg9[%dma_start3A_63, %dma_start3A_64] : memref<40x125xi32, #tpu.memory_space<vmem>> -> memref<1x125xi32, #tpu.memory_space<vmem>>
        %dma_start3A_66 = tpu.memref_squeeze %dma_start3A_65 : memref<1x125xi32, #tpu.memory_space<vmem>> -> memref<125xi32, #tpu.memory_space<vmem>>
        %dma_start3A_67 = arith.constant 0 : i32
        %dma_start3A_68 = arith.constant 0 : i32
        %dma_start3A_69 = tpu.memref_slice %arg12[%dma_start3A_67, %dma_start3A_68] : memref<10240x128xf32, #tpu.memory_space<vmem_shared>> -> memref<10240x128xf32, #tpu.memory_space<vmem_shared>>
        tpu.enqueue_indirect_dma source(%arg11 : memref<125x128xf32, #tpu.memory_space<vmem>>) target(%dma_start3A_69 : memref<10240x128xf32, #tpu.memory_space<vmem_shared>>) offsets(%dma_start3A_66 : memref<125xi32, #tpu.memory_space<vmem>>) semaphore(%arg14 : memref<!tpu.dma_semaphore, #tpu.memory_space<semaphore_mem>>) {add = true}
        %dma_wait3A_70 = arith.constant 38 : i32
        %dma_wait3A_71 = arith.constant 0 : i32
        %dma_wait3A_72 = tpu.memref_slice %arg9[%dma_wait3A_70, %dma_wait3A_71] : memref<40x125xi32, #tpu.memory_space<vmem>> -> memref<1x125xi32, #tpu.memory_space<vmem>>
        %dma_wait3A_73 = tpu.memref_squeeze %dma_wait3A_72 : memref<1x125xi32, #tpu.memory_space<vmem>> -> memref<125xi32, #tpu.memory_space<vmem>>
        %dma_wait3A_74 = arith.constant 0 : i32
        %dma_wait3A_75 = arith.constant 0 : i32
        %dma_wait3A_76 = tpu.memref_slice %arg12[%dma_wait3A_74, %dma_wait3A_75] : memref<10240x128xf32, #tpu.memory_space<vmem_shared>> -> memref<10240x128xf32, #tpu.memory_space<vmem_shared>>
        tpu.wait_indirect_dma semaphore(%arg14 : memref<!tpu.dma_semaphore, #tpu.memory_space<semaphore_mem>>) src(%arg10 : memref<125x128xf32, #tpu.memory_space<vmem>>) dst(%dma_wait3A_76 : memref<10240x128xf32, #tpu.memory_space<vmem_shared>>)
        %dma_wait3A_77 = arith.constant 39 : i32
        %dma_wait3A_78 = arith.constant 0 : i32
        %dma_wait3A_79 = tpu.memref_slice %arg9[%dma_wait3A_77, %dma_wait3A_78] : memref<40x125xi32, #tpu.memory_space<vmem>> -> memref<1x125xi32, #tpu.memory_space<vmem>>
        %dma_wait3A_80 = tpu.memref_squeeze %dma_wait3A_79 : memref<1x125xi32, #tpu.memory_space<vmem>> -> memref<125xi32, #tpu.memory_space<vmem>>
        %dma_wait3A_81 = arith.constant 0 : i32
        %dma_wait3A_82 = arith.constant 0 : i32
        %dma_wait3A_83 = tpu.memref_slice %arg12[%dma_wait3A_81, %dma_wait3A_82] : memref<10240x128xf32, #tpu.memory_space<vmem_shared>> -> memref<10240x128xf32, #tpu.memory_space<vmem_shared>>
        tpu.wait_indirect_dma semaphore(%arg14 : memref<!tpu.dma_semaphore, #tpu.memory_space<semaphore_mem>>) src(%arg11 : memref<125x128xf32, #tpu.memory_space<vmem>>) dst(%dma_wait3A_83 : memref<10240x128xf32, #tpu.memory_space<vmem_shared>>)
      }
      %scan3A_16 = arith.constant 2 : i32
      %barrier3A_17 = arith.constant 0 : index
      tpu.barrier barrier_id(%barrier3A_17)
      %mul3A_18 = arith.constant 640 : i32
      %mul3A_19 = arith.muli %arg1, %mul3A_18 : i32
      "tpu.region"() ({
        %run_scoped3A = tpu.sem_alloc : memref<!tpu.dma_semaphore, #tpu.memory_space<semaphore_mem>>
        %dma_start3A = arith.constant 0 : i32
        %dma_start3A_20 = tpu.memref_slice %arg6[%mul3A_19, %dma_start3A] : memref<10240x128xf32, #tpu.memory_space<hbm>> -> memref<640x128xf32, #tpu.memory_space<hbm>>
        %dma_start3A_21 = arith.constant 0 : i32
        %dma_start3A_22 = tpu.memref_slice %arg12[%mul3A_19, %dma_start3A_21] : memref<10240x128xf32, #tpu.memory_space<vmem_shared>> -> memref<640x128xf32, #tpu.memory_space<vmem_shared>>
        tpu.enqueue_dma source(%dma_start3A_22 : memref<640x128xf32, #tpu.memory_space<vmem_shared>>) target(%dma_start3A_20 : memref<640x128xf32, #tpu.memory_space<hbm>>) target_semaphore(%run_scoped3A : memref<!tpu.dma_semaphore, #tpu.memory_space<semaphore_mem>>)
        %dma_wait3A = arith.constant 0 : i32
        %dma_wait3A_23 = tpu.memref_slice %arg6[%mul3A_19, %dma_wait3A] : memref<10240x128xf32, #tpu.memory_space<hbm>> -> memref<640x128xf32, #tpu.memory_space<hbm>>
        %dma_wait3A_24 = arith.constant 0 : i32
        %dma_wait3A_25 = tpu.memref_slice %arg12[%mul3A_19, %dma_wait3A_24] : memref<10240x128xf32, #tpu.memory_space<vmem_shared>> -> memref<640x128xf32, #tpu.memory_space<vmem_shared>>
        tpu.wait_dma2 semaphore(%run_scoped3A : memref<!tpu.dma_semaphore, #tpu.memory_space<semaphore_mem>>) src(%dma_wait3A_25 : memref<640x128xf32, #tpu.memory_space<vmem_shared>>) dst(%dma_wait3A_23 : memref<640x128xf32, #tpu.memory_space<hbm>>)
        tpu.yield
      }) : () -> ()
    } else {
    }
    %eq3A_5 = arith.constant 1 : i32
    %eq3A_6 = arith.cmpi eq, %arg0, %eq3A_5 : i32
    %convert_element_type3A_7 = arith.extui %eq3A_6 : i1 to i32
    %cond3A_8 = arith.constant 0 : i32
    %cond3A_9 = arith.cmpi ne, %convert_element_type3A_7, %cond3A_8 : i32
    scf.if %cond3A_9 {
      %mul3A_10 = arith.constant 640 : i32
      %mul3A_11 = arith.muli %arg1, %mul3A_10 : i32
      "tpu.region"() ({
        %run_scoped3A = tpu.sem_alloc : memref<!tpu.dma_semaphore, #tpu.memory_space<semaphore_mem>>
        %dma_start3A = arith.constant 0 : i32
        %dma_start3A_20 = tpu.memref_slice %arg12[%mul3A_11, %dma_start3A] : memref<10240x128xf32, #tpu.memory_space<vmem_shared>> -> memref<640x128xf32, #tpu.memory_space<vmem_shared>>
        tpu.enqueue_dma source(%arg5 : memref<640x128xf32, #tpu.memory_space<hbm>>) target(%dma_start3A_20 : memref<640x128xf32, #tpu.memory_space<vmem_shared>>) target_semaphore(%run_scoped3A : memref<!tpu.dma_semaphore, #tpu.memory_space<semaphore_mem>>)
        %dma_wait3A = arith.constant 0 : i32
        %dma_wait3A_21 = tpu.memref_slice %arg12[%mul3A_11, %dma_wait3A] : memref<10240x128xf32, #tpu.memory_space<vmem_shared>> -> memref<640x128xf32, #tpu.memory_space<vmem_shared>>
        tpu.wait_dma2 semaphore(%run_scoped3A : memref<!tpu.dma_semaphore, #tpu.memory_space<semaphore_mem>>) src(%arg5 : memref<640x128xf32, #tpu.memory_space<hbm>>) dst(%dma_wait3A_21 : memref<640x128xf32, #tpu.memory_space<vmem_shared>>)
        tpu.yield
      }) : () -> ()
      %barrier3A = arith.constant 0 : index
      tpu.barrier barrier_id(%barrier3A)
      %scan3A = arith.constant 0 : i32
      %scan3A_12 = arith.constant 0 : i32
      %scan3A_13 = arith.constant 2 : i32
      %scan3A_14 = arith.addi %scan3A_12, %scan3A_13 : i32
      %scan3A_15 = arith.constant 1 : i32
      scf.for %scan3A_20 = %scan3A_12 to %scan3A_14 step %scan3A_15  : i32 {
        %mul3A_21 = arith.constant 40 : i32
        %mul3A_22 = arith.muli %scan3A_20, %mul3A_21 : i32
        %add3A_23 = arith.addi %mul3A_2, %mul3A_22 : i32
        %multiple_of3A = tpu.assume_multiple %add3A_23, 8 : i32
        "tpu.region"() ({
          %run_scoped3A = tpu.sem_alloc : memref<!tpu.dma_semaphore, #tpu.memory_space<semaphore_mem>>
          %dma_start3A_84 = arith.constant 0 : i32
          %dma_start3A_85 = tpu.memref_slice %arg3[%multiple_of3A, %dma_start3A_84] : memref<2560x125xi32, #tpu.memory_space<hbm>> -> memref<40x125xi32, #tpu.memory_space<hbm>>
          %dma_start3A_86 = arith.constant 0 : i32
          %dma_start3A_87 = tpu.memref_slice %arg3[%multiple_of3A, %dma_start3A_86] : memref<2560x125xi32, #tpu.memory_space<hbm>> -> memref<40x125xi32, #tpu.memory_space<hbm>>
          tpu.enqueue_dma source(%dma_start3A_87 : memref<40x125xi32, #tpu.memory_space<hbm>>) target(%arg8 : memref<40x125xi32, #tpu.memory_space<vmem>>) target_semaphore(%run_scoped3A : memref<!tpu.dma_semaphore, #tpu.memory_space<semaphore_mem>>)
          %dma_wait3A_88 = arith.constant 0 : i32
          %dma_wait3A_89 = tpu.memref_slice %arg3[%multiple_of3A, %dma_wait3A_88] : memref<2560x125xi32, #tpu.memory_space<hbm>> -> memref<40x125xi32, #tpu.memory_space<hbm>>
          %dma_wait3A_90 = arith.constant 0 : i32
          %dma_wait3A_91 = tpu.memref_slice %arg3[%multiple_of3A, %dma_wait3A_90] : memref<2560x125xi32, #tpu.memory_space<hbm>> -> memref<40x125xi32, #tpu.memory_space<hbm>>
          tpu.wait_dma2 semaphore(%run_scoped3A : memref<!tpu.dma_semaphore, #tpu.memory_space<semaphore_mem>>) src(%dma_wait3A_91 : memref<40x125xi32, #tpu.memory_space<hbm>>) dst(%arg8 : memref<40x125xi32, #tpu.memory_space<vmem>>)
          tpu.yield
        }) : () -> ()
        "tpu.region"() ({
          %run_scoped3A = tpu.sem_alloc : memref<!tpu.dma_semaphore, #tpu.memory_space<semaphore_mem>>
          %dma_start3A_84 = arith.constant 0 : i32
          %dma_start3A_85 = tpu.memref_slice %arg4[%multiple_of3A, %dma_start3A_84] : memref<2560x125xi32, #tpu.memory_space<hbm>> -> memref<40x125xi32, #tpu.memory_space<hbm>>
          %dma_start3A_86 = arith.constant 0 : i32
          %dma_start3A_87 = tpu.memref_slice %arg4[%multiple_of3A, %dma_start3A_86] : memref<2560x125xi32, #tpu.memory_space<hbm>> -> memref<40x125xi32, #tpu.memory_space<hbm>>
          tpu.enqueue_dma source(%dma_start3A_87 : memref<40x125xi32, #tpu.memory_space<hbm>>) target(%arg9 : memref<40x125xi32, #tpu.memory_space<vmem>>) target_semaphore(%run_scoped3A : memref<!tpu.dma_semaphore, #tpu.memory_space<semaphore_mem>>)
          %dma_wait3A_88 = arith.constant 0 : i32
          %dma_wait3A_89 = tpu.memref_slice %arg4[%multiple_of3A, %dma_wait3A_88] : memref<2560x125xi32, #tpu.memory_space<hbm>> -> memref<40x125xi32, #tpu.memory_space<hbm>>
          %dma_wait3A_90 = arith.constant 0 : i32
          %dma_wait3A_91 = tpu.memref_slice %arg4[%multiple_of3A, %dma_wait3A_90] : memref<2560x125xi32, #tpu.memory_space<hbm>> -> memref<40x125xi32, #tpu.memory_space<hbm>>
          tpu.wait_dma2 semaphore(%run_scoped3A : memref<!tpu.dma_semaphore, #tpu.memory_space<semaphore_mem>>) src(%dma_wait3A_91 : memref<40x125xi32, #tpu.memory_space<hbm>>) dst(%arg9 : memref<40x125xi32, #tpu.memory_space<vmem>>)
          tpu.yield
        }) : () -> ()
        %dma_start3A = arith.constant 0 : i32
        %dma_start3A_24 = arith.constant 0 : i32
        %dma_start3A_25 = tpu.memref_slice %arg8[%dma_start3A, %dma_start3A_24] : memref<40x125xi32, #tpu.memory_space<vmem>> -> memref<1x125xi32, #tpu.memory_space<vmem>>
        %dma_start3A_26 = tpu.memref_squeeze %dma_start3A_25 : memref<1x125xi32, #tpu.memory_space<vmem>> -> memref<125xi32, #tpu.memory_space<vmem>>
        %dma_start3A_27 = arith.constant 0 : i32
        %dma_start3A_28 = arith.constant 0 : i32
        %dma_start3A_29 = tpu.memref_slice %arg2[%dma_start3A_27, %dma_start3A_28] : memref<10240x128xf32, #tpu.memory_space<hbm>> -> memref<10240x128xf32, #tpu.memory_space<hbm>>
        tpu.enqueue_indirect_dma source(%dma_start3A_29 : memref<10240x128xf32, #tpu.memory_space<hbm>>) target(%arg10 : memref<125x128xf32, #tpu.memory_space<vmem>>) offsets(%dma_start3A_26 : memref<125xi32, #tpu.memory_space<vmem>>) semaphore(%arg13 : memref<!tpu.dma_semaphore, #tpu.memory_space<semaphore_mem>>)
        %dma_start3A_30 = arith.constant 1 : i32
        %dma_start3A_31 = arith.constant 0 : i32
        %dma_start3A_32 = tpu.memref_slice %arg8[%dma_start3A_30, %dma_start3A_31] : memref<40x125xi32, #tpu.memory_space<vmem>> -> memref<1x125xi32, #tpu.memory_space<vmem>>
        %dma_start3A_33 = tpu.memref_squeeze %dma_start3A_32 : memref<1x125xi32, #tpu.memory_space<vmem>> -> memref<125xi32, #tpu.memory_space<vmem>>
        %dma_start3A_34 = arith.constant 0 : i32
        %dma_start3A_35 = arith.constant 0 : i32
        %dma_start3A_36 = tpu.memref_slice %arg2[%dma_start3A_34, %dma_start3A_35] : memref<10240x128xf32, #tpu.memory_space<hbm>> -> memref<10240x128xf32, #tpu.memory_space<hbm>>
        tpu.enqueue_indirect_dma source(%dma_start3A_36 : memref<10240x128xf32, #tpu.memory_space<hbm>>) target(%arg11 : memref<125x128xf32, #tpu.memory_space<vmem>>) offsets(%dma_start3A_33 : memref<125xi32, #tpu.memory_space<vmem>>) semaphore(%arg13 : memref<!tpu.dma_semaphore, #tpu.memory_space<semaphore_mem>>)
        %scan3A_37 = arith.constant 0 : i32
        %scan3A_38 = arith.constant 0 : i32
        %scan3A_39 = arith.constant 19 : i32
        %scan3A_40 = arith.addi %scan3A_38, %scan3A_39 : i32
        %scan3A_41 = arith.constant 1 : i32
        scf.for %scan3A_84 = %scan3A_38 to %scan3A_40 step %scan3A_41  : i32 {
          %mul3A_85 = arith.constant 2 : i32
          %mul3A_86 = arith.muli %scan3A_84, %mul3A_85 : i32
          %dma_wait3A_87 = arith.constant 0 : i32
          %dma_wait3A_88 = tpu.memref_slice %arg8[%mul3A_86, %dma_wait3A_87] : memref<40x125xi32, #tpu.memory_space<vmem>> -> memref<1x125xi32, #tpu.memory_space<vmem>>
          %dma_wait3A_89 = tpu.memref_squeeze %dma_wait3A_88 : memref<1x125xi32, #tpu.memory_space<vmem>> -> memref<125xi32, #tpu.memory_space<vmem>>
          %dma_wait3A_90 = arith.constant 0 : i32
          %dma_wait3A_91 = arith.constant 0 : i32
          %dma_wait3A_92 = tpu.memref_slice %arg2[%dma_wait3A_90, %dma_wait3A_91] : memref<10240x128xf32, #tpu.memory_space<hbm>> -> memref<10240x128xf32, #tpu.memory_space<hbm>>
          tpu.wait_indirect_dma semaphore(%arg13 : memref<!tpu.dma_semaphore, #tpu.memory_space<semaphore_mem>>) src(%dma_wait3A_92 : memref<10240x128xf32, #tpu.memory_space<hbm>>) dst(%arg10 : memref<125x128xf32, #tpu.memory_space<vmem>>)
          %dma_start3A_93 = arith.constant 0 : i32
          %dma_start3A_94 = tpu.memref_slice %arg9[%mul3A_86, %dma_start3A_93] : memref<40x125xi32, #tpu.memory_space<vmem>> -> memref<1x125xi32, #tpu.memory_space<vmem>>
          %dma_start3A_95 = tpu.memref_squeeze %dma_start3A_94 : memref<1x125xi32, #tpu.memory_space<vmem>> -> memref<125xi32, #tpu.memory_space<vmem>>
          %dma_start3A_96 = arith.constant 0 : i32
          %dma_start3A_97 = arith.constant 0 : i32
          %dma_start3A_98 = tpu.memref_slice %arg12[%dma_start3A_96, %dma_start3A_97] : memref<10240x128xf32, #tpu.memory_space<vmem_shared>> -> memref<10240x128xf32, #tpu.memory_space<vmem_shared>>
          tpu.enqueue_indirect_dma source(%arg10 : memref<125x128xf32, #tpu.memory_space<vmem>>) target(%dma_start3A_98 : memref<10240x128xf32, #tpu.memory_space<vmem_shared>>) offsets(%dma_start3A_95 : memref<125xi32, #tpu.memory_space<vmem>>) semaphore(%arg14 : memref<!tpu.dma_semaphore, #tpu.memory_space<semaphore_mem>>) {add = true}
          %add3A_99 = arith.constant 1 : i32
          %add3A_100 = arith.addi %mul3A_86, %add3A_99 : i32
          %dma_wait3A_101 = arith.constant 0 : i32
          %dma_wait3A_102 = tpu.memref_slice %arg8[%add3A_100, %dma_wait3A_101] : memref<40x125xi32, #tpu.memory_space<vmem>> -> memref<1x125xi32, #tpu.memory_space<vmem>>
          %dma_wait3A_103 = tpu.memref_squeeze %dma_wait3A_102 : memref<1x125xi32, #tpu.memory_space<vmem>> -> memref<125xi32, #tpu.memory_space<vmem>>
          %dma_wait3A_104 = arith.constant 0 : i32
          %dma_wait3A_105 = arith.constant 0 : i32
          %dma_wait3A_106 = tpu.memref_slice %arg2[%dma_wait3A_104, %dma_wait3A_105] : memref<10240x128xf32, #tpu.memory_space<hbm>> -> memref<10240x128xf32, #tpu.memory_space<hbm>>
          tpu.wait_indirect_dma semaphore(%arg13 : memref<!tpu.dma_semaphore, #tpu.memory_space<semaphore_mem>>) src(%dma_wait3A_106 : memref<10240x128xf32, #tpu.memory_space<hbm>>) dst(%arg11 : memref<125x128xf32, #tpu.memory_space<vmem>>)
          %add3A_107 = arith.constant 1 : i32
          %add3A_108 = arith.addi %mul3A_86, %add3A_107 : i32
          %dma_start3A_109 = arith.constant 0 : i32
          %dma_start3A_110 = tpu.memref_slice %arg9[%add3A_108, %dma_start3A_109] : memref<40x125xi32, #tpu.memory_space<vmem>> -> memref<1x125xi32, #tpu.memory_space<vmem>>
          %dma_start3A_111 = tpu.memref_squeeze %dma_start3A_110 : memref<1x125xi32, #tpu.memory_space<vmem>> -> memref<125xi32, #tpu.memory_space<vmem>>
          %dma_start3A_112 = arith.constant 0 : i32
          %dma_start3A_113 = arith.constant 0 : i32
          %dma_start3A_114 = tpu.memref_slice %arg12[%dma_start3A_112, %dma_start3A_113] : memref<10240x128xf32, #tpu.memory_space<vmem_shared>> -> memref<10240x128xf32, #tpu.memory_space<vmem_shared>>
          tpu.enqueue_indirect_dma source(%arg11 : memref<125x128xf32, #tpu.memory_space<vmem>>) target(%dma_start3A_114 : memref<10240x128xf32, #tpu.memory_space<vmem_shared>>) offsets(%dma_start3A_111 : memref<125xi32, #tpu.memory_space<vmem>>) semaphore(%arg14 : memref<!tpu.dma_semaphore, #tpu.memory_space<semaphore_mem>>) {add = true}
          %dma_wait3A_115 = arith.constant 0 : i32
          %dma_wait3A_116 = tpu.memref_slice %arg9[%mul3A_86, %dma_wait3A_115] : memref<40x125xi32, #tpu.memory_space<vmem>> -> memref<1x125xi32, #tpu.memory_space<vmem>>
          %dma_wait3A_117 = tpu.memref_squeeze %dma_wait3A_116 : memref<1x125xi32, #tpu.memory_space<vmem>> -> memref<125xi32, #tpu.memory_space<vmem>>
          %dma_wait3A_118 = arith.constant 0 : i32
          %dma_wait3A_119 = arith.constant 0 : i32
          %dma_wait3A_120 = tpu.memref_slice %arg12[%dma_wait3A_118, %dma_wait3A_119] : memref<10240x128xf32, #tpu.memory_space<vmem_shared>> -> memref<10240x128xf32, #tpu.memory_space<vmem_shared>>
          tpu.wait_indirect_dma semaphore(%arg14 : memref<!tpu.dma_semaphore, #tpu.memory_space<semaphore_mem>>) src(%arg10 : memref<125x128xf32, #tpu.memory_space<vmem>>) dst(%dma_wait3A_120 : memref<10240x128xf32, #tpu.memory_space<vmem_shared>>)
          %add3A_121 = arith.constant 2 : i32
          %add3A_122 = arith.addi %mul3A_86, %add3A_121 : i32
          %dma_start3A_123 = arith.constant 0 : i32
          %dma_start3A_124 = tpu.memref_slice %arg8[%add3A_122, %dma_start3A_123] : memref<40x125xi32, #tpu.memory_space<vmem>> -> memref<1x125xi32, #tpu.memory_space<vmem>>
          %dma_start3A_125 = tpu.memref_squeeze %dma_start3A_124 : memref<1x125xi32, #tpu.memory_space<vmem>> -> memref<125xi32, #tpu.memory_space<vmem>>
          %dma_start3A_126 = arith.constant 0 : i32
          %dma_start3A_127 = arith.constant 0 : i32
          %dma_start3A_128 = tpu.memref_slice %arg2[%dma_start3A_126, %dma_start3A_127] : memref<10240x128xf32, #tpu.memory_space<hbm>> -> memref<10240x128xf32, #tpu.memory_space<hbm>>
          tpu.enqueue_indirect_dma source(%dma_start3A_128 : memref<10240x128xf32, #tpu.memory_space<hbm>>) target(%arg10 : memref<125x128xf32, #tpu.memory_space<vmem>>) offsets(%dma_start3A_125 : memref<125xi32, #tpu.memory_space<vmem>>) semaphore(%arg13 : memref<!tpu.dma_semaphore, #tpu.memory_space<semaphore_mem>>)
          %add3A_129 = arith.constant 1 : i32
          %add3A_130 = arith.addi %mul3A_86, %add3A_129 : i32
          %dma_wait3A_131 = arith.constant 0 : i32
          %dma_wait3A_132 = tpu.memref_slice %arg9[%add3A_130, %dma_wait3A_131] : memref<40x125xi32, #tpu.memory_space<vmem>> -> memref<1x125xi32, #tpu.memory_space<vmem>>
          %dma_wait3A_133 = tpu.memref_squeeze %dma_wait3A_132 : memref<1x125xi32, #tpu.memory_space<vmem>> -> memref<125xi32, #tpu.memory_space<vmem>>
          %dma_wait3A_134 = arith.constant 0 : i32
          %dma_wait3A_135 = arith.constant 0 : i32
          %dma_wait3A_136 = tpu.memref_slice %arg12[%dma_wait3A_134, %dma_wait3A_135] : memref<10240x128xf32, #tpu.memory_space<vmem_shared>> -> memref<10240x128xf32, #tpu.memory_space<vmem_shared>>
          tpu.wait_indirect_dma semaphore(%arg14 : memref<!tpu.dma_semaphore, #tpu.memory_space<semaphore_mem>>) src(%arg11 : memref<125x128xf32, #tpu.memory_space<vmem>>) dst(%dma_wait3A_136 : memref<10240x128xf32, #tpu.memory_space<vmem_shared>>)
          %add3A_137 = arith.constant 3 : i32
          %add3A_138 = arith.addi %mul3A_86, %add3A_137 : i32
          %dma_start3A_139 = arith.constant 0 : i32
          %dma_start3A_140 = tpu.memref_slice %arg8[%add3A_138, %dma_start3A_139] : memref<40x125xi32, #tpu.memory_space<vmem>> -> memref<1x125xi32, #tpu.memory_space<vmem>>
          %dma_start3A_141 = tpu.memref_squeeze %dma_start3A_140 : memref<1x125xi32, #tpu.memory_space<vmem>> -> memref<125xi32, #tpu.memory_space<vmem>>
          %dma_start3A_142 = arith.constant 0 : i32
          %dma_start3A_143 = arith.constant 0 : i32
          %dma_start3A_144 = tpu.memref_slice %arg2[%dma_start3A_142, %dma_start3A_143] : memref<10240x128xf32, #tpu.memory_space<hbm>> -> memref<10240x128xf32, #tpu.memory_space<hbm>>
          tpu.enqueue_indirect_dma source(%dma_start3A_144 : memref<10240x128xf32, #tpu.memory_space<hbm>>) target(%arg11 : memref<125x128xf32, #tpu.memory_space<vmem>>) offsets(%dma_start3A_141 : memref<125xi32, #tpu.memory_space<vmem>>) semaphore(%arg13 : memref<!tpu.dma_semaphore, #tpu.memory_space<semaphore_mem>>)
        }
        %scan3A_42 = arith.constant 19 : i32
        %dma_wait3A = arith.constant 38 : i32
        %dma_wait3A_43 = arith.constant 0 : i32
        %dma_wait3A_44 = tpu.memref_slice %arg8[%dma_wait3A, %dma_wait3A_43] : memref<40x125xi32, #tpu.memory_space<vmem>> -> memref<1x125xi32, #tpu.memory_space<vmem>>
        %dma_wait3A_45 = tpu.memref_squeeze %dma_wait3A_44 : memref<1x125xi32, #tpu.memory_space<vmem>> -> memref<125xi32, #tpu.memory_space<vmem>>
        %dma_wait3A_46 = arith.constant 0 : i32
        %dma_wait3A_47 = arith.constant 0 : i32
        %dma_wait3A_48 = tpu.memref_slice %arg2[%dma_wait3A_46, %dma_wait3A_47] : memref<10240x128xf32, #tpu.memory_space<hbm>> -> memref<10240x128xf32, #tpu.memory_space<hbm>>
        tpu.wait_indirect_dma semaphore(%arg13 : memref<!tpu.dma_semaphore, #tpu.memory_space<semaphore_mem>>) src(%dma_wait3A_48 : memref<10240x128xf32, #tpu.memory_space<hbm>>) dst(%arg10 : memref<125x128xf32, #tpu.memory_space<vmem>>)
        %dma_start3A_49 = arith.constant 38 : i32
        %dma_start3A_50 = arith.constant 0 : i32
        %dma_start3A_51 = tpu.memref_slice %arg9[%dma_start3A_49, %dma_start3A_50] : memref<40x125xi32, #tpu.memory_space<vmem>> -> memref<1x125xi32, #tpu.memory_space<vmem>>
        %dma_start3A_52 = tpu.memref_squeeze %dma_start3A_51 : memref<1x125xi32, #tpu.memory_space<vmem>> -> memref<125xi32, #tpu.memory_space<vmem>>
        %dma_start3A_53 = arith.constant 0 : i32
        %dma_start3A_54 = arith.constant 0 : i32
        %dma_start3A_55 = tpu.memref_slice %arg12[%dma_start3A_53, %dma_start3A_54] : memref<10240x128xf32, #tpu.memory_space<vmem_shared>> -> memref<10240x128xf32, #tpu.memory_space<vmem_shared>>
        tpu.enqueue_indirect_dma source(%arg10 : memref<125x128xf32, #tpu.memory_space<vmem>>) target(%dma_start3A_55 : memref<10240x128xf32, #tpu.memory_space<vmem_shared>>) offsets(%dma_start3A_52 : memref<125xi32, #tpu.memory_space<vmem>>) semaphore(%arg14 : memref<!tpu.dma_semaphore, #tpu.memory_space<semaphore_mem>>) {add = true}
        %dma_wait3A_56 = arith.constant 39 : i32
        %dma_wait3A_57 = arith.constant 0 : i32
        %dma_wait3A_58 = tpu.memref_slice %arg8[%dma_wait3A_56, %dma_wait3A_57] : memref<40x125xi32, #tpu.memory_space<vmem>> -> memref<1x125xi32, #tpu.memory_space<vmem>>
        %dma_wait3A_59 = tpu.memref_squeeze %dma_wait3A_58 : memref<1x125xi32, #tpu.memory_space<vmem>> -> memref<125xi32, #tpu.memory_space<vmem>>
        %dma_wait3A_60 = arith.constant 0 : i32
        %dma_wait3A_61 = arith.constant 0 : i32
        %dma_wait3A_62 = tpu.memref_slice %arg2[%dma_wait3A_60, %dma_wait3A_61] : memref<10240x128xf32, #tpu.memory_space<hbm>> -> memref<10240x128xf32, #tpu.memory_space<hbm>>
        tpu.wait_indirect_dma semaphore(%arg13 : memref<!tpu.dma_semaphore, #tpu.memory_space<semaphore_mem>>) src(%dma_wait3A_62 : memref<10240x128xf32, #tpu.memory_space<hbm>>) dst(%arg11 : memref<125x128xf32, #tpu.memory_space<vmem>>)
        %dma_start3A_63 = arith.constant 39 : i32
        %dma_start3A_64 = arith.constant 0 : i32
        %dma_start3A_65 = tpu.memref_slice %arg9[%dma_start3A_63, %dma_start3A_64] : memref<40x125xi32, #tpu.memory_space<vmem>> -> memref<1x125xi32, #tpu.memory_space<vmem>>
        %dma_start3A_66 = tpu.memref_squeeze %dma_start3A_65 : memref<1x125xi32, #tpu.memory_space<vmem>> -> memref<125xi32, #tpu.memory_space<vmem>>
        %dma_start3A_67 = arith.constant 0 : i32
        %dma_start3A_68 = arith.constant 0 : i32
        %dma_start3A_69 = tpu.memref_slice %arg12[%dma_start3A_67, %dma_start3A_68] : memref<10240x128xf32, #tpu.memory_space<vmem_shared>> -> memref<10240x128xf32, #tpu.memory_space<vmem_shared>>
        tpu.enqueue_indirect_dma source(%arg11 : memref<125x128xf32, #tpu.memory_space<vmem>>) target(%dma_start3A_69 : memref<10240x128xf32, #tpu.memory_space<vmem_shared>>) offsets(%dma_start3A_66 : memref<125xi32, #tpu.memory_space<vmem>>) semaphore(%arg14 : memref<!tpu.dma_semaphore, #tpu.memory_space<semaphore_mem>>) {add = true}
        %dma_wait3A_70 = arith.constant 38 : i32
        %dma_wait3A_71 = arith.constant 0 : i32
        %dma_wait3A_72 = tpu.memref_slice %arg9[%dma_wait3A_70, %dma_wait3A_71] : memref<40x125xi32, #tpu.memory_space<vmem>> -> memref<1x125xi32, #tpu.memory_space<vmem>>
        %dma_wait3A_73 = tpu.memref_squeeze %dma_wait3A_72 : memref<1x125xi32, #tpu.memory_space<vmem>> -> memref<125xi32, #tpu.memory_space<vmem>>
        %dma_wait3A_74 = arith.constant 0 : i32
        %dma_wait3A_75 = arith.constant 0 : i32
        %dma_wait3A_76 = tpu.memref_slice %arg12[%dma_wait3A_74, %dma_wait3A_75] : memref<10240x128xf32, #tpu.memory_space<vmem_shared>> -> memref<10240x128xf32, #tpu.memory_space<vmem_shared>>
        tpu.wait_indirect_dma semaphore(%arg14 : memref<!tpu.dma_semaphore, #tpu.memory_space<semaphore_mem>>) src(%arg10 : memref<125x128xf32, #tpu.memory_space<vmem>>) dst(%dma_wait3A_76 : memref<10240x128xf32, #tpu.memory_space<vmem_shared>>)
        %dma_wait3A_77 = arith.constant 39 : i32
        %dma_wait3A_78 = arith.constant 0 : i32
        %dma_wait3A_79 = tpu.memref_slice %arg9[%dma_wait3A_77, %dma_wait3A_78] : memref<40x125xi32, #tpu.memory_space<vmem>> -> memref<1x125xi32, #tpu.memory_space<vmem>>
        %dma_wait3A_80 = tpu.memref_squeeze %dma_wait3A_79 : memref<1x125xi32, #tpu.memory_space<vmem>> -> memref<125xi32, #tpu.memory_space<vmem>>
        %dma_wait3A_81 = arith.constant 0 : i32
        %dma_wait3A_82 = arith.constant 0 : i32
        %dma_wait3A_83 = tpu.memref_slice %arg12[%dma_wait3A_81, %dma_wait3A_82] : memref<10240x128xf32, #tpu.memory_space<vmem_shared>> -> memref<10240x128xf32, #tpu.memory_space<vmem_shared>>
        tpu.wait_indirect_dma semaphore(%arg14 : memref<!tpu.dma_semaphore, #tpu.memory_space<semaphore_mem>>) src(%arg11 : memref<125x128xf32, #tpu.memory_space<vmem>>) dst(%dma_wait3A_83 : memref<10240x128xf32, #tpu.memory_space<vmem_shared>>)
      }
      %scan3A_16 = arith.constant 2 : i32
      %barrier3A_17 = arith.constant 0 : index
      tpu.barrier barrier_id(%barrier3A_17)
      %mul3A_18 = arith.constant 640 : i32
      %mul3A_19 = arith.muli %arg1, %mul3A_18 : i32
      "tpu.region"() ({
        %run_scoped3A = tpu.sem_alloc : memref<!tpu.dma_semaphore, #tpu.memory_space<semaphore_mem>>
        %dma_start3A = arith.constant 0 : i32
        %dma_start3A_20 = tpu.memref_slice %arg7[%mul3A_19, %dma_start3A] : memref<10240x128xf32, #tpu.memory_space<hbm>> -> memref<640x128xf32, #tpu.memory_space<hbm>>
        %dma_start3A_21 = arith.constant 0 : i32
        %dma_start3A_22 = tpu.memref_slice %arg12[%mul3A_19, %dma_start3A_21] : memref<10240x128xf32, #tpu.memory_space<vmem_shared>> -> memref<640x128xf32, #tpu.memory_space<vmem_shared>>
        tpu.enqueue_dma source(%dma_start3A_22 : memref<640x128xf32, #tpu.memory_space<vmem_shared>>) target(%dma_start3A_20 : memref<640x128xf32, #tpu.memory_space<hbm>>) target_semaphore(%run_scoped3A : memref<!tpu.dma_semaphore, #tpu.memory_space<semaphore_mem>>)
        %dma_wait3A = arith.constant 0 : i32
        %dma_wait3A_23 = tpu.memref_slice %arg7[%mul3A_19, %dma_wait3A] : memref<10240x128xf32, #tpu.memory_space<hbm>> -> memref<640x128xf32, #tpu.memory_space<hbm>>
        %dma_wait3A_24 = arith.constant 0 : i32
        %dma_wait3A_25 = tpu.memref_slice %arg12[%mul3A_19, %dma_wait3A_24] : memref<10240x128xf32, #tpu.memory_space<vmem_shared>> -> memref<640x128xf32, #tpu.memory_space<vmem_shared>>
        tpu.wait_dma2 semaphore(%run_scoped3A : memref<!tpu.dma_semaphore, #tpu.memory_space<semaphore_mem>>) src(%dma_wait3A_25 : memref<640x128xf32, #tpu.memory_space<vmem_shared>>) dst(%dma_wait3A_23 : memref<640x128xf32, #tpu.memory_space<hbm>>)
        tpu.yield
      }) : () -> ()
    } else {
    }
    return
  }
}

module attributes {stable_mosaic.version = 14 : i64} {
  func.func @_tc1_body(%arg0: i32, %arg1: memref<1000x128xf32, #tpu.memory_space<vmem>>, %arg2: memref<1000x128xf32, #tpu.memory_space<vmem>>, %arg3: memref<1000x128xf32, #tpu.memory_space<vmem>>, %arg4: memref<128x256xf32, #tpu.memory_space<vmem>>, %arg5: memref<1000x128xf32, #tpu.memory_space<vmem>>, %arg6: memref<1000x128xf32, #tpu.memory_space<vmem>>) attributes {dimension_semantics = [#tpu.dimension_semantics<arbitrary>], iteration_bounds = array<i64: 10>, scalar_prefetch = 0 : i64, scratch_operands = 0 : i64, tpu.core_type = #tpu.core_type<tc>, window_params = [{transform_indices = @transform_0, window_bounds = array<i64: 1000, 128>}, {transform_indices = @transform_1, window_bounds = array<i64: 1000, 128>}, {transform_indices = @transform_2, window_bounds = array<i64: 1000, 128>}, {pipeline_mode = #tpu.pipeline_mode<synchronous>, transform_indices = @transform_3, window_bounds = array<i64: 128, 256>}, {transform_indices = @transform_4, window_bounds = array<i64: 1000, 128>}, {transform_indices = @transform_5, window_bounds = array<i64: 1000, 128>}]} {
    %get3A = arith.constant 0 : index
    %get3A_0 = arith.constant 0 : index
    %get3A_1 = vector.load %arg2[%get3A, %get3A_0] : memref<1000x128xf32, #tpu.memory_space<vmem>>, vector<1000x1xf32>
    %get3A_2 = arith.constant 0 : index
    %get3A_3 = arith.constant 0 : index
    %get3A_4 = vector.load %arg3[%get3A_2, %get3A_3] : memref<1000x128xf32, #tpu.memory_space<vmem>>, vector<1000x1xf32>
    %add3A = arith.addf %get3A_1, %get3A_4 : vector<1000x1xf32>
    %add3A_5 = arith.constant 1.000000e+00 : f32
    %add3A_6 = vector.broadcast %add3A_5 : f32 to vector<1000x1xf32>
    %add3A_7 = arith.addf %add3A, %add3A_6 : vector<1000x1xf32>
    %rsqrt3A = math.rsqrt %add3A_7 : vector<1000x1xf32>
    %get3A_8 = arith.constant 0 : index
    %get3A_9 = arith.constant 0 : index
    %get3A_10 = vector.load %arg1[%get3A_8, %get3A_9] : memref<1000x128xf32, #tpu.memory_space<vmem>>, vector<1000x128xf32>
    %get3A_11 = arith.constant 0 : index
    %get3A_12 = arith.constant 0 : index
    %get3A_13 = vector.load %arg4[%get3A_11, %get3A_12] : memref<128x256xf32, #tpu.memory_space<vmem>>, vector<128x256xf32>
    %dot_general3A = arith.constant dense<0.000000e+00> : vector<1000x256xf32>
    %dot_general3A_14 = tpu.matmul %get3A_10, %get3A_13, %dot_general3A {dimension_numbers = #tpu.dot_dimension_numbers<[1], [0], [0], [1], [0, 0, 1, 1], [], []>, transpose_lhs_hint = false} : vector<1000x128xf32>, vector<128x256xf32>, vector<1000x256xf32> -> vector<1000x256xf32>
    %mul3A = vector.broadcast %rsqrt3A : vector<1000x1xf32> to vector<1000x256xf32>
    %mul3A_15 = arith.mulf %dot_general3A_14, %mul3A : vector<1000x256xf32>
    %slice3A = vector.extract_strided_slice %mul3A_15 {offsets = [0, 0], sizes = [1000, 128], strides = [1, 1]} : vector<1000x256xf32> to vector<1000x128xf32>
    %swap3A = arith.constant 0 : index
    %swap3A_16 = arith.constant 0 : index
    %swap3A_17 = vector.load %arg5[%swap3A, %swap3A_16] : memref<1000x128xf32, #tpu.memory_space<vmem>>, vector<1000x128xf32>
    tpu.vector_store %arg5[%swap3A, %swap3A_16], %slice3A {strides = array<i32>} : memref<1000x128xf32, #tpu.memory_space<vmem>>, vector<1000x128xf32>,
    %slice3A_18 = vector.extract_strided_slice %mul3A_15 {offsets = [0, 128], sizes = [1000, 128], strides = [1, 1]} : vector<1000x256xf32> to vector<1000x128xf32>
    %swap3A_19 = arith.constant 0 : index
    %swap3A_20 = arith.constant 0 : index
    %swap3A_21 = vector.load %arg6[%swap3A_19, %swap3A_20] : memref<1000x128xf32, #tpu.memory_space<vmem>>, vector<1000x128xf32>
    tpu.vector_store %arg6[%swap3A_19, %swap3A_20], %slice3A_18 {strides = array<i32>} : memref<1000x128xf32, #tpu.memory_space<vmem>>, vector<1000x128xf32>,
    return
  }
  func.func @transform_0(%arg0: i32) -> (i32, i32) {
    %c0_i32 = arith.constant 0 : i32
    %c0_i32_0 = arith.constant 0 : i32
    return %arg0, %c0_i32 : i32, i32
  }
  func.func @transform_1(%arg0: i32) -> (i32, i32) {
    %c0_i32 = arith.constant 0 : i32
    %c0_i32_0 = arith.constant 0 : i32
    return %arg0, %c0_i32 : i32, i32
  }
  func.func @transform_2(%arg0: i32) -> (i32, i32) {
    %c0_i32 = arith.constant 0 : i32
    %c0_i32_0 = arith.constant 0 : i32
    return %arg0, %c0_i32 : i32, i32
  }
  func.func @transform_3(%arg0: i32) -> (i32, i32) {
    %c0_i32 = arith.constant 0 : i32
    %c0_i32_0 = arith.constant 0 : i32
    %c0_i32_1 = arith.constant 0 : i32
    return %c0_i32, %c0_i32_0 : i32, i32
  }
  func.func @transform_4(%arg0: i32) -> (i32, i32) {
    %c0_i32 = arith.constant 0 : i32
    %c0_i32_0 = arith.constant 0 : i32
    return %arg0, %c0_i32 : i32, i32
  }
  func.func @transform_5(%arg0: i32) -> (i32, i32) {
    %c0_i32 = arith.constant 0 : i32
    %c0_i32_0 = arith.constant 0 : i32
    return %arg0, %c0_i32 : i32, i32
  }
}

module attributes {stable_mosaic.version = 14 : i64} {
  func.func @_tc2_body(%arg0: i32, %arg1: memref<1000x128xf32, #tpu.memory_space<vmem>>, %arg2: memref<1000x128xf32, #tpu.memory_space<vmem>>, %arg3: memref<1000x128xf32, #tpu.memory_space<vmem>>, %arg4: memref<1000x128xf32, #tpu.memory_space<vmem>>, %arg5: memref<1000x128xf32, #tpu.memory_space<vmem>>, %arg6: memref<1000x128xf32, #tpu.memory_space<vmem>>, %arg7: memref<256x128xf32, #tpu.memory_space<vmem>>, %arg8: memref<1x256xf32, #tpu.memory_space<vmem>>, %arg9: memref<1000x128xf32, #tpu.memory_space<vmem>>) attributes {dimension_semantics = [#tpu.dimension_semantics<arbitrary>], iteration_bounds = array<i64: 10>, scalar_prefetch = 0 : i64, scratch_operands = 0 : i64, tpu.core_type = #tpu.core_type<tc>, window_params = [{transform_indices = @transform_0, window_bounds = array<i64: 1000, 128>}, {transform_indices = @transform_1, window_bounds = array<i64: 1000, 128>}, {transform_indices = @transform_2, window_bounds = array<i64: 1000, 128>}, {transform_indices = @transform_3, window_bounds = array<i64: 1000, 128>}, {transform_indices = @transform_4, window_bounds = array<i64: 1000, 128>}, {transform_indices = @transform_5, window_bounds = array<i64: 1000, 128>}, {pipeline_mode = #tpu.pipeline_mode<synchronous>, transform_indices = @transform_6, window_bounds = array<i64: 256, 128>}, {pipeline_mode = #tpu.pipeline_mode<synchronous>, transform_indices = @transform_7, window_bounds = array<i64: 1, 256>}, {transform_indices = @transform_8, window_bounds = array<i64: 1000, 128>}]} {
    %get3A = arith.constant 0 : index
    %get3A_0 = arith.constant 0 : index
    %get3A_1 = vector.load %arg5[%get3A, %get3A_0] : memref<1000x128xf32, #tpu.memory_space<vmem>>, vector<1000x1xf32>
    %get3A_2 = arith.constant 0 : index
    %get3A_3 = arith.constant 0 : index
    %get3A_4 = vector.load %arg6[%get3A_2, %get3A_3] : memref<1000x128xf32, #tpu.memory_space<vmem>>, vector<1000x1xf32>
    %add3A = arith.addf %get3A_1, %get3A_4 : vector<1000x1xf32>
    %add3A_5 = arith.constant 1.000000e+00 : f32
    %add3A_6 = vector.broadcast %add3A_5 : f32 to vector<1000x1xf32>
    %add3A_7 = arith.addf %add3A, %add3A_6 : vector<1000x1xf32>
    %rsqrt3A = math.rsqrt %add3A_7 : vector<1000x1xf32>
    %get3A_8 = arith.constant 0 : index
    %get3A_9 = arith.constant 0 : index
    %get3A_10 = vector.load %arg8[%get3A_8, %get3A_9] : memref<1x256xf32, #tpu.memory_space<vmem>>, vector<1x256xf32>
    %get3A_11 = arith.constant 0 : index
    %get3A_12 = arith.constant 0 : index
    %get3A_13 = vector.load %arg1[%get3A_11, %get3A_12] : memref<1000x128xf32, #tpu.memory_space<vmem>>, vector<1000x128xf32>
    %get3A_14 = arith.constant 0 : index
    %get3A_15 = arith.constant 0 : index
    %get3A_16 = vector.load %arg3[%get3A_14, %get3A_15] : memref<1000x128xf32, #tpu.memory_space<vmem>>, vector<1000x128xf32>
    %add3A_17 = arith.addf %get3A_13, %get3A_16 : vector<1000x128xf32>
    %mul3A = vector.broadcast %rsqrt3A : vector<1000x1xf32> to vector<1000x128xf32>
    %mul3A_18 = arith.mulf %mul3A, %add3A_17 : vector<1000x128xf32>
    %slice3A = vector.extract_strided_slice %get3A_10 {offsets = [0, 0], sizes = [1, 128], strides = [1, 1]} : vector<1x256xf32> to vector<1x128xf32>
    %add3A_19 = vector.broadcast %slice3A : vector<1x128xf32> to vector<1000x128xf32>
    %add3A_20 = arith.addf %mul3A_18, %add3A_19 : vector<1000x128xf32>
    %max3A = arith.constant 0.000000e+00 : f32
    %max3A_21 = vector.broadcast %max3A : f32 to vector<1000x128xf32>
    %max3A_22 = arith.maximumf %add3A_20, %max3A_21 : vector<1000x128xf32>
    %get3A_23 = arith.constant 0 : index
    %get3A_24 = arith.constant 0 : index
    %get3A_25 = vector.load %arg2[%get3A_23, %get3A_24] : memref<1000x128xf32, #tpu.memory_space<vmem>>, vector<1000x128xf32>
    %get3A_26 = arith.constant 0 : index
    %get3A_27 = arith.constant 0 : index
    %get3A_28 = vector.load %arg4[%get3A_26, %get3A_27] : memref<1000x128xf32, #tpu.memory_space<vmem>>, vector<1000x128xf32>
    %add3A_29 = arith.addf %get3A_25, %get3A_28 : vector<1000x128xf32>
    %mul3A_30 = vector.broadcast %rsqrt3A : vector<1000x1xf32> to vector<1000x128xf32>
    %mul3A_31 = arith.mulf %mul3A_30, %add3A_29 : vector<1000x128xf32>
    %slice3A_32 = vector.extract_strided_slice %get3A_10 {offsets = [0, 128], sizes = [1, 128], strides = [1, 1]} : vector<1x256xf32> to vector<1x128xf32>
    %add3A_33 = vector.broadcast %slice3A_32 : vector<1x128xf32> to vector<1000x128xf32>
    %add3A_34 = arith.addf %mul3A_31, %add3A_33 : vector<1000x128xf32>
    %max3A_35 = arith.constant 0.000000e+00 : f32
    %max3A_36 = vector.broadcast %max3A_35 : f32 to vector<1000x128xf32>
    %max3A_37 = arith.maximumf %add3A_34, %max3A_36 : vector<1000x128xf32>
    %concatenate3A = tpu.concatenate %max3A_22, %max3A_37 in 1 : vector<1000x128xf32>, vector<1000x128xf32> -> vector<1000x256xf32>
    %get3A_38 = arith.constant 0 : index
    %get3A_39 = arith.constant 0 : index
    %get3A_40 = vector.load %arg7[%get3A_38, %get3A_39] : memref<256x128xf32, #tpu.memory_space<vmem>>, vector<256x128xf32>
    %dot_general3A = arith.constant dense<0.000000e+00> : vector<1000x128xf32>
    %dot_general3A_41 = tpu.matmul %concatenate3A, %get3A_40, %dot_general3A {dimension_numbers = #tpu.dot_dimension_numbers<[1], [0], [0], [1], [0, 0, 1, 1], [], []>, transpose_lhs_hint = false} : vector<1000x256xf32>, vector<256x128xf32>, vector<1000x128xf32> -> vector<1000x128xf32>
    %mul3A_42 = vector.broadcast %rsqrt3A : vector<1000x1xf32> to vector<1000x128xf32>
    %mul3A_43 = arith.mulf %mul3A_42, %dot_general3A_41 : vector<1000x128xf32>
    %swap3A = arith.constant 0 : index
    %swap3A_44 = arith.constant 0 : index
    %swap3A_45 = vector.load %arg9[%swap3A, %swap3A_44] : memref<1000x128xf32, #tpu.memory_space<vmem>>, vector<1000x128xf32>
    tpu.vector_store %arg9[%swap3A, %swap3A_44], %mul3A_43 {strides = array<i32>} : memref<1000x128xf32, #tpu.memory_space<vmem>>, vector<1000x128xf32>,
    return
  }
  func.func @transform_0(%arg0: i32) -> (i32, i32) {
    %c0_i32 = arith.constant 0 : i32
    %c0_i32_0 = arith.constant 0 : i32
    return %arg0, %c0_i32 : i32, i32
  }
  func.func @transform_1(%arg0: i32) -> (i32, i32) {
    %c0_i32 = arith.constant 0 : i32
    %c0_i32_0 = arith.constant 0 : i32
    return %arg0, %c0_i32 : i32, i32
  }
  func.func @transform_2(%arg0: i32) -> (i32, i32) {
    %c0_i32 = arith.constant 0 : i32
    %c0_i32_0 = arith.constant 0 : i32
    return %arg0, %c0_i32 : i32, i32
  }
  func.func @transform_3(%arg0: i32) -> (i32, i32) {
    %c0_i32 = arith.constant 0 : i32
    %c0_i32_0 = arith.constant 0 : i32
    return %arg0, %c0_i32 : i32, i32
  }
  func.func @transform_4(%arg0: i32) -> (i32, i32) {
    %c0_i32 = arith.constant 0 : i32
    %c0_i32_0 = arith.constant 0 : i32
    return %arg0, %c0_i32 : i32, i32
  }
  func.func @transform_5(%arg0: i32) -> (i32, i32) {
    %c0_i32 = arith.constant 0 : i32
    %c0_i32_0 = arith.constant 0 : i32
    return %arg0, %c0_i32 : i32, i32
  }
  func.func @transform_6(%arg0: i32) -> (i32, i32) {
    %c0_i32 = arith.constant 0 : i32
    %c0_i32_0 = arith.constant 0 : i32
    %c0_i32_1 = arith.constant 0 : i32
    return %c0_i32, %c0_i32_0 : i32, i32
  }
  func.func @transform_7(%arg0: i32) -> (i32, i32) {
    %c0_i32 = arith.constant 0 : i32
    %c0_i32_0 = arith.constant 0 : i32
    %c0_i32_1 = arith.constant 0 : i32
    return %c0_i32, %c0_i32_0 : i32, i32
  }
  func.func @transform_8(%arg0: i32) -> (i32, i32) {
    %c0_i32 = arith.constant 0 : i32
    %c0_i32_0 = arith.constant 0 : i32
    return %arg0, %c0_i32 : i32, i32
  }
}

module attributes {stable_mosaic.version = 14 : i64} {
  func.func @_tc3_body(%arg0: i32, %arg1: memref<1000x128xf32, #tpu.memory_space<vmem>>, %arg2: memref<1000x128xf32, #tpu.memory_space<vmem>>, %arg3: memref<1000x128xf32, #tpu.memory_space<vmem>>, %arg4: memref<1000x128xf32, #tpu.memory_space<vmem>>, %arg5: memref<1000x128xf32, #tpu.memory_space<vmem>>, %arg6: memref<1x128xf32, #tpu.memory_space<vmem>>, %arg7: memref<1000x128xf32, #tpu.memory_space<vmem>>) attributes {dimension_semantics = [#tpu.dimension_semantics<arbitrary>], iteration_bounds = array<i64: 10>, scalar_prefetch = 0 : i64, scratch_operands = 0 : i64, tpu.core_type = #tpu.core_type<tc>, window_params = [{transform_indices = @transform_0, window_bounds = array<i64: 1000, 128>}, {transform_indices = @transform_1, window_bounds = array<i64: 1000, 128>}, {transform_indices = @transform_2, window_bounds = array<i64: 1000, 128>}, {transform_indices = @transform_3, window_bounds = array<i64: 1000, 128>}, {transform_indices = @transform_4, window_bounds = array<i64: 1000, 128>}, {pipeline_mode = #tpu.pipeline_mode<synchronous>, transform_indices = @transform_5, window_bounds = array<i64: 1, 128>}, {transform_indices = @transform_6, window_bounds = array<i64: 1000, 128>}]} {
    %get3A = arith.constant 0 : index
    %get3A_0 = arith.constant 0 : index
    %get3A_1 = vector.load %arg4[%get3A, %get3A_0] : memref<1000x128xf32, #tpu.memory_space<vmem>>, vector<1000x1xf32>
    %get3A_2 = arith.constant 0 : index
    %get3A_3 = arith.constant 0 : index
    %get3A_4 = vector.load %arg5[%get3A_2, %get3A_3] : memref<1000x128xf32, #tpu.memory_space<vmem>>, vector<1000x1xf32>
    %add3A = arith.addf %get3A_1, %get3A_4 : vector<1000x1xf32>
    %add3A_5 = arith.constant 1.000000e+00 : f32
    %add3A_6 = vector.broadcast %add3A_5 : f32 to vector<1000x1xf32>
    %add3A_7 = arith.addf %add3A, %add3A_6 : vector<1000x1xf32>
    %rsqrt3A = math.rsqrt %add3A_7 : vector<1000x1xf32>
    %get3A_8 = arith.constant 0 : index
    %get3A_9 = arith.constant 0 : index
    %get3A_10 = vector.load %arg1[%get3A_8, %get3A_9] : memref<1000x128xf32, #tpu.memory_space<vmem>>, vector<1000x128xf32>
    %get3A_11 = arith.constant 0 : index
    %get3A_12 = arith.constant 0 : index
    %get3A_13 = vector.load %arg2[%get3A_11, %get3A_12] : memref<1000x128xf32, #tpu.memory_space<vmem>>, vector<1000x128xf32>
    %add3A_14 = arith.addf %get3A_10, %get3A_13 : vector<1000x128xf32>
    %get3A_15 = arith.constant 0 : index
    %get3A_16 = arith.constant 0 : index
    %get3A_17 = vector.load %arg3[%get3A_15, %get3A_16] : memref<1000x128xf32, #tpu.memory_space<vmem>>, vector<1000x128xf32>
    %add3A_18 = arith.addf %add3A_14, %get3A_17 : vector<1000x128xf32>
    %mul3A = vector.broadcast %rsqrt3A : vector<1000x1xf32> to vector<1000x128xf32>
    %mul3A_19 = arith.mulf %mul3A, %add3A_18 : vector<1000x128xf32>
    %get3A_20 = arith.constant 0 : index
    %get3A_21 = arith.constant 0 : index
    %get3A_22 = vector.load %arg6[%get3A_20, %get3A_21] : memref<1x128xf32, #tpu.memory_space<vmem>>, vector<1x128xf32>
    %add3A_23 = vector.broadcast %get3A_22 : vector<1x128xf32> to vector<1000x128xf32>
    %add3A_24 = arith.addf %mul3A_19, %add3A_23 : vector<1000x128xf32>
    %swap3A = arith.constant 0 : index
    %swap3A_25 = arith.constant 0 : index
    %swap3A_26 = vector.load %arg7[%swap3A, %swap3A_25] : memref<1000x128xf32, #tpu.memory_space<vmem>>, vector<1000x128xf32>
    tpu.vector_store %arg7[%swap3A, %swap3A_25], %add3A_24 {strides = array<i32>} : memref<1000x128xf32, #tpu.memory_space<vmem>>, vector<1000x128xf32>,
    return
  }
  func.func @transform_0(%arg0: i32) -> (i32, i32) {
    %c0_i32 = arith.constant 0 : i32
    %c0_i32_0 = arith.constant 0 : i32
    return %arg0, %c0_i32 : i32, i32
  }
  func.func @transform_1(%arg0: i32) -> (i32, i32) {
    %c0_i32 = arith.constant 0 : i32
    %c0_i32_0 = arith.constant 0 : i32
    return %arg0, %c0_i32 : i32, i32
  }
  func.func @transform_2(%arg0: i32) -> (i32, i32) {
    %c0_i32 = arith.constant 0 : i32
    %c0_i32_0 = arith.constant 0 : i32
    return %arg0, %c0_i32 : i32, i32
  }
  func.func @transform_3(%arg0: i32) -> (i32, i32) {
    %c0_i32 = arith.constant 0 : i32
    %c0_i32_0 = arith.constant 0 : i32
    return %arg0, %c0_i32 : i32, i32
  }
  func.func @transform_4(%arg0: i32) -> (i32, i32) {
    %c0_i32 = arith.constant 0 : i32
    %c0_i32_0 = arith.constant 0 : i32
    return %arg0, %c0_i32 : i32, i32
  }
  func.func @transform_5(%arg0: i32) -> (i32, i32) {
    %c0_i32 = arith.constant 0 : i32
    %c0_i32_0 = arith.constant 0 : i32
    %c0_i32_1 = arith.constant 0 : i32
    return %c0_i32, %c0_i32_0 : i32, i32
  }
  func.func @transform_6(%arg0: i32) -> (i32, i32) {
    %c0_i32 = arith.constant 0 : i32
    %c0_i32_0 = arith.constant 0 : i32
    return %arg0, %c0_i32 : i32, i32
  }
}

</mosaic_0001>

<sc_bundles>
// kernel: kernel.11.cloned.1.call-start
scs
__scs_entry_jumppad:
0x0: {  	(pc) =	sbr.rel $0x88, $3  }
0x1: {  	(tag) =	ssettag $0x0;
	lr =	simm.s32 $0x1  }
0x2: {  	[smem:$0x3F9B] =	sst lr;
	_ =	strace $0xD0000000  }
0x3: {  	_ = 	snop  }
0x4: {  	_ = 	snop  }
0x5: {  	_ = 	snop  }
0x6: {  	_ = 	snop  }
0x7: {  	_ = 	snop  }
__scs_overlays_trampoline_lowered:
0x8: {  	[smem:$0x3FAA] =	sst s0  }
0x9: {  	[smem:$0x3FAB] =	sst s1  }
0xa: {  	[smem:$0x3FAC] =	sst s2  }
0xb: {  	[smem:$0x3FAD] =	sst s3  }
0xc: {  	[smem:$0x3FAE] =	sst s4  }
0xd: {  	[smem:$0x3FAF] =	sst s5  }
0xe: {  	[smem:$0x3FB0] =	sst s6  }
0xf: {  	[smem:$0x3FB1] =	sst s7  }
0x10: {  	[smem:$0x3FB2] =	sst s8  }
0x11: {  	[smem:$0x3FB3] =	sst s9;
	s0 =	simm.s32 @!p0 $0x0  }
0x12: {  	s1 =	sld [smem:$0x3F99];
	s0 =	simm.s32 @p0 $0x1  }
0x13: {  	[smem:$0x3FB4] =	sst s0;
	s0 =	simm.s32 @!p1 $0x0  }
0x14: {  	s2 =	sld [smem:$0x3F98];
	s0 =	simm.s32 @p1 $0x1  }
0x15: {  	[smem:$0x3FB5] =	sst s0;
	s0 =	simm.s32 @!p2 $0x0  }
0x16: {  	s3 =	sld [smem:$0x3FDB];
	s0 =	simm.s32 @p2 $0x1  }
0x17: {  	s4 =	simm.s32 $0x1BF5;
	[smem:$0x3FB7] =	sst s0  }
0x18: {  	s0 =	sld [smem:$0x3F9A];
	_ =	swait.ge [sflag:s4], $0x0  }
0x19: {  	s7 =	sld [smem:$0x3F9B]  }
0x1a: {  	s8 =	sadd.s32 $0xFFFFE003, lr  }
0x1b: {  	s9 =	sadd.s32 $0xFFFFFEF7, lr;
	s5 =	simm.s32 $0xFFFFFFFF;
	p2 =	slt.u32 s8, $0xFFFFF086  }
0x1c: {  	p1 =	slt.u32 s9, $0xF7A;
	s5 =	simm.s32 @!p2 $0x0  }
0x1d: {  	s5 =	simm.s32 @p1 $0x1;
	p0 =	seq.s32 s7, s2  }
0x1e: {  	s7 =	smul.u32 @!p0 $0xF7A, s2;
	p2 =	seq.s32 @!p0 s5, $0x0  }
0x1f: {  	s9 =	smul.u32 $0xF7A, s1;
	s8 =	simm.s32 @!p0 $0x1BF5;
	p2 =	por !p2, p0  }
0x20: {  	[sflag:s8] =	ssyncset.s32 @!p0 $0xFFFFF086;
	s6 =	sadd.s32 @!p0 s3, s7;
	s7 =	simm.s32 @!p0 $0x108  }
0x21: {  	s3 =	sadd.s32 s3, s9;
	s6 =	sadd.s32 @!p0 $0x88, s6;
	s7 =	simm.s32 @p2 $0x1082  }
0x22: {  	[simem:s7], [sflag:s8] =	dma.local @!p0 [hbm:s6], $0xF7A  }
0x23: {  	s9 =	sor.u32 $0xD0000000, s2;
	s6 =	simm.s32 $0x108;
	_ =	swait.ge @!p0 [sflag:s8], $0x0  }
0x24: {  	s3 =	sadd.s32 $0x88, s3;
	s6 =	simm.s32 @!p1 $0x1082;
	[sflag:s4] =	ssyncset.s32 $0xFFFFF086  }
0x25: {  	[simem:s6], [sflag:s4] =	dma.local [hbm:s3], $0xF7A  }
0x26: {  	[smem:$0x3F9B] =	sst s1;
	(tag) =	ssettag s2;
	_ =	strace s9  }
0x27: {  	s1 =	sld [smem:$0x3FAB]  }
0x28: {  	s2 =	sld [smem:$0x3FAC]  }
0x29: {  	s4 =	sld [smem:$0x3FAE]  }
0x2a: {  	p0 =	seq.s32 s5, $0x0;
	s5 =	sld [smem:$0x3FAF]  }
0x2b: {  	s6 =	sld [smem:$0x3FB0]  }
0x2c: {  	s7 =	sld [smem:$0x3FB1]  }
0x2d: {  	s3 =	simm.s32 $0x108;
	s8 =	sld [smem:$0x3FB2]  }
0x2e: {  	s3 =	simm.s32 @!p0 $0x1082;
	s9 =	sld [smem:$0x3FB3]  }
0x2f: {  	lr =	sadd.s32 s0, s3;
	s0 =	sld [smem:$0x3FAA]  }
0x30: {  	s3 =	sld [smem:$0x3FAD]  }
0x31: {  	[smem:$0x3FB6] =	sst s10  }
0x32: {  	s10 =	sld [smem:$0x3FB4];
	_ =	sdelay $0x3  }
0x33: {  	p0 =	seq.s32 s10, $0x1;
	s10 =	sld [smem:$0x3FB6];
	_ =	sdelay $0x3  }
0x34: {  	[smem:$0x3FB6] =	sst s10  }
0x35: {  	s10 =	sld [smem:$0x3FB5];
	_ =	sdelay $0x3  }
0x36: {  	p1 =	seq.s32 s10, $0x1;
	s10 =	sld [smem:$0x3FB6];
	_ =	sdelay $0x3  }
0x37: {  	[smem:$0x3FB6] =	sst s10  }
0x38: {  	s10 =	sld [smem:$0x3FB7]  }
0x39: {  	_ = 	snop;
	(pc) =	sbr.ind lr, $3  }
0x3a: {  	_ = 	snop  }
0x3b: {  	_ = 	snop  }
0x3c: {  	p2 =	seq.s32 s10, $0x1;
	s10 =	sld [smem:$0x3FB6]  }
0x3d: {  	_ =	shalt  }
0x3e: {  	_ =	shalt  }
0x3f: {  	_ =	shalt  }
0x40: {  	_ =	shalt  }
0x41: {  	_ =	shalt  }
0x42: {  	_ =	shalt  }
0x43: {  	_ =	shalt  }
0x44: {  	_ =	shalt  }
0x45: {  	_ =	shalt  }
0x46: {  	_ =	shalt  }
0x47: {  	_ =	shalt  }
0x48: {  	_ =	shalt  }
0x49: {  	_ =	shalt  }
0x4a: {  	_ =	shalt  }
0x4b: {  	_ =	shalt  }
0x4c: {  	_ =	shalt  }
0x4d: {  	_ =	shalt  }
0x4e: {  	_ =	shalt  }
0x4f: {  	_ =	shalt  }
0x50: {  	_ =	shalt  }
0x51: {  	_ =	shalt  }
0x52: {  	_ =	shalt  }
0x53: {  	_ =	shalt  }
0x54: {  	_ =	shalt  }
0x55: {  	_ =	shalt  }
0x56: {  	_ =	shalt  }
0x57: {  	_ =	shalt  }
0x58: {  	_ =	shalt  }
0x59: {  	_ =	shalt  }
0x5a: {  	_ =	shalt  }
0x5b: {  	_ =	shalt  }
0x5c: {  	_ =	shalt  }
0x5d: {  	_ =	shalt  }
0x5e: {  	_ =	shalt  }
0x5f: {  	_ =	shalt  }
0x60: {  	_ =	shalt  }
0x61: {  	_ =	shalt  }
0x62: {  	_ =	shalt  }
0x63: {  	_ =	shalt  }
0x64: {  	_ =	shalt  }
0x65: {  	_ =	shalt  }
0x66: {  	_ =	shalt  }
0x67: {  	_ =	shalt  }
0x68: {  	_ =	shalt  }
0x69: {  	_ =	shalt  }
0x6a: {  	_ =	shalt  }
0x6b: {  	_ =	shalt  }
0x6c: {  	_ =	shalt  }
0x6d: {  	_ =	shalt  }
0x6e: {  	_ =	shalt  }
0x6f: {  	_ =	shalt  }
0x70: {  	_ =	shalt  }
0x71: {  	_ =	shalt  }
0x72: {  	_ =	shalt  }
0x73: {  	_ =	shalt  }
0x74: {  	_ =	shalt  }
0x75: {  	_ =	shalt  }
0x76: {  	_ =	shalt  }
0x77: {  	_ =	shalt  }
0x78: {  	_ =	shalt  }
0x79: {  	_ =	shalt  }
0x7a: {  	_ =	shalt  }
0x7b: {  	_ =	shalt  }
0x7c: {  	_ =	shalt  }
0x7d: {  	_ =	shalt  }
0x7e: {  	_ =	shalt  }
0x7f: {  	_ =	shalt  }
0x80: {  	_ =	shalt  }
0x81: {  	_ =	shalt  }
0x82: {  	_ =	shalt  }
0x83: {  	_ =	shalt  }
0x84: {  	_ =	shalt  }
0x85: {  	_ =	shalt  }
0x86: {  	_ =	shalt  }
0x87: {  	_ =	shalt  }
.Lfunc_end0:
.L_simem_size_0:
called_computation.1_lowered:
.L_overlay_start_0:
0x88: {  	s2 =	sld [smem:$0x3FD9]  }
0x89: {  	s3 =	sld [smem:$0x3FFE];
	_ =	sdelay $0x1  }
0x8a: {  	s1 =	srdreg.scid  }
0x8b: {  	s0 =	sand.u32 $0x1, s1  }
0x8c: {  	s17 =	sshll.u32 s0, $0xA;
	s2 =	sadd.s32 s3, s2  }
0x8d: {  	s2 =	sadd.s32 s2, s17  }
0x8e: {  	[smem:$0x3FC2] =	sst s2  }
0x8f: {  	_ = 	snop  }
0x90: {  	s2 =	sld [smem:$0x3FD0];
	(tm) =	ssettm $0x1  }
0x91: {  	s18 =	sld [smem:$0x3FFB];
	_ =	sdelay $0x3  }
0x92: {  	_ =	strace s18  }
0x93: {  	s3 =	sld [smem:$0x3FFC];
	_ =	sdelay $0x3  }
0x94: {  	_ =	strace s3  }
0x95: {  	s3 =	sld [smem:$0x3FFD];
	_ =	sdelay $0x3  }
0x96: {  	_ =	strace s3  }
0x97: {  	_ =	strace $0x8FFFFFFF  }
0x98: {  	s19 =	sld [smem:$0x3FDB];
	_ =	sdelay $0x1  }
0x99: {  	s4 =	simm.s32 $_scs_section_size  }
0x9a: {  	s5 =	simm.s32 $_size__tile_overlayer_lowered;
	s6 =	simm.s32 $_tile_overlayer_lowered  }
0x9b: {  	s22 =	simm.s32 $0x1BFF;
	s21 =	sshll.u32 s6, $0x1;
	s3 =	sadd.s32 s4, s19  }
0x9c: {  	s7 =	simm.s32 $0x0;
	s20 =	sshll.u32 s5, $0x1;
	s5 =	sadd.s32 s21, s3  }
0x9d: {  	[timem:s7], [sflag:s22] =	dma.local [hbm:s5], s20  }
0x9e: {  	_ =	swait.ge [sflag:s22], s20  }
0x9f: {  	s4 =	ssub.s32 $0x0, s20;
	[sflag:s22] =	ssyncset.done $0x0  }
0xa0: {  	[sflag:s22] =	ssyncadd.s32 s4;
	_ =	sdelay $0x1  }
0xa1: {  	s23 =	simm.s32 $0x1B8B  }
0xa2: {  	_ =	swait.ge [sflag:s23], $0x1  }
0xa3: {  	[sflag:s23] =	ssyncset.done $0x0  }
0xa4: {  	s25 =	simm.s32 $0x1B8E;
	s24 =	sld [smem:$0x3FFE];
	[sflag:s23] =	ssyncadd.s32 $0xFFFFFFFF  }
0xa5: {  	s26 =	simm.s32 $execute0_lowered;
	[smem:$0x3FD2] =	sst s25  }
0xa6: {  	s5 =	sshll.u32 s26, $0x1;
	_ =	strace $0x80000049;
	[dreg:$0x1] =	wrdreg $0xFFFFFFFF  }
0xa7: {  	s28 =	simm.s32 $_size_execute0_lowered;
	s3 =	sadd.s32 s3, s5;
	[dreg:$0x0] =	wrdreg $0x0  }
0xa8: {  	s5 =	sshll.u32 s28, $0x1;
	[dreg:$0x2] =	wrdreg s3  }
0xa9: {  	[dreg:$0x3] =	wrdreg s5  }
0xaa: {  	[dreg:$0x4] =	wrdreg $0xC0  }
0xab: {  	_ =	task [dreg:s7], $0x5FFFF  }
0xac: {  	[dreg:$0x1] =	wrdreg $0xFFFFFFFF  }
0xad: {  	[dreg:$0x0] =	wrdreg $0x60  }
0xae: {  	[dreg:$0x2] =	wrdreg s24  }
0xaf: {  	[dreg:$0x3] =	wrdreg s2  }
0xb0: {  	[dreg:$0x4] =	wrdreg $0xA8000  }
0xb1: {  	[dreg:$0x5] =	wrdreg $0x9  }
0xb2: {  	_ =	task.clear_ibuf [dreg:s7], $0x6FFFF;
	_ =	strace $0x90000049  }
0xb3: {  	s29 =	simm.s32 $0x9;
	_ =	strace $0x8000004B  }
0xb4: {  	_ =	swait.ge [sflag:s29], $0x1  }
0xb5: {  	[sflag:s29] =	ssyncadd.s32 $0xFFFFFFFF  }
0xb6: {  	_ =	strace $0x9000004B  }
0xb7: {  	_ =	sfence  }
0xb8: {  	s30 =	sld [smem:$0x0];
	_ =	sdelay $0x2  }
0xb9: {  	s31 =	sshll.u32 s1, $0xD;
	s1 =	sshrl.u32 s1, $0x2  }
0xba: {  	s3 =	sand.u32 $0x4000, s31;
	s1 =	sadd.s32 s1, s30  }
0xbb: {  	s0 =	sor.u32 s3, s0;
	s1 =	sshll.u32 s1, $0x11  }
0xbc: {  	s0 =	sor.u32 s1, s0  }
0xbd: {  	s0 =	sadd.s32 $0x8F2B, s0  }
0xbe: {  	[sflag:s0] =	ssyncadd.remote.s32 $0x1  }
0xbf: {  	_ =	sfence.sel $0xFFFF  }
0xc0: {  	[dreg:$0x0] =	wrdreg $0xFFFFFFFF;
	(pc) =	sbr.abs _section_cstart, $3  }
0xc1: {  	[dreg:$0x1] =	wrdreg $0xFFFFFFFF  }
0xc2: {  	_ =	task.clear_ibuf [dreg:s7], $0x2FFFF;
	_ =	strace $0x9FFFFFFF  }
0xc3: {  	(tm) =	ssettm $0x7FFFFFFF  }
tec
execute0_lowered:
.L_overlay_start_1:
0x0: {  	(tag) =	ssettag $0x1  }
0x1: {  	s10 =	rddreg [dreg:$0x0]  }
0x2: {  	s1 =	rddreg [dreg:$0x1]  }
0x3: {  	s2 =	rddreg [dreg:$0x2]  }
0x4: {  	s0 =	rddreg [dreg:$0x3]  }
0x5: {  	s3 =	simm.s32 $0x0;
	s7 =	srdreg.scid;
	s4 =	stileid.u32  }
0x6: {  	s16 =	simm.s32 $0x3;
	s17 =	simm.s32 $0x1400;
	s18 =	simm.s32 $0x7D  }
0x7: {  	s19 =	simm.s32 $0x2800;
	s20 =	simm.s32 $0x80;
	s21 =	simm.s32 $0x6800  }
0x8: {  	s22 =	simm.s32 $0x1;
	s23 =	simm.s32 $0x2;
	s24 =	simm.s32 $0x2700  }
0x9: {  	s25 =	simm.s32 $0x2780;
	[smem:$0x7FF] =	sst s3;
	s5 =	sadd.s32 $0x60E00, s10  }
0xa: {  	s6 =	sadd.s32 $0x88E00, s10;
	s12 =	sand.u32 $0x1, s7;
	s7 =	sadd.s32 $0x56E00, s10  }
0xb: {  	s13 =	smul.u32 $0x50000, s4;
	s8 =	sadd.s32 $0x4600, s10;
	s9 =	sadd.s32 $0xB0E00, s10  }
.Ltmp0:
0xc: {  	s10 =	sadd.s32 $0xD8E00, s10;
	s31 =	sshll.u32 s4, $0x6;
	(pc) =	sbr.rel .LBB2_1-.Ltmp0, $4  }
0xd: {  	_ =	strace $0x8000004A;
	s11 =	ssub.s32 $0x2, s12;
	p0 =	seq.s32 s12, $0x1  }
0xe: {  	s12 =	smul.u32 $0x2800, s4;
	s14 =	sshrl.u32 s11, $0x1;
	s13 =	sshrl.u32 s13, $0x2  }
0xf: {  	s14 =	ssub.s32 s11, s14;
	s11 =	smul.u32 $0xA0, s4;
	s15 =	sadd.s32 s13, s2  }
0x10: {  	s13 =	smax.u32 s14, $0x1;
	s14 =	sor.u32 $0x1C03, s31;
	s15 =	sshrl.u32 s15, $0x3  }
.LBB2_10:
0x11: {  	s3 =	sadd.s32 $0x1, s3  }
0x12: {  	p1 =	sne.s32 s3, s13  }
.Ltmp1:
0x13: {  	s26 =	sadd.s32 s26, s12;
	[bflag:$0x0] =	sbarrier.arrive $0xFFFF;
	(pc) =	sbr.rel @!p1 .LBB2_11-.Ltmp1, $4  }
0x14: {  	[hbm:s26], [sflag:s14] =	dma.local [spmem:s15], $0x2800  }
0x15: {  	_ =	swait.ge [sflag:s16], $0x2800  }
0x16: {  	[sflag:s16] =	ssyncset.done $0x0  }
0x17: {  	[sflag:s16] =	ssyncadd.s32 $0xFFFFD800  }
.LBB2_1:
0x18: {  	[spmem:s15], [sflag:s14] =	dma.local [hbm:s8], $0x2800  }
.Ltmp2:
0x19: {  	_ =	swait.ge [sflag:s16], $0x2800;
	(pc) =	sbr.rel @!p0 .LBB2_2-.Ltmp2, $4  }
0x1a: {  	[sflag:s16] =	ssyncset.done $0x0  }
0x1b: {  	[sflag:s16] =	ssyncadd.s32 $0xFFFFD800  }
0x1c: {  	[bflag:$0x0] =	sbarrier.arrive $0xFFFF  }
0x1d: {  	s26 =	simm.s32 $0x0;
	s28 =	simm.s32 $0x0  }
.LBB2_6:
0x1e: {  	s26 =	smul.u32 $0x28, s28;
	_ =	sdelay $0x1  }
0x1f: {  	s26 =	sadd.s32 s11, s26  }
0x20: {  	s26 =	sshll.u32 s26, $0x4  }
0x21: {  	s30 =	simm.s32 $0x0;
	s29 =	sadd.s32 s7, s26  }
0x22: {  	[tilespmem:s30], [sflag:$0x3] =	stream.linear.gather [hbm4b:s29+s30], $0x1400, $0x38;
	[tilespmem:$0x1E800] =	vst v63  }
0x23: {  	_ =	swait.ge [sflag:s16], $0x1400  }
0x24: {  	[sflag:s16] =	ssyncset.done $0x0  }
0x25: {  	s26 =	sadd.s32 s1, s26;
	[sflag:s16] =	ssyncadd.s32 $0xFFFFEC00  }
0x26: {  	[tilespmem:s17], [sflag:$0x3] =	stream.linear.gather [hbm4b:s26+s30], $0x1400, $0x38;
	[tilespmem:$0x1E800] =	vst v63  }
0x27: {  	_ =	swait.ge [sflag:s16], $0x1400  }
0x28: {  	[sflag:s16] =	ssyncset.done $0x0  }
0x29: {  	[sflag:s16] =	ssyncadd.s32 $0xFFFFEC00  }
0x2a: {  	[tilespmem:s19], [sflag:$0x1] =	stream.indirect.gather [hbm4b:s6+s18], $0x80, s30, s18, $0xb8;
	[tilespmem:$0x1E800] =	vst v63  }
0x2b: {  	_ = 	snop  }
0x2c: {  	[tilespmem:s21], [sflag:$0x1] =	stream.indirect.gather [hbm4b:s6+s18], $0x80, s20, s18, $0xb8;
	[tilespmem:$0x1E800] =	vst v63  }
0x2d: {  	_ =	swait.ge [sflag:s22], $0x3E80  }
0x2e: {  	[sflag:s22] =	ssyncset.done $0x0  }
0x2f: {  	s31 =	simm.s32 $0x1400;
	[sflag:s22] =	ssyncadd.s32 $0xFFFFC180  }
0x30: {  	[spmem:s2] =	stream.indirect.scatter.add.f32 [tilespmem:s19], [sflag:$0x2], $0x80, s31, s18, $0xb8;
	[tilespmem:$0x1E800] =	vst v63  }
0x31: {  	_ =	swait.ge [sflag:s22], $0x3E80  }
0x32: {  	[sflag:s22] =	ssyncset.done $0x0  }
0x33: {  	s30 =	simm.s32 $0x1480;
	[sflag:s22] =	ssyncadd.s32 $0xFFFFC180  }
0x34: {  	[spmem:s2] =	stream.indirect.scatter.add.f32 [tilespmem:s21], [sflag:$0x2], $0x80, s30, s18, $0xb8;
	[tilespmem:$0x1E800] =	vst v63  }
0x35: {  	_ =	swait.ge [sflag:s23], $0x3E80  }
0x36: {  	[sflag:s23] =	ssyncset.done $0x0  }
0x37: {  	s31 =	simm.s32 $0x100;
	[sflag:s23] =	ssyncadd.s32 $0xFFFFC180  }
0x38: {  	[tilespmem:s19], [sflag:$0x1] =	stream.indirect.gather [hbm4b:s6+s18], $0x80, s31, s18, $0xb8;
	[tilespmem:$0x1E800] =	vst v63  }
0x39: {  	_ =	swait.ge [sflag:s23], $0x3E80  }
0x3a: {  	[sflag:s23] =	ssyncset.done $0x0  }
0x3b: {  	s29 =	simm.s32 $0x180;
	s26 =	simm.s32 $0x400;
	[sflag:s23] =	ssyncadd.s32 $0xFFFFC180  }
.LBB2_7:
0x3c: {  	[tilespmem:s21], [sflag:$0x1] =	stream.indirect.gather [hbm4b:s6+s18], $0x80, s29, s18, $0xb8;
	[tilespmem:$0x1E800] =	vst v63  }
0x3d: {  	s29 =	smov.u32 s26  }
0x3e: {  	p1 =	sne.s32 s26, $0x4800;
	s26 =	sadd.s32 $0x400, s26;
	_ =	swait.ge [sflag:s22], $0x3E80  }
0x3f: {  	s29 =	sshra.s32 s29, $0x2;
	[sflag:s22] =	ssyncset.done $0x0  }
0x40: {  	s30 =	sadd.s32 $0x1400, s29;
	[sflag:s22] =	ssyncadd.s32 $0xFFFFC180  }
0x41: {  	[spmem:s2] =	stream.indirect.scatter.add.f32 [tilespmem:s19], [sflag:$0x2], $0x80, s30, s18, $0xb8;
	[tilespmem:$0x1E800] =	vst v63  }
0x42: {  	_ =	swait.ge [sflag:s22], $0x3E80  }
0x43: {  	[sflag:s22] =	ssyncset.done $0x0  }
0x44: {  	s30 =	sadd.s32 $0x1480, s29;
	[sflag:s22] =	ssyncadd.s32 $0xFFFFC180  }
0x45: {  	[spmem:s2] =	stream.indirect.scatter.add.f32 [tilespmem:s21], [sflag:$0x2], $0x80, s30, s18, $0xb8;
	[tilespmem:$0x1E800] =	vst v63  }
0x46: {  	_ =	swait.ge [sflag:s23], $0x3E80  }
0x47: {  	[sflag:s23] =	ssyncset.done $0x0  }
.Ltmp3:
0x48: {  	s30 =	sadd.s32 $0x100, s29;
	[sflag:s23] =	ssyncadd.s32 $0xFFFFC180;
	(pc) =	sbr.rel @p1 .LBB2_7-.Ltmp3, $4  }
0x49: {  	[tilespmem:s19], [sflag:$0x1] =	stream.indirect.gather [hbm4b:s6+s18], $0x80, s30, s18, $0xb8;
	[tilespmem:$0x1E800] =	vst v63  }
0x4a: {  	_ =	swait.ge [sflag:s23], $0x3E80  }
0x4b: {  	[sflag:s23] =	ssyncset.done $0x0  }
0x4c: {  	s29 =	sadd.s32 $0x180, s29;
	[sflag:s23] =	ssyncadd.s32 $0xFFFFC180  }
0x4d: {  	[tilespmem:s21], [sflag:$0x1] =	stream.indirect.gather [hbm4b:s6+s18], $0x80, s29, s18, $0xb8;
	[tilespmem:$0x1E800] =	vst v63  }
0x4e: {  	_ =	swait.ge [sflag:s22], $0x3E80  }
0x4f: {  	[sflag:s22] =	ssyncset.done $0x0  }
0x50: {  	[sflag:s22] =	ssyncadd.s32 $0xFFFFC180  }
0x51: {  	[spmem:s2] =	stream.indirect.scatter.add.f32 [tilespmem:s19], [sflag:$0x2], $0x80, s24, s18, $0xb8;
	[tilespmem:$0x1E800] =	vst v63  }
0x52: {  	_ =	swait.ge [sflag:s22], $0x3E80  }
0x53: {  	[sflag:s22] =	ssyncset.done $0x0  }
0x54: {  	s28 =	sadd.s32 $0x1, s28;
	[sflag:s22] =	ssyncadd.s32 $0xFFFFC180  }
0x55: {  	[spmem:s2] =	stream.indirect.scatter.add.f32 [tilespmem:s21], [sflag:$0x2], $0x80, s25, s18, $0xb8;
	[tilespmem:$0x1E800] =	vst v63  }
0x56: {  	p1 =	sne.s32 s28, $0x4;
	_ =	swait.ge [sflag:s23], $0x3E80  }
.Ltmp4:
0x57: {  	[sflag:s23] =	ssyncset.done $0x0;
	(pc) =	sbr.rel @p1 .LBB2_6-.Ltmp4, $4  }
0x58: {  	[sflag:s23] =	ssyncadd.s32 $0xFFFFC180  }
0x59: {  	_ =	swait.ge [sflag:s23], $0x3E80  }
0x5a: {  	[sflag:s23] =	ssyncset.done $0x0  }
0x5b: {  	[sflag:s23] =	ssyncadd.s32 $0xFFFFC180  }
.Ltmp5:
0x5c: {  	(pc) =	sbr.rel .LBB2_10-.Ltmp5, $2  }
0x5d: {  	_ =	sdelay $0x2  }
0x5e: {  	s26 =	smov.u32 s10  }
.LBB2_2:
0x5f: {  	s28 =	smul.u32 $0x28, s26;
	_ =	sdelay $0x1  }
0x60: {  	s28 =	sadd.s32 s11, s28  }
0x61: {  	s28 =	sshll.u32 s28, $0x4  }
0x62: {  	s30 =	simm.s32 $0x0;
	s29 =	sadd.s32 s7, s28  }
0x63: {  	[tilespmem:s30], [sflag:$0x3] =	stream.linear.gather [hbm4b:s29+s30], $0x1400, $0x38;
	[tilespmem:$0x1E800] =	vst v63  }
0x64: {  	_ =	swait.ge [sflag:s16], $0x1400  }
0x65: {  	[sflag:s16] =	ssyncset.done $0x0  }
0x66: {  	s28 =	sadd.s32 s1, s28;
	[sflag:s16] =	ssyncadd.s32 $0xFFFFEC00  }
0x67: {  	[tilespmem:s17], [sflag:$0x3] =	stream.linear.gather [hbm4b:s28+s30], $0x1400, $0x38;
	[tilespmem:$0x1E800] =	vst v63  }
0x68: {  	_ =	swait.ge [sflag:s16], $0x1400  }
0x69: {  	[sflag:s16] =	ssyncset.done $0x0  }
0x6a: {  	[sflag:s16] =	ssyncadd.s32 $0xFFFFEC00  }
0x6b: {  	[tilespmem:s19], [sflag:$0x1] =	stream.indirect.gather [hbm4b:s5+s18], $0x80, s30, s18, $0xb8;
	[tilespmem:$0x1E800] =	vst v63  }
0x6c: {  	_ = 	snop  }
0x6d: {  	[tilespmem:s21], [sflag:$0x1] =	stream.indirect.gather [hbm4b:s5+s18], $0x80, s20, s18, $0xb8;
	[tilespmem:$0x1E800] =	vst v63  }
0x6e: {  	_ =	swait.ge [sflag:s22], $0x3E80  }
0x6f: {  	[sflag:s22] =	ssyncset.done $0x0  }
0x70: {  	s28 =	simm.s32 $0x1400;
	[sflag:s22] =	ssyncadd.s32 $0xFFFFC180  }
0x71: {  	[spmem:s2] =	stream.indirect.scatter.add.f32 [tilespmem:s19], [sflag:$0x2], $0x80, s28, s18, $0xb8;
	[tilespmem:$0x1E800] =	vst v63  }
0x72: {  	_ =	swait.ge [sflag:s22], $0x3E80  }
0x73: {  	[sflag:s22] =	ssyncset.done $0x0  }
0x74: {  	s28 =	simm.s32 $0x1480;
	[sflag:s22] =	ssyncadd.s32 $0xFFFFC180  }
0x75: {  	[spmem:s2] =	stream.indirect.scatter.add.f32 [tilespmem:s21], [sflag:$0x2], $0x80, s28, s18, $0xb8;
	[tilespmem:$0x1E800] =	vst v63  }
0x76: {  	_ =	swait.ge [sflag:s23], $0x3E80  }
0x77: {  	[sflag:s23] =	ssyncset.done $0x0  }
0x78: {  	s28 =	simm.s32 $0x100;
	[sflag:s23] =	ssyncadd.s32 $0xFFFFC180  }
0x79: {  	[tilespmem:s19], [sflag:$0x1] =	stream.indirect.gather [hbm4b:s5+s18], $0x80, s28, s18, $0xb8;
	[tilespmem:$0x1E800] =	vst v63  }
0x7a: {  	_ =	swait.ge [sflag:s23], $0x3E80  }
0x7b: {  	[sflag:s23] =	ssyncset.done $0x0  }
0x7c: {  	s29 =	simm.s32 $0x180;
	s28 =	simm.s32 $0x400;
	[sflag:s23] =	ssyncadd.s32 $0xFFFFC180  }
.LBB2_3:
0x7d: {  	[tilespmem:s21], [sflag:$0x1] =	stream.indirect.gather [hbm4b:s5+s18], $0x80, s29, s18, $0xb8;
	[tilespmem:$0x1E800] =	vst v63  }
0x7e: {  	s29 =	smov.u32 s28  }
0x7f: {  	p1 =	sne.s32 s28, $0x4800;
	s28 =	sadd.s32 $0x400, s28;
	_ =	swait.ge [sflag:s22], $0x3E80  }
0x80: {  	s29 =	sshra.s32 s29, $0x2;
	[sflag:s22] =	ssyncset.done $0x0  }
0x81: {  	s30 =	sadd.s32 $0x1400, s29;
	[sflag:s22] =	ssyncadd.s32 $0xFFFFC180  }
0x82: {  	[spmem:s2] =	stream.indirect.scatter.add.f32 [tilespmem:s19], [sflag:$0x2], $0x80, s30, s18, $0xb8;
	[tilespmem:$0x1E800] =	vst v63  }
0x83: {  	_ =	swait.ge [sflag:s22], $0x3E80  }
0x84: {  	[sflag:s22] =	ssyncset.done $0x0  }
0x85: {  	s30 =	sadd.s32 $0x1480, s29;
	[sflag:s22] =	ssyncadd.s32 $0xFFFFC180  }
0x86: {  	[spmem:s2] =	stream.indirect.scatter.add.f32 [tilespmem:s21], [sflag:$0x2], $0x80, s30, s18, $0xb8;
	[tilespmem:$0x1E800] =	vst v63  }
0x87: {  	_ =	swait.ge [sflag:s23], $0x3E80  }
0x88: {  	[sflag:s23] =	ssyncset.done $0x0  }
.Ltmp6:
0x89: {  	s30 =	sadd.s32 $0x100, s29;
	[sflag:s23] =	ssyncadd.s32 $0xFFFFC180;
	(pc) =	sbr.rel @p1 .LBB2_3-.Ltmp6, $4  }
0x8a: {  	[tilespmem:s19], [sflag:$0x1] =	stream.indirect.gather [hbm4b:s5+s18], $0x80, s30, s18, $0xb8;
	[tilespmem:$0x1E800] =	vst v63  }
0x8b: {  	_ =	swait.ge [sflag:s23], $0x3E80  }
0x8c: {  	[sflag:s23] =	ssyncset.done $0x0  }
0x8d: {  	s29 =	sadd.s32 $0x180, s29;
	[sflag:s23] =	ssyncadd.s32 $0xFFFFC180  }
0x8e: {  	[tilespmem:s21], [sflag:$0x1] =	stream.indirect.gather [hbm4b:s5+s18], $0x80, s29, s18, $0xb8;
	[tilespmem:$0x1E800] =	vst v63  }
0x8f: {  	_ =	swait.ge [sflag:s22], $0x3E80  }
0x90: {  	[sflag:s22] =	ssyncset.done $0x0  }
0x91: {  	[sflag:s22] =	ssyncadd.s32 $0xFFFFC180  }
0x92: {  	[spmem:s2] =	stream.indirect.scatter.add.f32 [tilespmem:s19], [sflag:$0x2], $0x80, s24, s18, $0xb8;
	[tilespmem:$0x1E800] =	vst v63  }
0x93: {  	_ =	swait.ge [sflag:s22], $0x3E80  }
0x94: {  	[sflag:s22] =	ssyncset.done $0x0  }
0x95: {  	s26 =	sadd.s32 $0x1, s26;
	[sflag:s22] =	ssyncadd.s32 $0xFFFFC180  }
0x96: {  	[spmem:s2] =	stream.indirect.scatter.add.f32 [tilespmem:s21], [sflag:$0x2], $0x80, s25, s18, $0xb8;
	[tilespmem:$0x1E800] =	vst v63  }
0x97: {  	p1 =	seq.s32 s26, $0x4;
	_ =	swait.ge [sflag:s23], $0x3E80  }
.Ltmp7:
0x98: {  	[sflag:s23] =	ssyncset.done $0x0;
	(pc) =	sbr.rel @!p1 .LBB2_2-.Ltmp7, $4  }
0x99: {  	[sflag:s23] =	ssyncadd.s32 $0xFFFFC180  }
0x9a: {  	_ =	swait.ge [sflag:s23], $0x3E80  }
0x9b: {  	[sflag:s23] =	ssyncset.done $0x0  }
0x9c: {  	[sflag:s23] =	ssyncadd.s32 $0xFFFFC180  }
.Ltmp8:
0x9d: {  	(pc) =	sbr.rel .LBB2_10-.Ltmp8, $2  }
0x9e: {  	_ =	sdelay $0x2  }
0x9f: {  	s26 =	smov.u32 s9  }
.LBB2_11:
0xa0: {  	_ =	sfence.sel $0x180000  }
0xa1: {  	[bflag:$0x0] =	sbarrier.arrive $0xFFFF  }
0xa2: {  	p0 =	sne.s32 s4, $0x0;
	_ =	strace $0x9000004A  }
0xa3: {  	s0 =	sadd.s32 @!p0 $0x100000, s0;
	[bflag:$0x2] =	sbarrier.arrive $0xFFFF  }
0xa4: {  	[sflag:s0] =	ssyncadd.tile.s32 @!p0 $0x1;
	_ =	shalt  }
.Lfunc_end2:
_tile_overlayer_lowered:
.L_overlay_start_2:
0xa5: {  	(tag) =	ssettag $0x2  }
0xa6: {  	s0 =	rddreg [dreg:$0x0];
	s2 =	stileid.u32  }
0xa7: {  	s1 =	rddreg [dreg:$0x1];
	p0 =	sne.s32 s2, $0x0  }
0xa8: {  	s3 =	rddreg [dreg:$0x2];
	[bflag:$0x3] =	sbarrier.arrive $0xFFFF;
	s2 =	simm.s32 @!p0 $0x1C03  }
0xa9: {  	[timem:s3], [sflag:s2] =	dma.local @!p0 [hbm:s0], s1  }
0xaa: {  	s0 =	simm.s32 @!p0 $0x3  }
0xab: {  	_ =	swait.ge @!p0 [sflag:s0], s1  }
0xac: {  	s1 =	ssub.s32 @!p0 $0x0, s1;
	[sflag:s0] =	ssyncset.done @!p0 $0x0  }
0xad: {  	[sflag:s0] =	ssyncadd.s32 @!p0 s1  }
0xae: {  	[bflag:$0x3] =	sbarrier.arrive $0xFFFF  }
0xaf: {  	_ =	shalt  }

// kernel: kernel.14.cloned.1.call-start
scs
__scs_entry_jumppad:
0x0: {  	(pc) =	sbr.rel $0x88, $3  }
0x1: {  	(tag) =	ssettag $0x0;
	lr =	simm.s32 $0x1  }
0x2: {  	[smem:$0x3F9B] =	sst lr;
	_ =	strace $0xD0000000  }
0x3: {  	_ = 	snop  }
0x4: {  	_ = 	snop  }
0x5: {  	_ = 	snop  }
0x6: {  	_ = 	snop  }
0x7: {  	_ = 	snop  }
__scs_overlays_trampoline_lowered:
0x8: {  	[smem:$0x3FAA] =	sst s0  }
0x9: {  	[smem:$0x3FAB] =	sst s1  }
0xa: {  	[smem:$0x3FAC] =	sst s2  }
0xb: {  	[smem:$0x3FAD] =	sst s3  }
0xc: {  	[smem:$0x3FAE] =	sst s4  }
0xd: {  	[smem:$0x3FAF] =	sst s5  }
0xe: {  	[smem:$0x3FB0] =	sst s6  }
0xf: {  	[smem:$0x3FB1] =	sst s7  }
0x10: {  	[smem:$0x3FB2] =	sst s8  }
0x11: {  	[smem:$0x3FB3] =	sst s9;
	s0 =	simm.s32 @!p0 $0x0  }
0x12: {  	s1 =	sld [smem:$0x3F99];
	s0 =	simm.s32 @p0 $0x1  }
0x13: {  	[smem:$0x3FB4] =	sst s0;
	s0 =	simm.s32 @!p1 $0x0  }
0x14: {  	s2 =	sld [smem:$0x3F98];
	s0 =	simm.s32 @p1 $0x1  }
0x15: {  	[smem:$0x3FB5] =	sst s0;
	s0 =	simm.s32 @!p2 $0x0  }
0x16: {  	s3 =	sld [smem:$0x3FDB];
	s0 =	simm.s32 @p2 $0x1  }
0x17: {  	s4 =	simm.s32 $0x1BF5;
	[smem:$0x3FB7] =	sst s0  }
0x18: {  	s0 =	sld [smem:$0x3F9A];
	_ =	swait.ge [sflag:s4], $0x0  }
0x19: {  	s7 =	sld [smem:$0x3F9B]  }
0x1a: {  	s8 =	sadd.s32 $0xFFFFE003, lr  }
0x1b: {  	s9 =	sadd.s32 $0xFFFFFEF7, lr;
	s5 =	simm.s32 $0xFFFFFFFF;
	p2 =	slt.u32 s8, $0xFFFFF086  }
0x1c: {  	p1 =	slt.u32 s9, $0xF7A;
	s5 =	simm.s32 @!p2 $0x0  }
0x1d: {  	s5 =	simm.s32 @p1 $0x1;
	p0 =	seq.s32 s7, s2  }
0x1e: {  	s7 =	smul.u32 @!p0 $0xF7A, s2;
	p2 =	seq.s32 @!p0 s5, $0x0  }
0x1f: {  	s9 =	smul.u32 $0xF7A, s1;
	s8 =	simm.s32 @!p0 $0x1BF5;
	p2 =	por !p2, p0  }
0x20: {  	[sflag:s8] =	ssyncset.s32 @!p0 $0xFFFFF086;
	s6 =	sadd.s32 @!p0 s3, s7;
	s7 =	simm.s32 @!p0 $0x108  }
0x21: {  	s3 =	sadd.s32 s3, s9;
	s6 =	sadd.s32 @!p0 $0x88, s6;
	s7 =	simm.s32 @p2 $0x1082  }
0x22: {  	[simem:s7], [sflag:s8] =	dma.local @!p0 [hbm:s6], $0xF7A  }
0x23: {  	s9 =	sor.u32 $0xD0000000, s2;
	s6 =	simm.s32 $0x108;
	_ =	swait.ge @!p0 [sflag:s8], $0x0  }
0x24: {  	s3 =	sadd.s32 $0x88, s3;
	s6 =	simm.s32 @!p1 $0x1082;
	[sflag:s4] =	ssyncset.s32 $0xFFFFF086  }
0x25: {  	[simem:s6], [sflag:s4] =	dma.local [hbm:s3], $0xF7A  }
0x26: {  	[smem:$0x3F9B] =	sst s1;
	(tag) =	ssettag s2;
	_ =	strace s9  }
0x27: {  	s1 =	sld [smem:$0x3FAB]  }
0x28: {  	s2 =	sld [smem:$0x3FAC]  }
0x29: {  	s4 =	sld [smem:$0x3FAE]  }
0x2a: {  	p0 =	seq.s32 s5, $0x0;
	s5 =	sld [smem:$0x3FAF]  }
0x2b: {  	s6 =	sld [smem:$0x3FB0]  }
0x2c: {  	s7 =	sld [smem:$0x3FB1]  }
0x2d: {  	s3 =	simm.s32 $0x108;
	s8 =	sld [smem:$0x3FB2]  }
0x2e: {  	s3 =	simm.s32 @!p0 $0x1082;
	s9 =	sld [smem:$0x3FB3]  }
0x2f: {  	lr =	sadd.s32 s0, s3;
	s0 =	sld [smem:$0x3FAA]  }
0x30: {  	s3 =	sld [smem:$0x3FAD]  }
0x31: {  	[smem:$0x3FB6] =	sst s10  }
0x32: {  	s10 =	sld [smem:$0x3FB4];
	_ =	sdelay $0x3  }
0x33: {  	p0 =	seq.s32 s10, $0x1;
	s10 =	sld [smem:$0x3FB6];
	_ =	sdelay $0x3  }
0x34: {  	[smem:$0x3FB6] =	sst s10  }
0x35: {  	s10 =	sld [smem:$0x3FB5];
	_ =	sdelay $0x3  }
0x36: {  	p1 =	seq.s32 s10, $0x1;
	s10 =	sld [smem:$0x3FB6];
	_ =	sdelay $0x3  }
0x37: {  	[smem:$0x3FB6] =	sst s10  }
0x38: {  	s10 =	sld [smem:$0x3FB7]  }
0x39: {  	_ = 	snop;
	(pc) =	sbr.ind lr, $3  }
0x3a: {  	_ = 	snop  }
0x3b: {  	_ = 	snop  }
0x3c: {  	p2 =	seq.s32 s10, $0x1;
	s10 =	sld [smem:$0x3FB6]  }
0x3d: {  	_ =	shalt  }
0x3e: {  	_ =	shalt  }
0x3f: {  	_ =	shalt  }
0x40: {  	_ =	shalt  }
0x41: {  	_ =	shalt  }
0x42: {  	_ =	shalt  }
0x43: {  	_ =	shalt  }
0x44: {  	_ =	shalt  }
0x45: {  	_ =	shalt  }
0x46: {  	_ =	shalt  }
0x47: {  	_ =	shalt  }
0x48: {  	_ =	shalt  }
0x49: {  	_ =	shalt  }
0x4a: {  	_ =	shalt  }
0x4b: {  	_ =	shalt  }
0x4c: {  	_ =	shalt  }
0x4d: {  	_ =	shalt  }
0x4e: {  	_ =	shalt  }
0x4f: {  	_ =	shalt  }
0x50: {  	_ =	shalt  }
0x51: {  	_ =	shalt  }
0x52: {  	_ =	shalt  }
0x53: {  	_ =	shalt  }
0x54: {  	_ =	shalt  }
0x55: {  	_ =	shalt  }
0x56: {  	_ =	shalt  }
0x57: {  	_ =	shalt  }
0x58: {  	_ =	shalt  }
0x59: {  	_ =	shalt  }
0x5a: {  	_ =	shalt  }
0x5b: {  	_ =	shalt  }
0x5c: {  	_ =	shalt  }
0x5d: {  	_ =	shalt  }
0x5e: {  	_ =	shalt  }
0x5f: {  	_ =	shalt  }
0x60: {  	_ =	shalt  }
0x61: {  	_ =	shalt  }
0x62: {  	_ =	shalt  }
0x63: {  	_ =	shalt  }
0x64: {  	_ =	shalt  }
0x65: {  	_ =	shalt  }
0x66: {  	_ =	shalt  }
0x67: {  	_ =	shalt  }
0x68: {  	_ =	shalt  }
0x69: {  	_ =	shalt  }
0x6a: {  	_ =	shalt  }
0x6b: {  	_ =	shalt  }
0x6c: {  	_ =	shalt  }
0x6d: {  	_ =	shalt  }
0x6e: {  	_ =	shalt  }
0x6f: {  	_ =	shalt  }
0x70: {  	_ =	shalt  }
0x71: {  	_ =	shalt  }
0x72: {  	_ =	shalt  }
0x73: {  	_ =	shalt  }
0x74: {  	_ =	shalt  }
0x75: {  	_ =	shalt  }
0x76: {  	_ =	shalt  }
0x77: {  	_ =	shalt  }
0x78: {  	_ =	shalt  }
0x79: {  	_ =	shalt  }
0x7a: {  	_ =	shalt  }
0x7b: {  	_ =	shalt  }
0x7c: {  	_ =	shalt  }
0x7d: {  	_ =	shalt  }
0x7e: {  	_ =	shalt  }
0x7f: {  	_ =	shalt  }
0x80: {  	_ =	shalt  }
0x81: {  	_ =	shalt  }
0x82: {  	_ =	shalt  }
0x83: {  	_ =	shalt  }
0x84: {  	_ =	shalt  }
0x85: {  	_ =	shalt  }
0x86: {  	_ =	shalt  }
0x87: {  	_ =	shalt  }
.Lfunc_end0:
.L_simem_size_0:
called_computation.2_lowered:
.L_overlay_start_0:
0x88: {  	s2 =	sld [smem:$0x3FD9]  }
0x89: {  	s3 =	sld [smem:$0x3FFE];
	_ =	sdelay $0x1  }
0x8a: {  	s1 =	srdreg.scid  }
0x8b: {  	s0 =	sand.u32 $0x1, s1  }
0x8c: {  	s17 =	sshll.u32 s0, $0xA;
	s2 =	sadd.s32 s3, s2  }
0x8d: {  	s2 =	sadd.s32 s2, s17  }
0x8e: {  	[smem:$0x3FC2] =	sst s2  }
0x8f: {  	_ = 	snop  }
0x90: {  	s2 =	sld [smem:$0x3FD0];
	(tm) =	ssettm $0x1  }
0x91: {  	s18 =	sld [smem:$0x3FFB];
	_ =	sdelay $0x3  }
0x92: {  	_ =	strace s18  }
0x93: {  	s3 =	sld [smem:$0x3FFC];
	_ =	sdelay $0x3  }
0x94: {  	_ =	strace s3  }
0x95: {  	s3 =	sld [smem:$0x3FFD];
	_ =	sdelay $0x3  }
0x96: {  	_ =	strace s3  }
0x97: {  	_ =	strace $0x8FFFFFFF  }
0x98: {  	s19 =	sld [smem:$0x3FDB];
	_ =	sdelay $0x1  }
0x99: {  	s4 =	simm.s32 $_scs_section_size  }
0x9a: {  	s5 =	simm.s32 $_size__tile_overlayer_lowered;
	s6 =	simm.s32 $_tile_overlayer_lowered  }
0x9b: {  	s22 =	simm.s32 $0x1BFF;
	s21 =	sshll.u32 s6, $0x1;
	s3 =	sadd.s32 s4, s19  }
0x9c: {  	s7 =	simm.s32 $0x0;
	s20 =	sshll.u32 s5, $0x1;
	s5 =	sadd.s32 s21, s3  }
0x9d: {  	[timem:s7], [sflag:s22] =	dma.local [hbm:s5], s20  }
0x9e: {  	_ =	swait.ge [sflag:s22], s20  }
0x9f: {  	s4 =	ssub.s32 $0x0, s20;
	[sflag:s22] =	ssyncset.done $0x0  }
0xa0: {  	[sflag:s22] =	ssyncadd.s32 s4;
	_ =	sdelay $0x1  }
0xa1: {  	s23 =	simm.s32 $0x1B8B  }
0xa2: {  	_ =	swait.ge [sflag:s23], $0x1  }
0xa3: {  	[sflag:s23] =	ssyncset.done $0x0  }
0xa4: {  	s25 =	simm.s32 $0x1B8E;
	s24 =	sld [smem:$0x3FFE];
	[sflag:s23] =	ssyncadd.s32 $0xFFFFFFFF  }
0xa5: {  	s26 =	simm.s32 $execute0_lowered;
	[smem:$0x3FD2] =	sst s25  }
0xa6: {  	s5 =	sshll.u32 s26, $0x1;
	_ =	strace $0x8000004C;
	[dreg:$0x1] =	wrdreg $0xFFFFFFFF  }
0xa7: {  	s28 =	simm.s32 $_size_execute0_lowered;
	s3 =	sadd.s32 s3, s5;
	[dreg:$0x0] =	wrdreg $0x0  }
0xa8: {  	s5 =	sshll.u32 s28, $0x1;
	[dreg:$0x2] =	wrdreg s3  }
0xa9: {  	[dreg:$0x3] =	wrdreg s5  }
0xaa: {  	[dreg:$0x4] =	wrdreg $0xC0  }
0xab: {  	_ =	task [dreg:s7], $0x5FFFF  }
0xac: {  	[dreg:$0x1] =	wrdreg $0xFFFFFFFF  }
0xad: {  	[dreg:$0x0] =	wrdreg $0x60  }
0xae: {  	[dreg:$0x2] =	wrdreg s24  }
0xaf: {  	[dreg:$0x3] =	wrdreg s2  }
0xb0: {  	[dreg:$0x4] =	wrdreg $0xA8000  }
0xb1: {  	[dreg:$0x5] =	wrdreg $0x9  }
0xb2: {  	_ =	task.clear_ibuf [dreg:s7], $0x6FFFF;
	_ =	strace $0x9000004C  }
0xb3: {  	s29 =	simm.s32 $0x9;
	_ =	strace $0x8000004E  }
0xb4: {  	_ =	swait.ge [sflag:s29], $0x1  }
0xb5: {  	[sflag:s29] =	ssyncadd.s32 $0xFFFFFFFF  }
0xb6: {  	_ =	strace $0x9000004E  }
0xb7: {  	_ =	sfence  }
0xb8: {  	s30 =	sld [smem:$0x0];
	_ =	sdelay $0x2  }
0xb9: {  	s31 =	sshll.u32 s1, $0xD;
	s1 =	sshrl.u32 s1, $0x2  }
0xba: {  	s3 =	sand.u32 $0x4000, s31;
	s1 =	sadd.s32 s1, s30  }
0xbb: {  	s0 =	sor.u32 s3, s0;
	s1 =	sshll.u32 s1, $0x11  }
0xbc: {  	s0 =	sor.u32 s1, s0  }
0xbd: {  	s0 =	sadd.s32 $0x8F2B, s0  }
0xbe: {  	[sflag:s0] =	ssyncadd.remote.s32 $0x1  }
0xbf: {  	_ =	sfence.sel $0xFFFF  }
0xc0: {  	[dreg:$0x0] =	wrdreg $0xFFFFFFFF;
	(pc) =	sbr.abs _section_cstart, $3  }
0xc1: {  	[dreg:$0x1] =	wrdreg $0xFFFFFFFF  }
0xc2: {  	_ =	task.clear_ibuf [dreg:s7], $0x2FFFF;
	_ =	strace $0x9FFFFFFF  }
0xc3: {  	(tm) =	ssettm $0x7FFFFFFF  }
tec
execute0_lowered:
.L_overlay_start_1:
0x0: {  	(tag) =	ssettag $0x1  }
0x1: {  	s7 =	rddreg [dreg:$0x0]  }
0x2: {  	s13 =	rddreg [dreg:$0x1]  }
0x3: {  	s1 =	rddreg [dreg:$0x2]  }
0x4: {  	s0 =	rddreg [dreg:$0x3]  }
0x5: {  	s2 =	simm.s32 $0x0;
	s4 =	srdreg.scid;
	s16 =	simm.s32 $0x3  }
0x6: {  	s17 =	simm.s32 $0x1400;
	s18 =	simm.s32 $0x7D;
	s19 =	simm.s32 $0x2800  }
0x7: {  	s20 =	simm.s32 $0x80;
	s21 =	simm.s32 $0x6800;
	s22 =	simm.s32 $0x1  }
0x8: {  	s23 =	simm.s32 $0x2;
	s24 =	simm.s32 $0x2700;
	s25 =	simm.s32 $0x2780  }
0x9: {  	[smem:$0x7FF] =	sst s2;
	s3 =	sadd.s32 $0x60E00, s7;
	s12 =	sadd.s32 $0x56E00, s7  }
0xa: {  	s5 =	sadd.s32 $0x4600, s7;
	s8 =	sand.u32 $0x1, s4;
	s4 =	stileid.u32  }
0xb: {  	s9 =	ssub.s32 $0x2, s8;
	s11 =	sshll.u32 s8, $0x4;
	s14 =	smul.u32 $0x50000, s4  }
0xc: {  	p0 =	seq.s32 s8, $0x1;
	s8 =	smul.u32 $0x2800, s4;
	s28 =	sor.u32 s4, s11  }
0xd: {  	s6 =	sadd.s32 $0x88E00, s7;
	s7 =	sadd.s32 $0xB0E00, s7;
	s30 =	smul.u32 $0x500, s28  }
.Ltmp0:
0xe: {  	_ =	strace $0x8000004D;
	s10 =	sshrl.u32 s9, $0x1;
	(pc) =	sbr.rel .LBB2_1-.Ltmp0, $4  }
0xf: {  	s31 =	sshll.u32 s4, $0x6;
	s9 =	ssub.s32 s9, s10;
	s29 =	sshrl.u32 s14, $0x2  }
0x10: {  	s15 =	sadd.s32 s29, s1;
	s9 =	smax.u32 s9, $0x1;
	s10 =	sadd.s32 s12, s30  }
0x11: {  	s11 =	sadd.s32 s13, s30;
	s14 =	sadd.s32 $0x280, s30;
	s15 =	sshrl.u32 s15, $0x3  }
0x12: {  	s12 =	sadd.s32 s12, s14;
	s13 =	sadd.s32 s13, s14;
	s14 =	sor.u32 $0x1C03, s31  }
.LBB2_11:
0x13: {  	[tilespmem:s21], [sflag:$0x1] =	stream.indirect.gather [hbm4b:s3+s18], $0x80, s28, s18, $0xb8;
	[tilespmem:$0x1E800] =	vst v63  }
0x14: {  	s26 =	smov.u32 s7  }
.LBB2_12:
0x15: {  	_ =	swait.ge [sflag:s22], $0x3E80  }
0x16: {  	[sflag:s22] =	ssyncset.done $0x0  }
0x17: {  	[sflag:s22] =	ssyncadd.s32 $0xFFFFC180  }
0x18: {  	[spmem:s1] =	stream.indirect.scatter.add.f32 [tilespmem:s19], [sflag:$0x2], $0x80, s24, s18, $0xb8;
	[tilespmem:$0x1E800] =	vst v63  }
0x19: {  	_ =	swait.ge [sflag:s22], $0x3E80  }
0x1a: {  	[sflag:s22] =	ssyncset.done $0x0  }
0x1b: {  	[sflag:s22] =	ssyncadd.s32 $0xFFFFC180  }
0x1c: {  	[spmem:s1] =	stream.indirect.scatter.add.f32 [tilespmem:s21], [sflag:$0x2], $0x80, s25, s18, $0xb8;
	[tilespmem:$0x1E800] =	vst v63  }
0x1d: {  	_ =	swait.ge [sflag:s23], $0x3E80  }
0x1e: {  	[sflag:s23] =	ssyncset.done $0x0  }
0x1f: {  	[sflag:s23] =	ssyncadd.s32 $0xFFFFC180  }
0x20: {  	_ =	swait.ge [sflag:s23], $0x3E80  }
0x21: {  	s2 =	sadd.s32 $0x1, s2;
	[sflag:s23] =	ssyncset.done $0x0  }
0x22: {  	p1 =	sne.s32 s2, s9;
	[sflag:s23] =	ssyncadd.s32 $0xFFFFC180  }
.Ltmp1:
0x23: {  	s26 =	sadd.s32 s26, s8;
	[bflag:$0x0] =	sbarrier.arrive $0xFFFF;
	(pc) =	sbr.rel @!p1 .LBB2_13-.Ltmp1, $4  }
0x24: {  	[hbm:s26], [sflag:s14] =	dma.local [spmem:s15], $0x2800  }
0x25: {  	_ =	swait.ge [sflag:s16], $0x2800  }
0x26: {  	[sflag:s16] =	ssyncset.done $0x0  }
0x27: {  	[sflag:s16] =	ssyncadd.s32 $0xFFFFD800  }
.LBB2_1:
0x28: {  	[spmem:s15], [sflag:s14] =	dma.local [hbm:s5], $0x2800  }
.Ltmp2:
0x29: {  	_ =	swait.ge [sflag:s16], $0x2800;
	(pc) =	sbr.rel @!p0 .LBB2_2-.Ltmp2, $4  }
0x2a: {  	[sflag:s16] =	ssyncset.done $0x0  }
0x2b: {  	[sflag:s16] =	ssyncadd.s32 $0xFFFFD800  }
0x2c: {  	[bflag:$0x0] =	sbarrier.arrive $0xFFFF  }
0x2d: {  	s26 =	simm.s32 $0x0  }
0x2e: {  	[tilespmem:s26], [sflag:$0x3] =	stream.linear.gather [hbm4b:s10+s26], $0x1400, $0x38;
	[tilespmem:$0x1E800] =	vst v63  }
0x2f: {  	_ =	swait.ge [sflag:s16], $0x1400  }
0x30: {  	[sflag:s16] =	ssyncset.done $0x0  }
0x31: {  	[sflag:s16] =	ssyncadd.s32 $0xFFFFEC00  }
0x32: {  	[tilespmem:s17], [sflag:$0x3] =	stream.linear.gather [hbm4b:s11+s26], $0x1400, $0x38;
	[tilespmem:$0x1E800] =	vst v63  }
0x33: {  	_ =	swait.ge [sflag:s16], $0x1400  }
0x34: {  	[sflag:s16] =	ssyncset.done $0x0  }
0x35: {  	[sflag:s16] =	ssyncadd.s32 $0xFFFFEC00  }
0x36: {  	[tilespmem:s19], [sflag:$0x1] =	stream.indirect.gather [hbm4b:s3+s18], $0x80, s26, s18, $0xb8;
	[tilespmem:$0x1E800] =	vst v63  }
0x37: {  	_ = 	snop  }
0x38: {  	[tilespmem:s21], [sflag:$0x1] =	stream.indirect.gather [hbm4b:s3+s18], $0x80, s20, s18, $0xb8;
	[tilespmem:$0x1E800] =	vst v63  }
0x39: {  	_ =	swait.ge [sflag:s22], $0x3E80  }
0x3a: {  	[sflag:s22] =	ssyncset.done $0x0  }
0x3b: {  	s29 =	simm.s32 $0x1400;
	[sflag:s22] =	ssyncadd.s32 $0xFFFFC180  }
0x3c: {  	[spmem:s1] =	stream.indirect.scatter.add.f32 [tilespmem:s19], [sflag:$0x2], $0x80, s29, s18, $0xb8;
	[tilespmem:$0x1E800] =	vst v63  }
0x3d: {  	_ =	swait.ge [sflag:s22], $0x3E80  }
0x3e: {  	[sflag:s22] =	ssyncset.done $0x0  }
0x3f: {  	s30 =	simm.s32 $0x1480;
	[sflag:s22] =	ssyncadd.s32 $0xFFFFC180  }
0x40: {  	[spmem:s1] =	stream.indirect.scatter.add.f32 [tilespmem:s21], [sflag:$0x2], $0x80, s30, s18, $0xb8;
	[tilespmem:$0x1E800] =	vst v63  }
0x41: {  	_ =	swait.ge [sflag:s23], $0x3E80  }
0x42: {  	[sflag:s23] =	ssyncset.done $0x0  }
0x43: {  	s31 =	simm.s32 $0x100;
	[sflag:s23] =	ssyncadd.s32 $0xFFFFC180  }
0x44: {  	[tilespmem:s19], [sflag:$0x1] =	stream.indirect.gather [hbm4b:s3+s18], $0x80, s31, s18, $0xb8;
	[tilespmem:$0x1E800] =	vst v63  }
0x45: {  	_ =	swait.ge [sflag:s23], $0x3E80  }
0x46: {  	[sflag:s23] =	ssyncset.done $0x0  }
0x47: {  	s28 =	simm.s32 $0x180;
	s26 =	simm.s32 $0x400;
	[sflag:s23] =	ssyncadd.s32 $0xFFFFC180  }
.LBB2_8:
0x48: {  	[tilespmem:s21], [sflag:$0x1] =	stream.indirect.gather [hbm4b:s3+s18], $0x80, s28, s18, $0xb8;
	[tilespmem:$0x1E800] =	vst v63  }
0x49: {  	s28 =	smov.u32 s26  }
0x4a: {  	p1 =	sne.s32 s26, $0x4800;
	s26 =	sadd.s32 $0x400, s26;
	_ =	swait.ge [sflag:s22], $0x3E80  }
0x4b: {  	s28 =	sshra.s32 s28, $0x2;
	[sflag:s22] =	ssyncset.done $0x0  }
0x4c: {  	s29 =	sadd.s32 $0x1400, s28;
	[sflag:s22] =	ssyncadd.s32 $0xFFFFC180  }
0x4d: {  	[spmem:s1] =	stream.indirect.scatter.add.f32 [tilespmem:s19], [sflag:$0x2], $0x80, s29, s18, $0xb8;
	[tilespmem:$0x1E800] =	vst v63  }
0x4e: {  	_ =	swait.ge [sflag:s22], $0x3E80  }
0x4f: {  	[sflag:s22] =	ssyncset.done $0x0  }
0x50: {  	s29 =	sadd.s32 $0x1480, s28;
	[sflag:s22] =	ssyncadd.s32 $0xFFFFC180  }
0x51: {  	[spmem:s1] =	stream.indirect.scatter.add.f32 [tilespmem:s21], [sflag:$0x2], $0x80, s29, s18, $0xb8;
	[tilespmem:$0x1E800] =	vst v63  }
0x52: {  	_ =	swait.ge [sflag:s23], $0x3E80  }
0x53: {  	[sflag:s23] =	ssyncset.done $0x0  }
.Ltmp3:
0x54: {  	s29 =	sadd.s32 $0x100, s28;
	[sflag:s23] =	ssyncadd.s32 $0xFFFFC180;
	(pc) =	sbr.rel @p1 .LBB2_8-.Ltmp3, $4  }
0x55: {  	[tilespmem:s19], [sflag:$0x1] =	stream.indirect.gather [hbm4b:s3+s18], $0x80, s29, s18, $0xb8;
	[tilespmem:$0x1E800] =	vst v63  }
0x56: {  	_ =	swait.ge [sflag:s23], $0x3E80  }
0x57: {  	[sflag:s23] =	ssyncset.done $0x0  }
0x58: {  	s28 =	sadd.s32 $0x180, s28;
	[sflag:s23] =	ssyncadd.s32 $0xFFFFC180  }
0x59: {  	[tilespmem:s21], [sflag:$0x1] =	stream.indirect.gather [hbm4b:s3+s18], $0x80, s28, s18, $0xb8;
	[tilespmem:$0x1E800] =	vst v63  }
0x5a: {  	_ =	swait.ge [sflag:s22], $0x3E80  }
0x5b: {  	[sflag:s22] =	ssyncset.done $0x0  }
0x5c: {  	[sflag:s22] =	ssyncadd.s32 $0xFFFFC180  }
0x5d: {  	[spmem:s1] =	stream.indirect.scatter.add.f32 [tilespmem:s19], [sflag:$0x2], $0x80, s24, s18, $0xb8;
	[tilespmem:$0x1E800] =	vst v63  }
0x5e: {  	_ =	swait.ge [sflag:s22], $0x3E80  }
0x5f: {  	[sflag:s22] =	ssyncset.done $0x0  }
0x60: {  	[sflag:s22] =	ssyncadd.s32 $0xFFFFC180  }
0x61: {  	[spmem:s1] =	stream.indirect.scatter.add.f32 [tilespmem:s21], [sflag:$0x2], $0x80, s25, s18, $0xb8;
	[tilespmem:$0x1E800] =	vst v63  }
0x62: {  	_ =	swait.ge [sflag:s23], $0x3E80  }
0x63: {  	[sflag:s23] =	ssyncset.done $0x0  }
0x64: {  	[sflag:s23] =	ssyncadd.s32 $0xFFFFC180  }
0x65: {  	_ =	swait.ge [sflag:s23], $0x3E80  }
0x66: {  	[sflag:s23] =	ssyncset.done $0x0  }
0x67: {  	s26 =	simm.s32 $0x0;
	[sflag:s23] =	ssyncadd.s32 $0xFFFFC180  }
0x68: {  	[tilespmem:s26], [sflag:$0x3] =	stream.linear.gather [hbm4b:s12+s26], $0x1400, $0x38;
	[tilespmem:$0x1E800] =	vst v63  }
0x69: {  	_ =	swait.ge [sflag:s16], $0x1400  }
0x6a: {  	[sflag:s16] =	ssyncset.done $0x0  }
0x6b: {  	[sflag:s16] =	ssyncadd.s32 $0xFFFFEC00  }
0x6c: {  	[tilespmem:s17], [sflag:$0x3] =	stream.linear.gather [hbm4b:s13+s26], $0x1400, $0x38;
	[tilespmem:$0x1E800] =	vst v63  }
0x6d: {  	_ =	swait.ge [sflag:s16], $0x1400  }
0x6e: {  	[sflag:s16] =	ssyncset.done $0x0  }
0x6f: {  	[sflag:s16] =	ssyncadd.s32 $0xFFFFEC00  }
0x70: {  	[tilespmem:s19], [sflag:$0x1] =	stream.indirect.gather [hbm4b:s3+s18], $0x80, s26, s18, $0xb8;
	[tilespmem:$0x1E800] =	vst v63  }
0x71: {  	_ = 	snop  }
0x72: {  	[tilespmem:s21], [sflag:$0x1] =	stream.indirect.gather [hbm4b:s3+s18], $0x80, s20, s18, $0xb8;
	[tilespmem:$0x1E800] =	vst v63  }
0x73: {  	_ =	swait.ge [sflag:s22], $0x3E80  }
0x74: {  	[sflag:s22] =	ssyncset.done $0x0  }
0x75: {  	s29 =	simm.s32 $0x1400;
	[sflag:s22] =	ssyncadd.s32 $0xFFFFC180  }
0x76: {  	[spmem:s1] =	stream.indirect.scatter.add.f32 [tilespmem:s19], [sflag:$0x2], $0x80, s29, s18, $0xb8;
	[tilespmem:$0x1E800] =	vst v63  }
0x77: {  	_ =	swait.ge [sflag:s22], $0x3E80  }
0x78: {  	[sflag:s22] =	ssyncset.done $0x0  }
0x79: {  	s30 =	simm.s32 $0x1480;
	[sflag:s22] =	ssyncadd.s32 $0xFFFFC180  }
0x7a: {  	[spmem:s1] =	stream.indirect.scatter.add.f32 [tilespmem:s21], [sflag:$0x2], $0x80, s30, s18, $0xb8;
	[tilespmem:$0x1E800] =	vst v63  }
0x7b: {  	_ =	swait.ge [sflag:s23], $0x3E80  }
0x7c: {  	[sflag:s23] =	ssyncset.done $0x0  }
0x7d: {  	s31 =	simm.s32 $0x100;
	[sflag:s23] =	ssyncadd.s32 $0xFFFFC180  }
0x7e: {  	[tilespmem:s19], [sflag:$0x1] =	stream.indirect.gather [hbm4b:s3+s18], $0x80, s31, s18, $0xb8;
	[tilespmem:$0x1E800] =	vst v63  }
0x7f: {  	_ =	swait.ge [sflag:s23], $0x3E80  }
0x80: {  	[sflag:s23] =	ssyncset.done $0x0  }
0x81: {  	s28 =	simm.s32 $0x180;
	s26 =	simm.s32 $0x400;
	[sflag:s23] =	ssyncadd.s32 $0xFFFFC180  }
.LBB2_10:
0x82: {  	[tilespmem:s21], [sflag:$0x1] =	stream.indirect.gather [hbm4b:s3+s18], $0x80, s28, s18, $0xb8;
	[tilespmem:$0x1E800] =	vst v63  }
0x83: {  	s28 =	smov.u32 s26  }
0x84: {  	p1 =	sne.s32 s26, $0x4800;
	s26 =	sadd.s32 $0x400, s26;
	_ =	swait.ge [sflag:s22], $0x3E80  }
0x85: {  	s28 =	sshra.s32 s28, $0x2;
	[sflag:s22] =	ssyncset.done $0x0  }
0x86: {  	s29 =	sadd.s32 $0x1400, s28;
	[sflag:s22] =	ssyncadd.s32 $0xFFFFC180  }
0x87: {  	[spmem:s1] =	stream.indirect.scatter.add.f32 [tilespmem:s19], [sflag:$0x2], $0x80, s29, s18, $0xb8;
	[tilespmem:$0x1E800] =	vst v63  }
0x88: {  	_ =	swait.ge [sflag:s22], $0x3E80  }
0x89: {  	[sflag:s22] =	ssyncset.done $0x0  }
0x8a: {  	s29 =	sadd.s32 $0x1480, s28;
	[sflag:s22] =	ssyncadd.s32 $0xFFFFC180  }
0x8b: {  	[spmem:s1] =	stream.indirect.scatter.add.f32 [tilespmem:s21], [sflag:$0x2], $0x80, s29, s18, $0xb8;
	[tilespmem:$0x1E800] =	vst v63  }
0x8c: {  	_ =	swait.ge [sflag:s23], $0x3E80  }
0x8d: {  	[sflag:s23] =	ssyncset.done $0x0  }
.Ltmp4:
0x8e: {  	s29 =	sadd.s32 $0x100, s28;
	[sflag:s23] =	ssyncadd.s32 $0xFFFFC180;
	(pc) =	sbr.rel @p1 .LBB2_10-.Ltmp4, $4  }
0x8f: {  	[tilespmem:s19], [sflag:$0x1] =	stream.indirect.gather [hbm4b:s3+s18], $0x80, s29, s18, $0xb8;
	[tilespmem:$0x1E800] =	vst v63  }
0x90: {  	_ =	swait.ge [sflag:s23], $0x3E80  }
0x91: {  	[sflag:s23] =	ssyncset.done $0x0  }
0x92: {  	s28 =	sadd.s32 $0x180, s28;
	[sflag:s23] =	ssyncadd.s32 $0xFFFFC180  }
.Ltmp5:
0x93: {  	_ = 	snop;
	(pc) =	sbr.rel .LBB2_11-.Ltmp5, $1  }
0x94: {  	_ =	sdelay $0x3  }
.LBB2_2:
0x95: {  	[tilespmem:s26], [sflag:$0x3] =	stream.linear.gather [hbm4b:s10+s26], $0x1400, $0x38;
	[tilespmem:$0x1E800] =	vst v63  }
0x96: {  	_ =	swait.ge [sflag:s16], $0x1400  }
0x97: {  	[sflag:s16] =	ssyncset.done $0x0  }
0x98: {  	[sflag:s16] =	ssyncadd.s32 $0xFFFFEC00  }
0x99: {  	[tilespmem:s17], [sflag:$0x3] =	stream.linear.gather [hbm4b:s11+s26], $0x1400, $0x38;
	[tilespmem:$0x1E800] =	vst v63  }
0x9a: {  	_ =	swait.ge [sflag:s16], $0x1400  }
0x9b: {  	[sflag:s16] =	ssyncset.done $0x0  }
0x9c: {  	[sflag:s16] =	ssyncadd.s32 $0xFFFFEC00  }
0x9d: {  	[tilespmem:s19], [sflag:$0x1] =	stream.indirect.gather [hbm4b:s3+s18], $0x80, s26, s18, $0xb8;
	[tilespmem:$0x1E800] =	vst v63  }
0x9e: {  	_ = 	snop  }
0x9f: {  	[tilespmem:s21], [sflag:$0x1] =	stream.indirect.gather [hbm4b:s3+s18], $0x80, s20, s18, $0xb8;
	[tilespmem:$0x1E800] =	vst v63  }
0xa0: {  	_ =	swait.ge [sflag:s22], $0x3E80  }
0xa1: {  	[sflag:s22] =	ssyncset.done $0x0  }
0xa2: {  	s29 =	simm.s32 $0x1400;
	[sflag:s22] =	ssyncadd.s32 $0xFFFFC180  }
0xa3: {  	[spmem:s1] =	stream.indirect.scatter.add.f32 [tilespmem:s19], [sflag:$0x2], $0x80, s29, s18, $0xb8;
	[tilespmem:$0x1E800] =	vst v63  }
0xa4: {  	_ =	swait.ge [sflag:s22], $0x3E80  }
0xa5: {  	[sflag:s22] =	ssyncset.done $0x0  }
0xa6: {  	s30 =	simm.s32 $0x1480;
	[sflag:s22] =	ssyncadd.s32 $0xFFFFC180  }
0xa7: {  	[spmem:s1] =	stream.indirect.scatter.add.f32 [tilespmem:s21], [sflag:$0x2], $0x80, s30, s18, $0xb8;
	[tilespmem:$0x1E800] =	vst v63  }
0xa8: {  	_ =	swait.ge [sflag:s23], $0x3E80  }
0xa9: {  	[sflag:s23] =	ssyncset.done $0x0  }
0xaa: {  	s31 =	simm.s32 $0x100;
	[sflag:s23] =	ssyncadd.s32 $0xFFFFC180  }
0xab: {  	[tilespmem:s19], [sflag:$0x1] =	stream.indirect.gather [hbm4b:s3+s18], $0x80, s31, s18, $0xb8;
	[tilespmem:$0x1E800] =	vst v63  }
0xac: {  	_ =	swait.ge [sflag:s23], $0x3E80  }
0xad: {  	[sflag:s23] =	ssyncset.done $0x0  }
0xae: {  	s28 =	simm.s32 $0x180;
	s26 =	simm.s32 $0x400;
	[sflag:s23] =	ssyncadd.s32 $0xFFFFC180  }
.LBB2_3:
0xaf: {  	[tilespmem:s21], [sflag:$0x1] =	stream.indirect.gather [hbm4b:s3+s18], $0x80, s28, s18, $0xb8;
	[tilespmem:$0x1E800] =	vst v63  }
0xb0: {  	s28 =	smov.u32 s26  }
0xb1: {  	p1 =	sne.s32 s26, $0x4800;
	s26 =	sadd.s32 $0x400, s26;
	_ =	swait.ge [sflag:s22], $0x3E80  }
0xb2: {  	s28 =	sshra.s32 s28, $0x2;
	[sflag:s22] =	ssyncset.done $0x0  }
0xb3: {  	s29 =	sadd.s32 $0x1400, s28;
	[sflag:s22] =	ssyncadd.s32 $0xFFFFC180  }
0xb4: {  	[spmem:s1] =	stream.indirect.scatter.add.f32 [tilespmem:s19], [sflag:$0x2], $0x80, s29, s18, $0xb8;
	[tilespmem:$0x1E800] =	vst v63  }
0xb5: {  	_ =	swait.ge [sflag:s22], $0x3E80  }
0xb6: {  	[sflag:s22] =	ssyncset.done $0x0  }
0xb7: {  	s29 =	sadd.s32 $0x1480, s28;
	[sflag:s22] =	ssyncadd.s32 $0xFFFFC180  }
0xb8: {  	[spmem:s1] =	stream.indirect.scatter.add.f32 [tilespmem:s21], [sflag:$0x2], $0x80, s29, s18, $0xb8;
	[tilespmem:$0x1E800] =	vst v63  }
0xb9: {  	_ =	swait.ge [sflag:s23], $0x3E80  }
0xba: {  	[sflag:s23] =	ssyncset.done $0x0  }
.Ltmp6:
0xbb: {  	s29 =	sadd.s32 $0x100, s28;
	[sflag:s23] =	ssyncadd.s32 $0xFFFFC180;
	(pc) =	sbr.rel @p1 .LBB2_3-.Ltmp6, $4  }
0xbc: {  	[tilespmem:s19], [sflag:$0x1] =	stream.indirect.gather [hbm4b:s3+s18], $0x80, s29, s18, $0xb8;
	[tilespmem:$0x1E800] =	vst v63  }
0xbd: {  	_ =	swait.ge [sflag:s23], $0x3E80  }
0xbe: {  	[sflag:s23] =	ssyncset.done $0x0  }
0xbf: {  	s28 =	sadd.s32 $0x180, s28;
	[sflag:s23] =	ssyncadd.s32 $0xFFFFC180  }
0xc0: {  	[tilespmem:s21], [sflag:$0x1] =	stream.indirect.gather [hbm4b:s3+s18], $0x80, s28, s18, $0xb8;
	[tilespmem:$0x1E800] =	vst v63  }
0xc1: {  	_ =	swait.ge [sflag:s22], $0x3E80  }
0xc2: {  	[sflag:s22] =	ssyncset.done $0x0  }
0xc3: {  	[sflag:s22] =	ssyncadd.s32 $0xFFFFC180  }
0xc4: {  	[spmem:s1] =	stream.indirect.scatter.add.f32 [tilespmem:s19], [sflag:$0x2], $0x80, s24, s18, $0xb8;
	[tilespmem:$0x1E800] =	vst v63  }
0xc5: {  	_ =	swait.ge [sflag:s22], $0x3E80  }
0xc6: {  	[sflag:s22] =	ssyncset.done $0x0  }
0xc7: {  	[sflag:s22] =	ssyncadd.s32 $0xFFFFC180  }
0xc8: {  	[spmem:s1] =	stream.indirect.scatter.add.f32 [tilespmem:s21], [sflag:$0x2], $0x80, s25, s18, $0xb8;
	[tilespmem:$0x1E800] =	vst v63  }
0xc9: {  	_ =	swait.ge [sflag:s23], $0x3E80  }
0xca: {  	[sflag:s23] =	ssyncset.done $0x0  }
0xcb: {  	[sflag:s23] =	ssyncadd.s32 $0xFFFFC180  }
0xcc: {  	_ =	swait.ge [sflag:s23], $0x3E80  }
0xcd: {  	[sflag:s23] =	ssyncset.done $0x0  }
0xce: {  	s26 =	simm.s32 $0x0;
	[sflag:s23] =	ssyncadd.s32 $0xFFFFC180  }
0xcf: {  	[tilespmem:s26], [sflag:$0x3] =	stream.linear.gather [hbm4b:s12+s26], $0x1400, $0x38;
	[tilespmem:$0x1E800] =	vst v63  }
0xd0: {  	_ =	swait.ge [sflag:s16], $0x1400  }
0xd1: {  	[sflag:s16] =	ssyncset.done $0x0  }
0xd2: {  	[sflag:s16] =	ssyncadd.s32 $0xFFFFEC00  }
0xd3: {  	[tilespmem:s17], [sflag:$0x3] =	stream.linear.gather [hbm4b:s13+s26], $0x1400, $0x38;
	[tilespmem:$0x1E800] =	vst v63  }
0xd4: {  	_ =	swait.ge [sflag:s16], $0x1400  }
0xd5: {  	[sflag:s16] =	ssyncset.done $0x0  }
0xd6: {  	[sflag:s16] =	ssyncadd.s32 $0xFFFFEC00  }
0xd7: {  	[tilespmem:s19], [sflag:$0x1] =	stream.indirect.gather [hbm4b:s3+s18], $0x80, s26, s18, $0xb8;
	[tilespmem:$0x1E800] =	vst v63  }
0xd8: {  	_ = 	snop  }
0xd9: {  	[tilespmem:s21], [sflag:$0x1] =	stream.indirect.gather [hbm4b:s3+s18], $0x80, s20, s18, $0xb8;
	[tilespmem:$0x1E800] =	vst v63  }
0xda: {  	_ =	swait.ge [sflag:s22], $0x3E80  }
0xdb: {  	[sflag:s22] =	ssyncset.done $0x0  }
0xdc: {  	s29 =	simm.s32 $0x1400;
	[sflag:s22] =	ssyncadd.s32 $0xFFFFC180  }
0xdd: {  	[spmem:s1] =	stream.indirect.scatter.add.f32 [tilespmem:s19], [sflag:$0x2], $0x80, s29, s18, $0xb8;
	[tilespmem:$0x1E800] =	vst v63  }
0xde: {  	_ =	swait.ge [sflag:s22], $0x3E80  }
0xdf: {  	[sflag:s22] =	ssyncset.done $0x0  }
0xe0: {  	s30 =	simm.s32 $0x1480;
	[sflag:s22] =	ssyncadd.s32 $0xFFFFC180  }
0xe1: {  	[spmem:s1] =	stream.indirect.scatter.add.f32 [tilespmem:s21], [sflag:$0x2], $0x80, s30, s18, $0xb8;
	[tilespmem:$0x1E800] =	vst v63  }
0xe2: {  	_ =	swait.ge [sflag:s23], $0x3E80  }
0xe3: {  	[sflag:s23] =	ssyncset.done $0x0  }
0xe4: {  	s31 =	simm.s32 $0x100;
	[sflag:s23] =	ssyncadd.s32 $0xFFFFC180  }
0xe5: {  	[tilespmem:s19], [sflag:$0x1] =	stream.indirect.gather [hbm4b:s3+s18], $0x80, s31, s18, $0xb8;
	[tilespmem:$0x1E800] =	vst v63  }
0xe6: {  	_ =	swait.ge [sflag:s23], $0x3E80  }
0xe7: {  	[sflag:s23] =	ssyncset.done $0x0  }
0xe8: {  	s28 =	simm.s32 $0x180;
	s26 =	simm.s32 $0x400;
	[sflag:s23] =	ssyncadd.s32 $0xFFFFC180  }
.LBB2_5:
0xe9: {  	[tilespmem:s21], [sflag:$0x1] =	stream.indirect.gather [hbm4b:s3+s18], $0x80, s28, s18, $0xb8;
	[tilespmem:$0x1E800] =	vst v63  }
0xea: {  	s28 =	smov.u32 s26  }
0xeb: {  	p1 =	seq.s32 s26, $0x4800;
	s26 =	sadd.s32 $0x400, s26;
	_ =	swait.ge [sflag:s22], $0x3E80  }
0xec: {  	s28 =	sshra.s32 s28, $0x2;
	[sflag:s22] =	ssyncset.done $0x0  }
0xed: {  	s29 =	sadd.s32 $0x1400, s28;
	[sflag:s22] =	ssyncadd.s32 $0xFFFFC180  }
0xee: {  	[spmem:s1] =	stream.indirect.scatter.add.f32 [tilespmem:s19], [sflag:$0x2], $0x80, s29, s18, $0xb8;
	[tilespmem:$0x1E800] =	vst v63  }
0xef: {  	_ =	swait.ge [sflag:s22], $0x3E80  }
0xf0: {  	[sflag:s22] =	ssyncset.done $0x0  }
0xf1: {  	s29 =	sadd.s32 $0x1480, s28;
	[sflag:s22] =	ssyncadd.s32 $0xFFFFC180  }
0xf2: {  	[spmem:s1] =	stream.indirect.scatter.add.f32 [tilespmem:s21], [sflag:$0x2], $0x80, s29, s18, $0xb8;
	[tilespmem:$0x1E800] =	vst v63  }
0xf3: {  	_ =	swait.ge [sflag:s23], $0x3E80  }
0xf4: {  	[sflag:s23] =	ssyncset.done $0x0  }
.Ltmp7:
0xf5: {  	s29 =	sadd.s32 $0x100, s28;
	[sflag:s23] =	ssyncadd.s32 $0xFFFFC180;
	(pc) =	sbr.rel @!p1 .LBB2_5-.Ltmp7, $4  }
0xf6: {  	[tilespmem:s19], [sflag:$0x1] =	stream.indirect.gather [hbm4b:s3+s18], $0x80, s29, s18, $0xb8;
	[tilespmem:$0x1E800] =	vst v63  }
0xf7: {  	_ =	swait.ge [sflag:s23], $0x3E80  }
0xf8: {  	[sflag:s23] =	ssyncset.done $0x0  }
0xf9: {  	s28 =	sadd.s32 $0x180, s28;
	[sflag:s23] =	ssyncadd.s32 $0xFFFFC180  }
.Ltmp8:
0xfa: {  	(pc) =	sbr.rel .LBB2_12-.Ltmp8, $3  }
0xfb: {  	_ =	sdelay $0x1  }
0xfc: {  	[tilespmem:s21], [sflag:$0x1] =	stream.indirect.gather [hbm4b:s3+s18], $0x80, s28, s18, $0xb8;
	[tilespmem:$0x1E800] =	vst v63  }
0xfd: {  	s26 =	smov.u32 s6  }
.LBB2_13:
0xfe: {  	_ =	sfence.sel $0x180000  }
0xff: {  	[bflag:$0x0] =	sbarrier.arrive $0xFFFF  }
0x100: {  	p0 =	sne.s32 s4, $0x0;
	_ =	strace $0x9000004D  }
0x101: {  	s0 =	sadd.s32 @!p0 $0x100000, s0;
	[bflag:$0x2] =	sbarrier.arrive $0xFFFF  }
0x102: {  	[sflag:s0] =	ssyncadd.tile.s32 @!p0 $0x1;
	_ =	shalt  }
.Lfunc_end2:
_tile_overlayer_lowered:
.L_overlay_start_2:
0x103: {  	(tag) =	ssettag $0x2  }
0x104: {  	s0 =	rddreg [dreg:$0x0];
	s2 =	stileid.u32  }
0x105: {  	s1 =	rddreg [dreg:$0x1];
	p0 =	sne.s32 s2, $0x0  }
0x106: {  	s3 =	rddreg [dreg:$0x2];
	[bflag:$0x3] =	sbarrier.arrive $0xFFFF;
	s2 =	simm.s32 @!p0 $0x1C03  }
0x107: {  	[timem:s3], [sflag:s2] =	dma.local @!p0 [hbm:s0], s1  }
0x108: {  	s0 =	simm.s32 @!p0 $0x3  }
0x109: {  	_ =	swait.ge @!p0 [sflag:s0], s1  }
0x10a: {  	s1 =	ssub.s32 @!p0 $0x0, s1;
	[sflag:s0] =	ssyncset.done @!p0 $0x0  }
0x10b: {  	[sflag:s0] =	ssyncadd.s32 @!p0 s1  }
0x10c: {  	[bflag:$0x3] =	sbarrier.arrive $0xFFFF  }
0x10d: {  	_ =	shalt  }

// kernel: kernel.8.cloned.1.call-start
scs
__scs_entry_jumppad:
0x0: {  	(pc) =	sbr.rel $0x88, $3  }
0x1: {  	(tag) =	ssettag $0x0;
	lr =	simm.s32 $0x1  }
0x2: {  	[smem:$0x3F9B] =	sst lr;
	_ =	strace $0xD0000000  }
0x3: {  	_ = 	snop  }
0x4: {  	_ = 	snop  }
0x5: {  	_ = 	snop  }
0x6: {  	_ = 	snop  }
0x7: {  	_ = 	snop  }
__scs_overlays_trampoline_lowered:
0x8: {  	[smem:$0x3FAA] =	sst s0  }
0x9: {  	[smem:$0x3FAB] =	sst s1  }
0xa: {  	[smem:$0x3FAC] =	sst s2  }
0xb: {  	[smem:$0x3FAD] =	sst s3  }
0xc: {  	[smem:$0x3FAE] =	sst s4  }
0xd: {  	[smem:$0x3FAF] =	sst s5  }
0xe: {  	[smem:$0x3FB0] =	sst s6  }
0xf: {  	[smem:$0x3FB1] =	sst s7  }
0x10: {  	[smem:$0x3FB2] =	sst s8  }
0x11: {  	[smem:$0x3FB3] =	sst s9;
	s0 =	simm.s32 @!p0 $0x0  }
0x12: {  	s1 =	sld [smem:$0x3F99];
	s0 =	simm.s32 @p0 $0x1  }
0x13: {  	[smem:$0x3FB4] =	sst s0;
	s0 =	simm.s32 @!p1 $0x0  }
0x14: {  	s2 =	sld [smem:$0x3F98];
	s0 =	simm.s32 @p1 $0x1  }
0x15: {  	[smem:$0x3FB5] =	sst s0;
	s0 =	simm.s32 @!p2 $0x0  }
0x16: {  	s3 =	sld [smem:$0x3FDB];
	s0 =	simm.s32 @p2 $0x1  }
0x17: {  	s4 =	simm.s32 $0x1BF5;
	[smem:$0x3FB7] =	sst s0  }
0x18: {  	s0 =	sld [smem:$0x3F9A];
	_ =	swait.ge [sflag:s4], $0x0  }
0x19: {  	s7 =	sld [smem:$0x3F9B]  }
0x1a: {  	s8 =	sadd.s32 $0xFFFFE003, lr  }
0x1b: {  	s9 =	sadd.s32 $0xFFFFFEF7, lr;
	s5 =	simm.s32 $0xFFFFFFFF;
	p2 =	slt.u32 s8, $0xFFFFF086  }
0x1c: {  	p1 =	slt.u32 s9, $0xF7A;
	s5 =	simm.s32 @!p2 $0x0  }
0x1d: {  	s5 =	simm.s32 @p1 $0x1;
	p0 =	seq.s32 s7, s2  }
0x1e: {  	s7 =	smul.u32 @!p0 $0xF7A, s2;
	p2 =	seq.s32 @!p0 s5, $0x0  }
0x1f: {  	s9 =	smul.u32 $0xF7A, s1;
	s8 =	simm.s32 @!p0 $0x1BF5;
	p2 =	por !p2, p0  }
0x20: {  	[sflag:s8] =	ssyncset.s32 @!p0 $0xFFFFF086;
	s6 =	sadd.s32 @!p0 s3, s7;
	s7 =	simm.s32 @!p0 $0x108  }
0x21: {  	s3 =	sadd.s32 s3, s9;
	s6 =	sadd.s32 @!p0 $0x88, s6;
	s7 =	simm.s32 @p2 $0x1082  }
0x22: {  	[simem:s7], [sflag:s8] =	dma.local @!p0 [hbm:s6], $0xF7A  }
0x23: {  	s9 =	sor.u32 $0xD0000000, s2;
	s6 =	simm.s32 $0x108;
	_ =	swait.ge @!p0 [sflag:s8], $0x0  }
0x24: {  	s3 =	sadd.s32 $0x88, s3;
	s6 =	simm.s32 @!p1 $0x1082;
	[sflag:s4] =	ssyncset.s32 $0xFFFFF086  }
0x25: {  	[simem:s6], [sflag:s4] =	dma.local [hbm:s3], $0xF7A  }
0x26: {  	[smem:$0x3F9B] =	sst s1;
	(tag) =	ssettag s2;
	_ =	strace s9  }
0x27: {  	s1 =	sld [smem:$0x3FAB]  }
0x28: {  	s2 =	sld [smem:$0x3FAC]  }
0x29: {  	s4 =	sld [smem:$0x3FAE]  }
0x2a: {  	p0 =	seq.s32 s5, $0x0;
	s5 =	sld [smem:$0x3FAF]  }
0x2b: {  	s6 =	sld [smem:$0x3FB0]  }
0x2c: {  	s7 =	sld [smem:$0x3FB1]  }
0x2d: {  	s3 =	simm.s32 $0x108;
	s8 =	sld [smem:$0x3FB2]  }
0x2e: {  	s3 =	simm.s32 @!p0 $0x1082;
	s9 =	sld [smem:$0x3FB3]  }
0x2f: {  	lr =	sadd.s32 s0, s3;
	s0 =	sld [smem:$0x3FAA]  }
0x30: {  	s3 =	sld [smem:$0x3FAD]  }
0x31: {  	[smem:$0x3FB6] =	sst s10  }
0x32: {  	s10 =	sld [smem:$0x3FB4];
	_ =	sdelay $0x3  }
0x33: {  	p0 =	seq.s32 s10, $0x1;
	s10 =	sld [smem:$0x3FB6];
	_ =	sdelay $0x3  }
0x34: {  	[smem:$0x3FB6] =	sst s10  }
0x35: {  	s10 =	sld [smem:$0x3FB5];
	_ =	sdelay $0x3  }
0x36: {  	p1 =	seq.s32 s10, $0x1;
	s10 =	sld [smem:$0x3FB6];
	_ =	sdelay $0x3  }
0x37: {  	[smem:$0x3FB6] =	sst s10  }
0x38: {  	s10 =	sld [smem:$0x3FB7]  }
0x39: {  	_ = 	snop;
	(pc) =	sbr.ind lr, $3  }
0x3a: {  	_ = 	snop  }
0x3b: {  	_ = 	snop  }
0x3c: {  	p2 =	seq.s32 s10, $0x1;
	s10 =	sld [smem:$0x3FB6]  }
0x3d: {  	_ =	shalt  }
0x3e: {  	_ =	shalt  }
0x3f: {  	_ =	shalt  }
0x40: {  	_ =	shalt  }
0x41: {  	_ =	shalt  }
0x42: {  	_ =	shalt  }
0x43: {  	_ =	shalt  }
0x44: {  	_ =	shalt  }
0x45: {  	_ =	shalt  }
0x46: {  	_ =	shalt  }
0x47: {  	_ =	shalt  }
0x48: {  	_ =	shalt  }
0x49: {  	_ =	shalt  }
0x4a: {  	_ =	shalt  }
0x4b: {  	_ =	shalt  }
0x4c: {  	_ =	shalt  }
0x4d: {  	_ =	shalt  }
0x4e: {  	_ =	shalt  }
0x4f: {  	_ =	shalt  }
0x50: {  	_ =	shalt  }
0x51: {  	_ =	shalt  }
0x52: {  	_ =	shalt  }
0x53: {  	_ =	shalt  }
0x54: {  	_ =	shalt  }
0x55: {  	_ =	shalt  }
0x56: {  	_ =	shalt  }
0x57: {  	_ =	shalt  }
0x58: {  	_ =	shalt  }
0x59: {  	_ =	shalt  }
0x5a: {  	_ =	shalt  }
0x5b: {  	_ =	shalt  }
0x5c: {  	_ =	shalt  }
0x5d: {  	_ =	shalt  }
0x5e: {  	_ =	shalt  }
0x5f: {  	_ =	shalt  }
0x60: {  	_ =	shalt  }
0x61: {  	_ =	shalt  }
0x62: {  	_ =	shalt  }
0x63: {  	_ =	shalt  }
0x64: {  	_ =	shalt  }
0x65: {  	_ =	shalt  }
0x66: {  	_ =	shalt  }
0x67: {  	_ =	shalt  }
0x68: {  	_ =	shalt  }
0x69: {  	_ =	shalt  }
0x6a: {  	_ =	shalt  }
0x6b: {  	_ =	shalt  }
0x6c: {  	_ =	shalt  }
0x6d: {  	_ =	shalt  }
0x6e: {  	_ =	shalt  }
0x6f: {  	_ =	shalt  }
0x70: {  	_ =	shalt  }
0x71: {  	_ =	shalt  }
0x72: {  	_ =	shalt  }
0x73: {  	_ =	shalt  }
0x74: {  	_ =	shalt  }
0x75: {  	_ =	shalt  }
0x76: {  	_ =	shalt  }
0x77: {  	_ =	shalt  }
0x78: {  	_ =	shalt  }
0x79: {  	_ =	shalt  }
0x7a: {  	_ =	shalt  }
0x7b: {  	_ =	shalt  }
0x7c: {  	_ =	shalt  }
0x7d: {  	_ =	shalt  }
0x7e: {  	_ =	shalt  }
0x7f: {  	_ =	shalt  }
0x80: {  	_ =	shalt  }
0x81: {  	_ =	shalt  }
0x82: {  	_ =	shalt  }
0x83: {  	_ =	shalt  }
0x84: {  	_ =	shalt  }
0x85: {  	_ =	shalt  }
0x86: {  	_ =	shalt  }
0x87: {  	_ =	shalt  }
.Lfunc_end0:
.L_simem_size_0:
called_computation_lowered:
.L_overlay_start_0:
0x88: {  	s2 =	sld [smem:$0x3FD9]  }
0x89: {  	s3 =	sld [smem:$0x3FFE];
	_ =	sdelay $0x1  }
0x8a: {  	s1 =	srdreg.scid  }
0x8b: {  	s0 =	sand.u32 $0x1, s1  }
0x8c: {  	s17 =	sshll.u32 s0, $0xA;
	s2 =	sadd.s32 s3, s2  }
0x8d: {  	s2 =	sadd.s32 s2, s17  }
0x8e: {  	[smem:$0x3FC2] =	sst s2  }
0x8f: {  	_ = 	snop  }
0x90: {  	s2 =	sld [smem:$0x3FD0];
	(tm) =	ssettm $0x1  }
0x91: {  	s18 =	sld [smem:$0x3FFB];
	_ =	sdelay $0x3  }
0x92: {  	_ =	strace s18  }
0x93: {  	s3 =	sld [smem:$0x3FFC];
	_ =	sdelay $0x3  }
0x94: {  	_ =	strace s3  }
0x95: {  	s3 =	sld [smem:$0x3FFD];
	_ =	sdelay $0x3  }
0x96: {  	_ =	strace s3  }
0x97: {  	_ =	strace $0x8FFFFFFF  }
0x98: {  	s19 =	sld [smem:$0x3FDB];
	_ =	sdelay $0x1  }
0x99: {  	s4 =	simm.s32 $_scs_section_size  }
0x9a: {  	s5 =	simm.s32 $_size__tile_overlayer_lowered;
	s6 =	simm.s32 $_tile_overlayer_lowered  }
0x9b: {  	s22 =	simm.s32 $0x1BFF;
	s21 =	sshll.u32 s6, $0x1;
	s3 =	sadd.s32 s4, s19  }
0x9c: {  	s7 =	simm.s32 $0x0;
	s20 =	sshll.u32 s5, $0x1;
	s5 =	sadd.s32 s21, s3  }
0x9d: {  	[timem:s7], [sflag:s22] =	dma.local [hbm:s5], s20  }
0x9e: {  	_ =	swait.ge [sflag:s22], s20  }
0x9f: {  	s4 =	ssub.s32 $0x0, s20;
	[sflag:s22] =	ssyncset.done $0x0  }
0xa0: {  	[sflag:s22] =	ssyncadd.s32 s4;
	_ =	sdelay $0x1  }
0xa1: {  	s23 =	simm.s32 $0x1B8B  }
0xa2: {  	_ =	swait.ge [sflag:s23], $0x1  }
0xa3: {  	[sflag:s23] =	ssyncset.done $0x0  }
0xa4: {  	s25 =	simm.s32 $0x1B8E;
	s24 =	sld [smem:$0x3FFE];
	[sflag:s23] =	ssyncadd.s32 $0xFFFFFFFF  }
0xa5: {  	s26 =	simm.s32 $execute0_lowered;
	[smem:$0x3FD2] =	sst s25  }
0xa6: {  	s5 =	sshll.u32 s26, $0x1;
	_ =	strace $0x80000046;
	[dreg:$0x1] =	wrdreg $0xFFFFFFFF  }
0xa7: {  	s28 =	simm.s32 $_size_execute0_lowered;
	s3 =	sadd.s32 s3, s5;
	[dreg:$0x0] =	wrdreg $0x0  }
0xa8: {  	s5 =	sshll.u32 s28, $0x1;
	[dreg:$0x2] =	wrdreg s3  }
0xa9: {  	[dreg:$0x3] =	wrdreg s5  }
0xaa: {  	[dreg:$0x4] =	wrdreg $0xC0  }
0xab: {  	_ =	task [dreg:s7], $0x5FFFF  }
0xac: {  	[dreg:$0x1] =	wrdreg $0xFFFFFFFF  }
0xad: {  	[dreg:$0x0] =	wrdreg $0x60  }
0xae: {  	[dreg:$0x2] =	wrdreg s2  }
0xaf: {  	[dreg:$0x3] =	wrdreg s24  }
0xb0: {  	[dreg:$0x4] =	wrdreg $0x68000  }
0xb1: {  	[dreg:$0x5] =	wrdreg $0x9  }
0xb2: {  	_ =	task.clear_ibuf [dreg:s7], $0x6FFFF;
	_ =	strace $0x90000046  }
0xb3: {  	s29 =	simm.s32 $0x9;
	_ =	strace $0x80000048  }
0xb4: {  	_ =	swait.ge [sflag:s29], $0x1  }
0xb5: {  	[sflag:s29] =	ssyncadd.s32 $0xFFFFFFFF  }
0xb6: {  	_ =	strace $0x90000048  }
0xb7: {  	_ =	sfence  }
0xb8: {  	s30 =	sld [smem:$0x0];
	_ =	sdelay $0x2  }
0xb9: {  	s31 =	sshll.u32 s1, $0xD;
	s1 =	sshrl.u32 s1, $0x2  }
0xba: {  	s3 =	sand.u32 $0x4000, s31;
	s1 =	sadd.s32 s1, s30  }
0xbb: {  	s0 =	sor.u32 s3, s0;
	s1 =	sshll.u32 s1, $0x11  }
0xbc: {  	s0 =	sor.u32 s1, s0  }
0xbd: {  	s0 =	sadd.s32 $0x8F2B, s0  }
0xbe: {  	[sflag:s0] =	ssyncadd.remote.s32 $0x1  }
0xbf: {  	_ =	sfence.sel $0xFFFF  }
0xc0: {  	[dreg:$0x0] =	wrdreg $0xFFFFFFFF;
	(pc) =	sbr.abs _section_cstart, $3  }
0xc1: {  	[dreg:$0x1] =	wrdreg $0xFFFFFFFF  }
0xc2: {  	_ =	task.clear_ibuf [dreg:s7], $0x2FFFF;
	_ =	strace $0x9FFFFFFF  }
0xc3: {  	(tm) =	ssettm $0x7FFFFFFF  }
tec
execute0_lowered:
.L_overlay_start_1:
0x0: {  	(tag) =	ssettag $0x1  }
0x1: {  	s9 =	rddreg [dreg:$0x0]  }
0x2: {  	s8 =	rddreg [dreg:$0x1]  }
0x3: {  	s1 =	rddreg [dreg:$0x2]  }
0x4: {  	s0 =	rddreg [dreg:$0x3];
	s3 =	simm.s32 $0x0  }
0x5: {  	s4 =	srdreg.scid;
	s2 =	stileid.u32;
	s16 =	simm.s32 $0x7D  }
0x6: {  	s17 =	simm.s32 $0x80;
	s18 =	simm.s32 $0x100;
	s19 =	simm.s32 $0x180  }
0x7: {  	s20 =	simm.s32 $0x200;
	s21 =	simm.s32 $0x280;
	s22 =	simm.s32 $0x300  }
0x8: {  	s23 =	simm.s32 $0x380;
	s24 =	simm.s32 $0x1;
	s25 =	simm.s32 $0x0  }
0x9: {  	[smem:$0x7FF] =	sst s3;
	s10 =	sand.u32 $0x1, s4;
	s12 =	smul.u32 $0x50000, s2  }
0xa: {  	s4 =	sadd.s32 $0x3E00, s8;
	s5 =	sadd.s32 $0x4600, s8;
	s6 =	smul.u32 $0x2800, s2  }
0xb: {  	s7 =	sadd.s32 $0x6E00, s8;
	s8 =	sadd.s32 $0x2EE00, s8;
	s29 =	smul.u32 $0x500, s2  }
0xc: {  	s31 =	sshll.u32 s2, $0x6;
	_ =	strace $0x80000047;
	s11 =	ssub.s32 $0x2, s10  }
.Ltmp0:
0xd: {  	p0 =	seq.s32 s10, $0x1;
	s13 =	sshrl.u32 s11, $0x1;
	(pc) =	sbr.rel .LBB2_1-.Ltmp0, $4  }
0xe: {  	s12 =	sshrl.u32 s12, $0x2;
	s14 =	sshrl.u32 s6, $0x3;
	s11 =	ssub.s32 s11, s13  }
0xf: {  	s15 =	sadd.s32 s12, s1;
	s30 =	sadd.s32 s9, s14;
	s9 =	sadd.s32 s9, s29  }
0x10: {  	s12 =	sor.u32 $0x1C02, s31;
	s14 =	simm.s32 $0x2;
	s10 =	sadd.s32 $0x5000, s30  }
0x11: {  	s11 =	smax.u32 s11, $0x1;
	s13 =	sshrl.u32 s15, $0x3;
	s15 =	simm.s32 $0x2800  }
.LBB2_7:
0x12: {  	[sflag:s24] =	ssyncadd.s32 $0xFFFFC180;
	s26 =	smov.u32 s8  }
.LBB2_8:
0x13: {  	_ =	swait.ge [sflag:s24], $0x3E80  }
0x14: {  	[sflag:s24] =	ssyncset.done $0x0  }
0x15: {  	[sflag:s24] =	ssyncadd.s32 $0xFFFFC180  }
0x16: {  	_ =	swait.ge [sflag:s24], $0x3E80  }
0x17: {  	[sflag:s24] =	ssyncset.done $0x0  }
0x18: {  	[sflag:s24] =	ssyncadd.s32 $0xFFFFC180  }
0x19: {  	_ =	swait.ge [sflag:s24], $0x3E80  }
0x1a: {  	[sflag:s24] =	ssyncset.done $0x0  }
0x1b: {  	[sflag:s24] =	ssyncadd.s32 $0xFFFFC180  }
0x1c: {  	_ =	swait.ge [sflag:s24], $0x3E80  }
0x1d: {  	[sflag:s24] =	ssyncset.done $0x0  }
0x1e: {  	[sflag:s24] =	ssyncadd.s32 $0xFFFFC180  }
0x1f: {  	_ =	swait.ge [sflag:s24], $0x3E80  }
0x20: {  	[sflag:s24] =	ssyncset.done $0x0  }
0x21: {  	[sflag:s24] =	ssyncadd.s32 $0xFFFFC180  }
0x22: {  	_ =	swait.ge [sflag:s24], $0x3E80  }
0x23: {  	[sflag:s24] =	ssyncset.done $0x0  }
0x24: {  	[sflag:s24] =	ssyncadd.s32 $0xFFFFC180  }
0x25: {  	_ =	swait.ge [sflag:s24], $0x3E80  }
0x26: {  	[sflag:s24] =	ssyncset.done $0x0  }
0x27: {  	[sflag:s24] =	ssyncadd.s32 $0xFFFFC180  }
0x28: {  	_ =	swait.ge [sflag:s24], $0x3E80  }
0x29: {  	s25 =	sadd.s32 $0x1, s25;
	[sflag:s24] =	ssyncset.done $0x0  }
0x2a: {  	p1 =	sne.s32 s25, s11;
	[sflag:s24] =	ssyncadd.s32 $0xFFFFC180  }
.Ltmp1:
0x2b: {  	s26 =	sadd.s32 s26, s6;
	[bflag:$0x0] =	sbarrier.arrive $0xFFFF;
	(pc) =	sbr.rel @!p1 .LBB2_9-.Ltmp1, $4  }
0x2c: {  	[hbm:s26], [sflag:s12] =	dma.local [spmem:s13], $0x2800  }
0x2d: {  	_ =	swait.ge [sflag:s14], $0x2800  }
0x2e: {  	[sflag:s14] =	ssyncset.done $0x0  }
0x2f: {  	[sflag:s14] =	ssyncadd.s32 $0xFFFFD800  }
.LBB2_1:
0x30: {  	[spmem:s13], [sflag:s12] =	dma.local [hbm:s5], $0x2800  }
0x31: {  	_ =	swait.ge [sflag:s14], $0x2800  }
0x32: {  	[sflag:s14] =	ssyncset.done $0x0  }
.Ltmp2:
0x33: {  	[sflag:s14] =	ssyncadd.s32 $0xFFFFD800;
	(pc) =	sbr.rel @!p0 .LBB2_2-.Ltmp2, $4  }
0x34: {  	[tilespmem:s15], [sflag:$0x2] =	stream.linear.gather [hbm4b:s4+s3], $0x3E80, $0x38;
	[tilespmem:$0x1A800] =	vst v63  }
0x35: {  	_ =	swait.ge [sflag:s14], $0x3E80  }
0x36: {  	[sflag:s14] =	ssyncset.done $0x0  }
0x37: {  	[sflag:s14] =	ssyncadd.s32 $0xFFFFC180  }
0x38: {  	[tilespmem:s3], [sflag:$0x2] =	stream.linear.gather [hbm4b:s10+s3], $0x2800, $0x38;
	[tilespmem:$0x1A800] =	vst v63  }
0x39: {  	_ =	swait.ge [sflag:s14], $0x2800  }
0x3a: {  	[sflag:s14] =	ssyncset.done $0x0  }
0x3b: {  	[sflag:s14] =	ssyncadd.s32 $0xFFFFD800  }
0x3c: {  	[bflag:$0x0] =	sbarrier.arrive $0xFFFF  }
0x3d: {  	[spmem:s1] =	stream.indirect.scatter.add.f32 [tilespmem:s15], [sflag:$0x1], $0x80, s3, s16, $0xb8;
	[tilespmem:$0x1A800] =	vst v63  }
0x3e: {  	_ = 	snop  }
0x3f: {  	[spmem:s1] =	stream.indirect.scatter.add.f32 [tilespmem:s15], [sflag:$0x1], $0x80, s17, s16, $0xb8;
	[tilespmem:$0x1A800] =	vst v63  }
0x40: {  	_ = 	snop  }
0x41: {  	[spmem:s1] =	stream.indirect.scatter.add.f32 [tilespmem:s15], [sflag:$0x1], $0x80, s18, s16, $0xb8;
	[tilespmem:$0x1A800] =	vst v63  }
0x42: {  	_ = 	snop  }
0x43: {  	[spmem:s1] =	stream.indirect.scatter.add.f32 [tilespmem:s15], [sflag:$0x1], $0x80, s19, s16, $0xb8;
	[tilespmem:$0x1A800] =	vst v63  }
0x44: {  	_ = 	snop  }
0x45: {  	[spmem:s1] =	stream.indirect.scatter.add.f32 [tilespmem:s15], [sflag:$0x1], $0x80, s20, s16, $0xb8;
	[tilespmem:$0x1A800] =	vst v63  }
0x46: {  	_ = 	snop  }
0x47: {  	[spmem:s1] =	stream.indirect.scatter.add.f32 [tilespmem:s15], [sflag:$0x1], $0x80, s21, s16, $0xb8;
	[tilespmem:$0x1A800] =	vst v63  }
0x48: {  	_ = 	snop  }
0x49: {  	[spmem:s1] =	stream.indirect.scatter.add.f32 [tilespmem:s15], [sflag:$0x1], $0x80, s22, s16, $0xb8;
	[tilespmem:$0x1A800] =	vst v63  }
0x4a: {  	_ = 	snop  }
0x4b: {  	[spmem:s1] =	stream.indirect.scatter.add.f32 [tilespmem:s15], [sflag:$0x1], $0x80, s23, s16, $0xb8;
	[tilespmem:$0x1A800] =	vst v63  }
0x4c: {  	s26 =	simm.s32 $0x400  }
0x4d: {  	[spmem:s1] =	stream.indirect.scatter.add.f32 [tilespmem:s15], [sflag:$0x1], $0x80, s26, s16, $0xb8;
	[tilespmem:$0x1A800] =	vst v63  }
0x4e: {  	_ =	swait.ge [sflag:s24], $0x3E80  }
0x4f: {  	s26 =	simm.s32 $0x1200;
	[sflag:s24] =	ssyncset.done $0x0  }
.LBB2_6:
0x50: {  	s28 =	sshra.s32 s26, $0x2;
	[sflag:s24] =	ssyncadd.s32 $0xFFFFC180;
	p1 =	sne.s32 s26, $0x9E00  }
0x51: {  	[spmem:s1] =	stream.indirect.scatter.add.f32 [tilespmem:s15], [sflag:$0x1], $0x80, s28, s16, $0xb8;
	[tilespmem:$0x1A800] =	vst v63  }
.Ltmp3:
0x52: {  	_ = 	snop;
	(pc) =	sbr.rel @p1 .LBB2_6-.Ltmp3, $4  }
0x53: {  	_ = 	snop  }
0x54: {  	s26 =	sadd.s32 $0x200, s26  }
0x55: {  	_ =	swait.ge [sflag:s24], $0x3E80  }
0x56: {  	[sflag:s24] =	ssyncset.done $0x0  }
.Ltmp4:
0x57: {  	_ = 	snop;
	(pc) =	sbr.rel .LBB2_7-.Ltmp4, $1  }
0x58: {  	_ =	sdelay $0x3  }
.LBB2_2:
0x59: {  	[tilespmem:s3], [sflag:$0x2] =	stream.linear.gather [hbm4b:s9+s3], $0x2800, $0x38;
	[tilespmem:$0x1A800] =	vst v63  }
0x5a: {  	_ =	swait.ge [sflag:s14], $0x2800  }
0x5b: {  	[sflag:s14] =	ssyncset.done $0x0  }
0x5c: {  	[sflag:s14] =	ssyncadd.s32 $0xFFFFD800  }
0x5d: {  	[bflag:$0x0] =	sbarrier.arrive $0xFFFF  }
0x5e: {  	[spmem:s1] =	stream.indirect.scatter.add.f32 [tilespmem:s15], [sflag:$0x1], $0x80, s3, s16, $0xb8;
	[tilespmem:$0x1A800] =	vst v63  }
0x5f: {  	_ = 	snop  }
0x60: {  	[spmem:s1] =	stream.indirect.scatter.add.f32 [tilespmem:s15], [sflag:$0x1], $0x80, s17, s16, $0xb8;
	[tilespmem:$0x1A800] =	vst v63  }
0x61: {  	_ = 	snop  }
0x62: {  	[spmem:s1] =	stream.indirect.scatter.add.f32 [tilespmem:s15], [sflag:$0x1], $0x80, s18, s16, $0xb8;
	[tilespmem:$0x1A800] =	vst v63  }
0x63: {  	_ = 	snop  }
0x64: {  	[spmem:s1] =	stream.indirect.scatter.add.f32 [tilespmem:s15], [sflag:$0x1], $0x80, s19, s16, $0xb8;
	[tilespmem:$0x1A800] =	vst v63  }
0x65: {  	_ = 	snop  }
0x66: {  	[spmem:s1] =	stream.indirect.scatter.add.f32 [tilespmem:s15], [sflag:$0x1], $0x80, s20, s16, $0xb8;
	[tilespmem:$0x1A800] =	vst v63  }
0x67: {  	_ = 	snop  }
0x68: {  	[spmem:s1] =	stream.indirect.scatter.add.f32 [tilespmem:s15], [sflag:$0x1], $0x80, s21, s16, $0xb8;
	[tilespmem:$0x1A800] =	vst v63  }
0x69: {  	_ = 	snop  }
0x6a: {  	[spmem:s1] =	stream.indirect.scatter.add.f32 [tilespmem:s15], [sflag:$0x1], $0x80, s22, s16, $0xb8;
	[tilespmem:$0x1A800] =	vst v63  }
0x6b: {  	_ = 	snop  }
0x6c: {  	[spmem:s1] =	stream.indirect.scatter.add.f32 [tilespmem:s15], [sflag:$0x1], $0x80, s23, s16, $0xb8;
	[tilespmem:$0x1A800] =	vst v63  }
0x6d: {  	s26 =	simm.s32 $0x400  }
0x6e: {  	[spmem:s1] =	stream.indirect.scatter.add.f32 [tilespmem:s15], [sflag:$0x1], $0x80, s26, s16, $0xb8;
	[tilespmem:$0x1A800] =	vst v63  }
0x6f: {  	_ =	swait.ge [sflag:s24], $0x3E80  }
0x70: {  	s26 =	simm.s32 $0x1200;
	[sflag:s24] =	ssyncset.done $0x0  }
.LBB2_3:
0x71: {  	s28 =	sshra.s32 s26, $0x2;
	[sflag:s24] =	ssyncadd.s32 $0xFFFFC180;
	p1 =	seq.s32 s26, $0x9E00  }
0x72: {  	[spmem:s1] =	stream.indirect.scatter.add.f32 [tilespmem:s15], [sflag:$0x1], $0x80, s28, s16, $0xb8;
	[tilespmem:$0x1A800] =	vst v63  }
.Ltmp5:
0x73: {  	_ = 	snop;
	(pc) =	sbr.rel @!p1 .LBB2_3-.Ltmp5, $4  }
0x74: {  	_ = 	snop  }
0x75: {  	s26 =	sadd.s32 $0x200, s26  }
0x76: {  	_ =	swait.ge [sflag:s24], $0x3E80  }
0x77: {  	[sflag:s24] =	ssyncset.done $0x0  }
.Ltmp6:
0x78: {  	(pc) =	sbr.rel .LBB2_8-.Ltmp6, $2  }
0x79: {  	_ =	sdelay $0x2  }
0x7a: {  	[sflag:s24] =	ssyncadd.s32 $0xFFFFC180;
	s26 =	smov.u32 s7  }
.LBB2_9:
0x7b: {  	_ =	sfence.sel $0x180000  }
0x7c: {  	[bflag:$0x0] =	sbarrier.arrive $0xFFFF  }
0x7d: {  	p0 =	sne.s32 s2, $0x0;
	_ =	strace $0x90000047  }
0x7e: {  	s0 =	sadd.s32 @!p0 $0x100000, s0;
	[bflag:$0x2] =	sbarrier.arrive $0xFFFF  }
0x7f: {  	[sflag:s0] =	ssyncadd.tile.s32 @!p0 $0x1;
	_ =	shalt  }
.Lfunc_end2:
_tile_overlayer_lowered:
.L_overlay_start_2:
0x80: {  	(tag) =	ssettag $0x2  }
0x81: {  	s0 =	rddreg [dreg:$0x0];
	s2 =	stileid.u32  }
0x82: {  	s1 =	rddreg [dreg:$0x1];
	p0 =	sne.s32 s2, $0x0  }
0x83: {  	s3 =	rddreg [dreg:$0x2];
	[bflag:$0x3] =	sbarrier.arrive $0xFFFF;
	s2 =	simm.s32 @!p0 $0x1C02  }
0x84: {  	[timem:s3], [sflag:s2] =	dma.local @!p0 [hbm:s0], s1  }
0x85: {  	s0 =	simm.s32 @!p0 $0x2  }
0x86: {  	_ =	swait.ge @!p0 [sflag:s0], s1  }
0x87: {  	s1 =	ssub.s32 @!p0 $0x0, s1;
	[sflag:s0] =	ssyncset.done @!p0 $0x0  }
0x88: {  	[sflag:s0] =	ssyncadd.s32 @!p0 s1  }
0x89: {  	[bflag:$0x3] =	sbarrier.arrive $0xFFFF  }
0x8a: {  	_ =	shalt  }

</sc_bundles>
